<compile_context>
chip_gen: v7x
topology: tpu7x:2x2x1
jax: 0.10.2.dev20260603
libtpu: 0.0.44.dev20260713+nightly
codegen_flags: <defaults>
</compile_context>

<pallas_src>
import functools

import jax
import jax.numpy as jnp
from jax import lax
from jax.experimental import pallas as pl
from jax.experimental.pallas import tpu as pltpu
from jax.experimental.pallas import tpu_sc as plsc

_B = 64
_N = 32768
_K = 256
_L = 16
_NV = _N // _L
_H1 = 2048
_H2 = 2048
_H3 = 1024


def _zero_hist(hist, nbuckets):
    @plsc.parallel_loop(0, nbuckets, _L, unroll=8)
    def _(i):
        hist[pl.ds(i, _L)] = jnp.zeros((_L,), jnp.int32)


def _scan_hist(hist, nbuckets, remaining):
    def body(i, carry):
        found, fbase, ftotal, total = carry
        base = nbuckets - 4 * _L * (i + 1)
        acc = hist[pl.ds(base, _L)] + hist[pl.ds(base + _L, _L)]
        acc = acc + (hist[pl.ds(base + 2 * _L, _L)]
                     + hist[pl.ds(base + 3 * _L, _L)])
        ct = jnp.sum(acc)
        hit = jnp.logical_and(found == 0, (total + ct) >= remaining)
        fbase = jnp.where(hit, base, fbase)
        ftotal = jnp.where(hit, total, ftotal)
        found = jnp.where(hit, 1, found)
        total = total + ct
        return (found, fbase, ftotal, total)

    z = jnp.int32(0)
    _, fbase, ftotal, _ = lax.fori_loop(
        0, nbuckets // (4 * _L), body, (z, z, z, z))

    found = jnp.int32(0)
    fstart = jnp.int32(0)
    for r in range(3, -1, -1):
        start = fbase + r * _L
        vt = jnp.sum(hist[pl.ds(start, _L)])
        hit = jnp.logical_and(found == 0, (ftotal + vt) >= remaining)
        advance = jnp.logical_and(found == 0, jnp.logical_not(hit))
        fstart = jnp.where(hit, start, fstart)
        ftotal = jnp.where(advance, ftotal + vt, ftotal)
        found = jnp.where(hit, 1, found)

    lanes = lax.iota(jnp.int32, _L)
    v = hist[pl.ds(fstart, _L)]
    rv = lax.rev(v, (0,))
    c = jnp.cumsum(rv)
    cond = (ftotal + c) >= remaining
    ffs = jnp.int32(_L) - jnp.sum(cond.astype(jnp.int32))
    bucket = fstart + (_L - 1) - ffs
    above = ftotal + jnp.sum(jnp.where(cond, 0, rv))
    cnt_at = jnp.sum(jnp.where(lanes == ffs, rv, 0))
    return bucket, above, cnt_at


def _p1_pass(buf, keys, hist, lo, hi):
    ones = jnp.ones((_L,), jnp.int32)
    int_min = jnp.int32(-(2 ** 31))

    @plsc.parallel_loop(lo, hi, _L, unroll=8)
    def _(i):
        ds = pl.ds(i, _L)
        b = lax.bitcast_convert_type(buf[ds], jnp.int32)
        s = b ^ ((b >> 31) & jnp.int32(0x7FFFFFFF))
        s = jnp.where(b == int_min, 0, s)
        keys[ds] = s
        plsc.addupdate_scatter(hist, [(s >> 21) + 1024], ones)


def _select_row(keys, hist):
    ones = jnp.ones((_L,), jnp.int32)

    b1, above1, _ = _scan_hist(hist, _H1, jnp.int32(_K))
    p1v = b1 - 1024
    rem2 = jnp.int32(_K) - above1

    _zero_hist(hist, _H2)

    @plsc.parallel_loop(0, _N, _L, unroll=8)
    def _(i):
        s = keys[pl.ds(i, _L)]
        plsc.addupdate_scatter(hist, [(s >> 10) & 2047], ones,
                               mask=(s >> 21) == p1v)

    b2, above2, _ = _scan_hist(hist, _H2, rem2)
    prefix2 = (p1v << 11) | b2
    rem3 = rem2 - above2

    _zero_hist(hist, _H3)

    @plsc.parallel_loop(0, _N, _L, unroll=8)
    def _(i):
        s = keys[pl.ds(i, _L)]
        plsc.addupdate_scatter(hist, [s & 1023], ones,
                               mask=(s >> 10) == prefix2)

    b3, above3, cnt_eq = _scan_hist(hist, _H3, rem3)
    tstar = (prefix2 << 10) | b3
    needed = rem3 - above3
    return tstar, needed, cnt_eq


def _emit_row(buf, keys, tstar, needed, cnt_eq, lo=0, hi=_N, run_in=None):
    if run_in is None:
        run_in = jnp.int32(0)
    one_f = jnp.float32(1.0)
    zero_f = jnp.float32(0.0)

    def emit_simple():
        @plsc.parallel_loop(lo, hi, _L, unroll=8)
        def _(i):
            ds = pl.ds(i, _L)
            buf[ds] = jnp.where(keys[ds] >= tstar, one_f, zero_f)
        return run_in

    def emit_tie():
        def e(j, run):
            s = keys[pl.ds(j * _L, _L)]
            eq = s == tstar
            eqi = eq.astype(jnp.int32)
            csum = jnp.cumsum(eqi)
            keep = jnp.logical_and(eq, (run + csum) <= needed)
            m = jnp.logical_or(s > tstar, keep)
            buf[pl.ds(j * _L, _L)] = jnp.where(m, one_f, zero_f)
            return run + jnp.sum(eqi)
        return lax.fori_loop(lo // _L, hi // _L, e, run_in)

    return lax.cond(cnt_eq == needed, emit_simple, emit_tie)


def _make_sc_kernel():
    mesh = plsc.VectorSubcoreMesh(core_axis_name="c", subcore_axis_name="s",
                                  num_cores=2, num_subcores=16)

    @functools.partial(
        pl.kernel,
        out_type=jax.ShapeDtypeStruct((_B, _N), jnp.float32),
        mesh=mesh,
        scratch_types=[
            pltpu.VMEM((_N,), jnp.float32),
            pltpu.VMEM((_N,), jnp.float32),
            pltpu.VMEM((_N,), jnp.int32),
            pltpu.VMEM((_H1,), jnp.int32),
            pltpu.SemaphoreType.DMA,
            pltpu.SemaphoreType.DMA,
        ],
        compiler_params=pltpu.CompilerParams(needs_layout_passes=False),
    )
    def sc_topk_mask(y_hbm, out_hbm, buf_a, buf_b, keys, hist, sem_a, sem_b):
        wid = lax.axis_index("s") * 2 + lax.axis_index("c")
        row0 = wid * 2
        row1 = row0 + 1

        pltpu.async_copy(y_hbm.at[row0], buf_a, sem_a).wait()
        in1 = pltpu.async_copy(y_hbm.at[row1], buf_b, sem_b)

        _zero_hist(hist, _H1)
        _p1_pass(buf_a, keys, hist, 0, _N)
        t0, n0, e0 = _select_row(keys, hist)
        _emit_row(buf_a, keys, t0, n0, e0)
        out0 = pltpu.async_copy(buf_a, out_hbm.at[row0], sem_a)

        in1.wait()
        _zero_hist(hist, _H1)
        _p1_pass(buf_b, keys, hist, 0, _N)
        t1, n1, e1 = _select_row(keys, hist)
        _emit_row(buf_b, keys, t1, n1, e1)
        out0.wait()
        pltpu.async_copy(buf_b, out_hbm.at[row1], sem_b).wait()

    return sc_topk_mask


@jax.jit
def kernel(Yhat):
    return _make_sc_kernel()(Yhat)

# --- scband reference (transcript-rebuilt; emitter-appended) ---
"""Pipeline reference for scband-top-koptimizer-12257836662956 (READ-ONLY COPY).

The authoritative reference and input builder live on the scoring server;
editing this copy changes nothing except your own understanding.
"""

import jax, jax.numpy as jnp
import numpy as np

BUDGET = 256

def setup_inputs(seed: int = 0) -> dict:
    key = jax.random.key(seed)
    Yhat = jax.random.normal(key, (64, 32768), dtype=jnp.float32)
    return {"Yhat": Yhat}

def reference(Yhat):
    # forward of OptimiseTopK: top-k indices -> one-hot -> sum over k -> binary mask Z
    _, Z_indices = jax.lax.top_k(Yhat, BUDGET)  # [B, k]
    # one_hot(Z_indices, N).sum(-2) == scatter 1.0 at the top-k positions (indices are unique)
    B = Yhat.shape[0]
    rows = jnp.arange(B)[:, None]  # [B, 1] broadcast against [B, k]
    Z = jnp.zeros_like(Yhat).at[rows, Z_indices].set(1.0)
    return Z

if __name__ == "__main__":
    import jax
    _d = setup_inputs()
    print(jax.jit(kernel)(*tuple(_d.values())))

</pallas_src>

<mosaic_0001>
#map = affine_map<(d0, d1) -> (0, 0)>
module attributes {stable_mosaic.version = 14 : i64} {
  func.func @sc_topk_mask(%arg0: i32, %arg1: i32, %arg2: memref<64x32768xf32, #tpu.memory_space<hbm>>, %arg3: memref<64x32768xf32, #tpu.memory_space<hbm>>, %arg4: memref<32768xf32, #tpu.memory_space<vmem>>, %arg5: memref<32768xf32, #tpu.memory_space<vmem>>, %arg6: memref<32768xi32, #tpu.memory_space<vmem>>, %arg7: memref<2048xi32, #tpu.memory_space<vmem>>, %arg8: memref<!tpu.dma_semaphore, #tpu.memory_space<semaphore_mem>>, %arg9: memref<!tpu.dma_semaphore, #tpu.memory_space<semaphore_mem>>) attributes {dimension_semantics = [#tpu.dimension_semantics<core_parallel>, #tpu.dimension_semantics<subcore_parallel>], iteration_bounds = array<i64: 2, 16>, scalar_prefetch = 0 : i64, scratch_operands = 6 : i64, tpu.core_type = #tpu.core_type<sc_vector_subcore>, window_params = [{transform_indices = #map}, {transform_indices = #map}]} {
    %mul3A = arith.constant 2 : i32
    %mul3A_0 = arith.muli %arg1, %mul3A : i32
    %add3A = arith.addi %mul3A_0, %arg0 : i32
    %mul3A_1 = arith.constant 2 : i32
    %mul3A_2 = arith.muli %add3A, %mul3A_1 : i32
    %add3A_3 = arith.constant 1 : i32
    %add3A_4 = arith.addi %mul3A_2, %add3A_3 : i32
    %dma_start3A = arith.constant 0 : i32
    %dma_start3A_5 = tpu.memref_slice %arg2[%mul3A_2, %dma_start3A] : memref<64x32768xf32, #tpu.memory_space<hbm>> -> memref<1x32768xf32, #tpu.memory_space<hbm>>
    %dma_start3A_6 = tpu.memref_squeeze %dma_start3A_5 : memref<1x32768xf32, #tpu.memory_space<hbm>> -> memref<32768xf32, #tpu.memory_space<hbm>>
    %dma_start3A_7 = arith.constant 0 : i32
    %dma_start3A_8 = tpu.memref_slice %arg2[%mul3A_2, %dma_start3A_7] : memref<64x32768xf32, #tpu.memory_space<hbm>> -> memref<1x32768xf32, #tpu.memory_space<hbm>>
    %dma_start3A_9 = tpu.memref_squeeze %dma_start3A_8 : memref<1x32768xf32, #tpu.memory_space<hbm>> -> memref<32768xf32, #tpu.memory_space<hbm>>
    tpu.enqueue_dma source(%dma_start3A_9 : memref<32768xf32, #tpu.memory_space<hbm>>) target(%arg4 : memref<32768xf32, #tpu.memory_space<vmem>>) target_semaphore(%arg8 : memref<!tpu.dma_semaphore, #tpu.memory_space<semaphore_mem>>)
    %dma_wait3A = arith.constant 0 : i32
    %dma_wait3A_10 = tpu.memref_slice %arg2[%mul3A_2, %dma_wait3A] : memref<64x32768xf32, #tpu.memory_space<hbm>> -> memref<1x32768xf32, #tpu.memory_space<hbm>>
    %dma_wait3A_11 = tpu.memref_squeeze %dma_wait3A_10 : memref<1x32768xf32, #tpu.memory_space<hbm>> -> memref<32768xf32, #tpu.memory_space<hbm>>
    %dma_wait3A_12 = arith.constant 0 : i32
    %dma_wait3A_13 = tpu.memref_slice %arg2[%mul3A_2, %dma_wait3A_12] : memref<64x32768xf32, #tpu.memory_space<hbm>> -> memref<1x32768xf32, #tpu.memory_space<hbm>>
    %dma_wait3A_14 = tpu.memref_squeeze %dma_wait3A_13 : memref<1x32768xf32, #tpu.memory_space<hbm>> -> memref<32768xf32, #tpu.memory_space<hbm>>
    tpu.wait_dma2 semaphore(%arg8 : memref<!tpu.dma_semaphore, #tpu.memory_space<semaphore_mem>>) src(%dma_wait3A_14 : memref<32768xf32, #tpu.memory_space<hbm>>) dst(%arg4 : memref<32768xf32, #tpu.memory_space<vmem>>)
    %dma_start3A_15 = arith.constant 0 : i32
    %dma_start3A_16 = tpu.memref_slice %arg2[%add3A_4, %dma_start3A_15] : memref<64x32768xf32, #tpu.memory_space<hbm>> -> memref<1x32768xf32, #tpu.memory_space<hbm>>
    %dma_start3A_17 = tpu.memref_squeeze %dma_start3A_16 : memref<1x32768xf32, #tpu.memory_space<hbm>> -> memref<32768xf32, #tpu.memory_space<hbm>>
    %dma_start3A_18 = arith.constant 0 : i32
    %dma_start3A_19 = tpu.memref_slice %arg2[%add3A_4, %dma_start3A_18] : memref<64x32768xf32, #tpu.memory_space<hbm>> -> memref<1x32768xf32, #tpu.memory_space<hbm>>
    %dma_start3A_20 = tpu.memref_squeeze %dma_start3A_19 : memref<1x32768xf32, #tpu.memory_space<hbm>> -> memref<32768xf32, #tpu.memory_space<hbm>>
    tpu.enqueue_dma source(%dma_start3A_20 : memref<32768xf32, #tpu.memory_space<hbm>>) target(%arg5 : memref<32768xf32, #tpu.memory_space<vmem>>) target_semaphore(%arg9 : memref<!tpu.dma_semaphore, #tpu.memory_space<semaphore_mem>>)
    %parallel_loop3A = arith.constant 0 : i32
    %parallel_loop3A_21 = arith.constant 2048 : i32
    %parallel_loop3A_22 = arith.constant 16 : i32
    scf.for %parallel_loop3A_1018 = %parallel_loop3A to %parallel_loop3A_21 step %parallel_loop3A_22  : i32 {
      %parallel_loop3A_1019 = arith.constant 0 : i32
      %parallel_loop3A_1020 = vector.broadcast %parallel_loop3A_1019 : i32 to vector<16xi32>
      %parallel_loop3A_1021 = arith.index_cast %parallel_loop3A_1018 : i32 to index
      %parallel_loop3A_1022 = tpu.vector_load %arg7[%parallel_loop3A_1021] {strides = array<i32>} : memref<2048xi32, #tpu.memory_space<vmem>>, vector<16xi32>,
      tpu.vector_store %arg7[%parallel_loop3A_1021], %parallel_loop3A_1020 {strides = array<i32>} : memref<2048xi32, #tpu.memory_space<vmem>>, vector<16xi32>,
    } {sc.loop_unroll_factor = 8 : i64, sc.parallel_access}
    %broadcast_in_dim3A = arith.constant 1 : i32
    %broadcast_in_dim3A_23 = vector.broadcast %broadcast_in_dim3A : i32 to vector<16xi32>
    %parallel_loop3A_24 = arith.constant 0 : i32
    %parallel_loop3A_25 = arith.constant 32768 : i32
    %parallel_loop3A_26 = arith.constant 16 : i32
    %parallel_loop3A_27 = arith.constant -2147483648 : i32
    scf.for %parallel_loop3A_1018 = %parallel_loop3A_24 to %parallel_loop3A_25 step %parallel_loop3A_26  : i32 {
      %parallel_loop3A_1019 = arith.index_cast %parallel_loop3A_1018 : i32 to index
      %parallel_loop3A_1020 = tpu.vector_load %arg4[%parallel_loop3A_1019] {strides = array<i32>} : memref<32768xf32, #tpu.memory_space<vmem>>, vector<16xf32>,
      %parallel_loop3A_1021 = tpu.bitcast %parallel_loop3A_1020 : vector<16xf32> -> vector<16xi32>
      %parallel_loop3A_1022 = arith.constant 31 : i32
      %parallel_loop3A_1023 = vector.broadcast %parallel_loop3A_1022 : i32 to vector<16xi32>
      %parallel_loop3A_1024 = arith.shrsi %parallel_loop3A_1021, %parallel_loop3A_1023 : vector<16xi32>
      %parallel_loop3A_1025 = arith.constant 2147483647 : i32
      %parallel_loop3A_1026 = vector.broadcast %parallel_loop3A_1025 : i32 to vector<16xi32>
      %parallel_loop3A_1027 = arith.andi %parallel_loop3A_1024, %parallel_loop3A_1026 : vector<16xi32>
      %parallel_loop3A_1028 = arith.xori %parallel_loop3A_1021, %parallel_loop3A_1027 : vector<16xi32>
      %parallel_loop3A_1029 = vector.broadcast %parallel_loop3A_27 : i32 to vector<16xi32>
      %parallel_loop3A_1030 = arith.cmpi eq, %parallel_loop3A_1021, %parallel_loop3A_1029 : vector<16xi32>
      %parallel_loop3A_1031 = arith.constant 0 : i32
      %parallel_loop3A_1032 = vector.broadcast %parallel_loop3A_1031 : i32 to vector<16xi32>
      %parallel_loop3A_1033 = arith.select %parallel_loop3A_1030, %parallel_loop3A_1032, %parallel_loop3A_1028 : vector<16xi1>, vector<16xi32>
      %parallel_loop3A_1034 = arith.index_cast %parallel_loop3A_1018 : i32 to index
      %parallel_loop3A_1035 = tpu.vector_load %arg6[%parallel_loop3A_1034] {strides = array<i32>} : memref<32768xi32, #tpu.memory_space<vmem>>, vector<16xi32>,
      tpu.vector_store %arg6[%parallel_loop3A_1034], %parallel_loop3A_1033 {strides = array<i32>} : memref<32768xi32, #tpu.memory_space<vmem>>, vector<16xi32>,
      %parallel_loop3A_1036 = arith.constant 21 : i32
      %parallel_loop3A_1037 = vector.broadcast %parallel_loop3A_1036 : i32 to vector<16xi32>
      %parallel_loop3A_1038 = arith.shrsi %parallel_loop3A_1033, %parallel_loop3A_1037 : vector<16xi32>
      %parallel_loop3A_1039 = arith.constant 1024 : i32
      %parallel_loop3A_1040 = vector.broadcast %parallel_loop3A_1039 : i32 to vector<16xi32>
      %parallel_loop3A_1041 = arith.addi %parallel_loop3A_1038, %parallel_loop3A_1040 : vector<16xi32>
      tpu.vector_store_idx %arg7[%parallel_loop3A_1041], %broadcast_in_dim3A_23 {add = true} : memref<2048xi32, #tpu.memory_space<vmem>>[vector<16xi32>], vector<16xi32>,
    } {sc.loop_unroll_factor = 8 : i64, sc.parallel_access}
    %broadcast_in_dim3A_28 = arith.constant 1 : i32
    %broadcast_in_dim3A_29 = vector.broadcast %broadcast_in_dim3A_28 : i32 to vector<16xi32>
    %scan3A = arith.constant 256 : i32
    %scan3A_30 = arith.constant 0 : i32
    %scan3A_31 = arith.constant 0 : i32
    %scan3A_32 = arith.constant 0 : i32
    %scan3A_33 = arith.constant 0 : i32
    %scan3A_34 = arith.constant 0 : i32
    %scan3A_35 = arith.constant 32 : i32
    %scan3A_36 = arith.addi %scan3A_34, %scan3A_35 : i32
    %scan3A_37 = arith.constant 1 : i32
    %scan3A_38:4 = scf.for %scan3A_1018 = %scan3A_34 to %scan3A_36 step %scan3A_37 iter_args(%scan3A_1019 = %scan3A_30, %scan3A_1020 = %scan3A_31, %scan3A_1021 = %scan3A_32, %scan3A_1022 = %scan3A_33) -> (i32, i32, i32, i32)  : i32 {
      %add3A_1023 = arith.constant 1 : i32
      %add3A_1024 = arith.addi %scan3A_1018, %add3A_1023 : i32
      %mul3A_1025 = arith.constant 64 : i32
      %mul3A_1026 = arith.muli %mul3A_1025, %add3A_1024 : i32
      %sub3A_1027 = arith.constant 2048 : i32
      %sub3A_1028 = arith.subi %sub3A_1027, %mul3A_1026 : i32
      %get3A_1029 = arith.index_cast %sub3A_1028 : i32 to index
      %get3A_1030 = tpu.vector_load %arg7[%get3A_1029] {strides = array<i32>} : memref<2048xi32, #tpu.memory_space<vmem>>, vector<16xi32>,
      %add3A_1031 = arith.constant 16 : i32
      %add3A_1032 = arith.addi %sub3A_1028, %add3A_1031 : i32
      %get3A_1033 = arith.index_cast %add3A_1032 : i32 to index
      %get3A_1034 = tpu.vector_load %arg7[%get3A_1033] {strides = array<i32>} : memref<2048xi32, #tpu.memory_space<vmem>>, vector<16xi32>,
      %add3A_1035 = arith.addi %get3A_1030, %get3A_1034 : vector<16xi32>
      %add3A_1036 = arith.constant 32 : i32
      %add3A_1037 = arith.addi %sub3A_1028, %add3A_1036 : i32
      %get3A_1038 = arith.index_cast %add3A_1037 : i32 to index
      %get3A_1039 = tpu.vector_load %arg7[%get3A_1038] {strides = array<i32>} : memref<2048xi32, #tpu.memory_space<vmem>>, vector<16xi32>,
      %add3A_1040 = arith.constant 48 : i32
      %add3A_1041 = arith.addi %sub3A_1028, %add3A_1040 : i32
      %get3A_1042 = arith.index_cast %add3A_1041 : i32 to index
      %get3A_1043 = tpu.vector_load %arg7[%get3A_1042] {strides = array<i32>} : memref<2048xi32, #tpu.memory_space<vmem>>, vector<16xi32>,
      %add3A_1044 = arith.addi %get3A_1039, %get3A_1043 : vector<16xi32>
      %add3A_1045 = arith.addi %add3A_1035, %add3A_1044 : vector<16xi32>
      %reduce_sum3A_1046 = arith.constant true
      %reduce_sum3A_1047 = vector.broadcast %reduce_sum3A_1046 : i1 to vector<16xi1>
      %reduce_sum3A_1048 = tpu.scan <sum>, %add3A_1045 masked %reduce_sum3A_1047 : vector<16xi32>, vector<16xi1> -> vector<16xi32>
      %reduce_sum3A_1049 = vector.extract %reduce_sum3A_1048[15] : i32 from vector<16xi32>
      %eq3A_1050 = arith.constant 0 : i32
      %eq3A_1051 = arith.cmpi eq, %scan3A_1019, %eq3A_1050 : i32
      %add3A_1052 = arith.addi %scan3A_1022, %reduce_sum3A_1049 : i32
      %ge3A_1053 = arith.cmpi sge, %add3A_1052, %scan3A : i32
      %and3A_1054 = arith.andi %eq3A_1051, %ge3A_1053 : i1
      %select_n3A_1055 = arith.select %and3A_1054, %sub3A_1028, %scan3A_1020 : i32
      %select_n3A_1056 = arith.select %and3A_1054, %scan3A_1022, %scan3A_1021 : i32
      %jit3A_1057 = arith.constant 1 : i32
      %select_n3A_1058 = arith.select %and3A_1054, %jit3A_1057, %scan3A_1019 : i32
      %add3A_1059 = arith.addi %scan3A_1022, %reduce_sum3A_1049 : i32
      scf.yield %select_n3A_1058, %select_n3A_1055, %select_n3A_1056, %add3A_1059 : i32, i32, i32, i32
    }
    %scan3A_39 = arith.constant 32 : i32
    %add3A_40 = arith.constant 48 : i32
    %add3A_41 = arith.addi %scan3A_38#1, %add3A_40 : i32
    %get3A = arith.index_cast %add3A_41 : i32 to index
    %get3A_42 = tpu.vector_load %arg7[%get3A] {strides = array<i32>} : memref<2048xi32, #tpu.memory_space<vmem>>, vector<16xi32>,
    %reduce_sum3A = arith.constant true
    %reduce_sum3A_43 = vector.broadcast %reduce_sum3A : i1 to vector<16xi1>
    %reduce_sum3A_44 = tpu.scan <sum>, %get3A_42 masked %reduce_sum3A_43 : vector<16xi32>, vector<16xi1> -> vector<16xi32>
    %reduce_sum3A_45 = vector.extract %reduce_sum3A_44[15] : i32 from vector<16xi32>
    %eq3A = arith.constant 0 : i32
    %eq3A_46 = arith.constant 0 : i32
    %eq3A_47 = arith.cmpi eq, %eq3A, %eq3A_46 : i32
    %add3A_48 = arith.addi %scan3A_38#2, %reduce_sum3A_45 : i32
    %ge3A = arith.constant 256 : i32
    %ge3A_49 = arith.cmpi sge, %add3A_48, %ge3A : i32
    %and3A = arith.andi %eq3A_47, %ge3A_49 : i1
    %eq3A_50 = arith.constant 0 : i32
    %eq3A_51 = arith.constant 0 : i32
    %eq3A_52 = arith.cmpi eq, %eq3A_50, %eq3A_51 : i32
    %not3A = arith.constant true
    %not3A_53 = arith.xori %and3A, %not3A : i1
    %and3A_54 = arith.andi %eq3A_52, %not3A_53 : i1
    %jit3A = arith.constant 0 : i32
    %select_n3A = arith.select %and3A, %add3A_41, %jit3A : i32
    %add3A_55 = arith.addi %scan3A_38#2, %reduce_sum3A_45 : i32
    %select_n3A_56 = arith.select %and3A_54, %add3A_55, %scan3A_38#2 : i32
    %jit3A_57 = arith.constant 1 : i32
    %jit3A_58 = arith.constant 0 : i32
    %select_n3A_59 = arith.select %and3A, %jit3A_57, %jit3A_58 : i32
    %add3A_60 = arith.constant 32 : i32
    %add3A_61 = arith.addi %scan3A_38#1, %add3A_60 : i32
    %get3A_62 = arith.index_cast %add3A_61 : i32 to index
    %get3A_63 = tpu.vector_load %arg7[%get3A_62] {strides = array<i32>} : memref<2048xi32, #tpu.memory_space<vmem>>, vector<16xi32>,
    %reduce_sum3A_64 = arith.constant true
    %reduce_sum3A_65 = vector.broadcast %reduce_sum3A_64 : i1 to vector<16xi1>
    %reduce_sum3A_66 = tpu.scan <sum>, %get3A_63 masked %reduce_sum3A_65 : vector<16xi32>, vector<16xi1> -> vector<16xi32>
    %reduce_sum3A_67 = vector.extract %reduce_sum3A_66[15] : i32 from vector<16xi32>
    %eq3A_68 = arith.constant 0 : i32
    %eq3A_69 = arith.cmpi eq, %select_n3A_59, %eq3A_68 : i32
    %add3A_70 = arith.addi %select_n3A_56, %reduce_sum3A_67 : i32
    %ge3A_71 = arith.constant 256 : i32
    %ge3A_72 = arith.cmpi sge, %add3A_70, %ge3A_71 : i32
    %and3A_73 = arith.andi %eq3A_69, %ge3A_72 : i1
    %eq3A_74 = arith.constant 0 : i32
    %eq3A_75 = arith.cmpi eq, %select_n3A_59, %eq3A_74 : i32
    %not3A_76 = arith.constant true
    %not3A_77 = arith.xori %and3A_73, %not3A_76 : i1
    %and3A_78 = arith.andi %eq3A_75, %not3A_77 : i1
    %select_n3A_79 = arith.select %and3A_73, %add3A_61, %select_n3A : i32
    %add3A_80 = arith.addi %select_n3A_56, %reduce_sum3A_67 : i32
    %select_n3A_81 = arith.select %and3A_78, %add3A_80, %select_n3A_56 : i32
    %jit3A_82 = arith.constant 1 : i32
    %select_n3A_83 = arith.select %and3A_73, %jit3A_82, %select_n3A_59 : i32
    %add3A_84 = arith.constant 16 : i32
    %add3A_85 = arith.addi %scan3A_38#1, %add3A_84 : i32
    %get3A_86 = arith.index_cast %add3A_85 : i32 to index
    %get3A_87 = tpu.vector_load %arg7[%get3A_86] {strides = array<i32>} : memref<2048xi32, #tpu.memory_space<vmem>>, vector<16xi32>,
    %reduce_sum3A_88 = arith.constant true
    %reduce_sum3A_89 = vector.broadcast %reduce_sum3A_88 : i1 to vector<16xi1>
    %reduce_sum3A_90 = tpu.scan <sum>, %get3A_87 masked %reduce_sum3A_89 : vector<16xi32>, vector<16xi1> -> vector<16xi32>
    %reduce_sum3A_91 = vector.extract %reduce_sum3A_90[15] : i32 from vector<16xi32>
    %eq3A_92 = arith.constant 0 : i32
    %eq3A_93 = arith.cmpi eq, %select_n3A_83, %eq3A_92 : i32
    %add3A_94 = arith.addi %select_n3A_81, %reduce_sum3A_91 : i32
    %ge3A_95 = arith.constant 256 : i32
    %ge3A_96 = arith.cmpi sge, %add3A_94, %ge3A_95 : i32
    %and3A_97 = arith.andi %eq3A_93, %ge3A_96 : i1
    %eq3A_98 = arith.constant 0 : i32
    %eq3A_99 = arith.cmpi eq, %select_n3A_83, %eq3A_98 : i32
    %not3A_100 = arith.constant true
    %not3A_101 = arith.xori %and3A_97, %not3A_100 : i1
    %and3A_102 = arith.andi %eq3A_99, %not3A_101 : i1
    %select_n3A_103 = arith.select %and3A_97, %add3A_85, %select_n3A_79 : i32
    %add3A_104 = arith.addi %select_n3A_81, %reduce_sum3A_91 : i32
    %select_n3A_105 = arith.select %and3A_102, %add3A_104, %select_n3A_81 : i32
    %jit3A_106 = arith.constant 1 : i32
    %select_n3A_107 = arith.select %and3A_97, %jit3A_106, %select_n3A_83 : i32
    %add3A_108 = arith.constant 0 : i32
    %add3A_109 = arith.addi %scan3A_38#1, %add3A_108 : i32
    %get3A_110 = arith.index_cast %add3A_109 : i32 to index
    %get3A_111 = tpu.vector_load %arg7[%get3A_110] {strides = array<i32>} : memref<2048xi32, #tpu.memory_space<vmem>>, vector<16xi32>,
    %reduce_sum3A_112 = arith.constant true
    %reduce_sum3A_113 = vector.broadcast %reduce_sum3A_112 : i1 to vector<16xi1>
    %reduce_sum3A_114 = tpu.scan <sum>, %get3A_111 masked %reduce_sum3A_113 : vector<16xi32>, vector<16xi1> -> vector<16xi32>
    %reduce_sum3A_115 = vector.extract %reduce_sum3A_114[15] : i32 from vector<16xi32>
    %eq3A_116 = arith.constant 0 : i32
    %eq3A_117 = arith.cmpi eq, %select_n3A_107, %eq3A_116 : i32
    %add3A_118 = arith.addi %select_n3A_105, %reduce_sum3A_115 : i32
    %ge3A_119 = arith.constant 256 : i32
    %ge3A_120 = arith.cmpi sge, %add3A_118, %ge3A_119 : i32
    %and3A_121 = arith.andi %eq3A_117, %ge3A_120 : i1
    %eq3A_122 = arith.constant 0 : i32
    %eq3A_123 = arith.cmpi eq, %select_n3A_107, %eq3A_122 : i32
    %not3A_124 = arith.constant true
    %not3A_125 = arith.xori %and3A_121, %not3A_124 : i1
    %and3A_126 = arith.andi %eq3A_123, %not3A_125 : i1
    %select_n3A_127 = arith.select %and3A_121, %add3A_109, %select_n3A_103 : i32
    %add3A_128 = arith.addi %select_n3A_105, %reduce_sum3A_115 : i32
    %select_n3A_129 = arith.select %and3A_126, %add3A_128, %select_n3A_105 : i32
    %jit3A_130 = arith.constant 1 : i32
    %select_n3A_131 = arith.select %and3A_121, %jit3A_130, %select_n3A_107 : i32
    %iota3A = tpu.iota {dimensions = array<i32: 0>} : vector<16xi32>
    %get3A_132 = arith.index_cast %select_n3A_127 : i32 to index
    %get3A_133 = tpu.vector_load %arg7[%get3A_132] {strides = array<i32>} : memref<2048xi32, #tpu.memory_space<vmem>>, vector<16xi32>,
    %rev3A = arith.constant 15 : i32
    %rev3A_134 = vector.broadcast %rev3A : i32 to vector<16xi32>
    %rev3A_135 = tpu.iota {dimensions = array<i32: 0>} : vector<16xi32>
    %rev3A_136 = arith.subi %rev3A_134, %rev3A_135 : vector<16xi32>
    %rev3A_137 = tpu.dynamic_gather %get3A_133[%rev3A_136] in [0] : vector<16xi32>, vector<16xi32> -> vector<16xi32>
    %cumsum3A = arith.constant true
    %cumsum3A_138 = vector.broadcast %cumsum3A : i1 to vector<16xi1>
    %cumsum3A_139 = tpu.scan <sum>, %rev3A_137 masked %cumsum3A_138 : vector<16xi32>, vector<16xi1> -> vector<16xi32>
    %add3A_140 = vector.broadcast %select_n3A_129 : i32 to vector<16xi32>
    %add3A_141 = arith.addi %add3A_140, %cumsum3A_139 : vector<16xi32>
    %ge3A_142 = arith.constant 256 : i32
    %ge3A_143 = vector.broadcast %ge3A_142 : i32 to vector<16xi32>
    %ge3A_144 = arith.cmpi sge, %add3A_141, %ge3A_143 : vector<16xi32>
    %convert_element_type3A = arith.extui %ge3A_144 : vector<16xi1> to vector<16xi32>
    %reduce_sum3A_145 = arith.constant true
    %reduce_sum3A_146 = vector.broadcast %reduce_sum3A_145 : i1 to vector<16xi1>
    %reduce_sum3A_147 = tpu.scan <sum>, %convert_element_type3A masked %reduce_sum3A_146 : vector<16xi32>, vector<16xi1> -> vector<16xi32>
    %reduce_sum3A_148 = vector.extract %reduce_sum3A_147[15] : i32 from vector<16xi32>
    %sub3A = arith.constant 16 : i32
    %sub3A_149 = arith.subi %sub3A, %reduce_sum3A_148 : i32
    %add3A_150 = arith.constant 15 : i32
    %add3A_151 = arith.addi %select_n3A_127, %add3A_150 : i32
    %sub3A_152 = arith.subi %add3A_151, %sub3A_149 : i32
    %jit3A_153 = arith.constant 0 : i32
    %broadcast_in_dim3A_154 = vector.broadcast %jit3A_153 : i32 to vector<16xi32>
    %select_n3A_155 = arith.select %ge3A_144, %broadcast_in_dim3A_154, %rev3A_137 : vector<16xi1>, vector<16xi32>
    %reduce_sum3A_156 = arith.constant true
    %reduce_sum3A_157 = vector.broadcast %reduce_sum3A_156 : i1 to vector<16xi1>
    %reduce_sum3A_158 = tpu.scan <sum>, %select_n3A_155 masked %reduce_sum3A_157 : vector<16xi32>, vector<16xi1> -> vector<16xi32>
    %reduce_sum3A_159 = vector.extract %reduce_sum3A_158[15] : i32 from vector<16xi32>
    %add3A_160 = arith.addi %select_n3A_129, %reduce_sum3A_159 : i32
    %eq3A_161 = vector.broadcast %sub3A_149 : i32 to vector<16xi32>
    %eq3A_162 = arith.cmpi eq, %iota3A, %eq3A_161 : vector<16xi32>
    %jit3A_163 = arith.constant 0 : i32
    %broadcast_in_dim3A_164 = vector.broadcast %jit3A_163 : i32 to vector<16xi32>
    %select_n3A_165 = arith.select %eq3A_162, %rev3A_137, %broadcast_in_dim3A_164 : vector<16xi1>, vector<16xi32>
    %reduce_sum3A_166 = arith.constant true
    %reduce_sum3A_167 = vector.broadcast %reduce_sum3A_166 : i1 to vector<16xi1>
    %reduce_sum3A_168 = tpu.scan <sum>, %select_n3A_165 masked %reduce_sum3A_167 : vector<16xi32>, vector<16xi1> -> vector<16xi32>
    %reduce_sum3A_169 = vector.extract %reduce_sum3A_168[15] : i32 from vector<16xi32>
    %sub3A_170 = arith.constant 1024 : i32
    %sub3A_171 = arith.subi %sub3A_152, %sub3A_170 : i32
    %sub3A_172 = arith.constant 256 : i32
    %sub3A_173 = arith.subi %sub3A_172, %add3A_160 : i32
    %parallel_loop3A_174 = arith.constant 0 : i32
    %parallel_loop3A_175 = arith.constant 2048 : i32
    %parallel_loop3A_176 = arith.constant 16 : i32
    scf.for %parallel_loop3A_1018 = %parallel_loop3A_174 to %parallel_loop3A_175 step %parallel_loop3A_176  : i32 {
      %parallel_loop3A_1019 = arith.constant 0 : i32
      %parallel_loop3A_1020 = vector.broadcast %parallel_loop3A_1019 : i32 to vector<16xi32>
      %parallel_loop3A_1021 = arith.index_cast %parallel_loop3A_1018 : i32 to index
      %parallel_loop3A_1022 = tpu.vector_load %arg7[%parallel_loop3A_1021] {strides = array<i32>} : memref<2048xi32, #tpu.memory_space<vmem>>, vector<16xi32>,
      tpu.vector_store %arg7[%parallel_loop3A_1021], %parallel_loop3A_1020 {strides = array<i32>} : memref<2048xi32, #tpu.memory_space<vmem>>, vector<16xi32>,
    } {sc.loop_unroll_factor = 8 : i64, sc.parallel_access}
    %parallel_loop3A_177 = arith.constant 0 : i32
    %parallel_loop3A_178 = arith.constant 32768 : i32
    %parallel_loop3A_179 = arith.constant 16 : i32
    scf.for %parallel_loop3A_1018 = %parallel_loop3A_177 to %parallel_loop3A_178 step %parallel_loop3A_179  : i32 {
      %parallel_loop3A_1019 = arith.index_cast %parallel_loop3A_1018 : i32 to index
      %parallel_loop3A_1020 = tpu.vector_load %arg6[%parallel_loop3A_1019] {strides = array<i32>} : memref<32768xi32, #tpu.memory_space<vmem>>, vector<16xi32>,
      %parallel_loop3A_1021 = arith.constant 10 : i32
      %parallel_loop3A_1022 = vector.broadcast %parallel_loop3A_1021 : i32 to vector<16xi32>
      %parallel_loop3A_1023 = arith.shrsi %parallel_loop3A_1020, %parallel_loop3A_1022 : vector<16xi32>
      %parallel_loop3A_1024 = arith.constant 2047 : i32
      %parallel_loop3A_1025 = vector.broadcast %parallel_loop3A_1024 : i32 to vector<16xi32>
      %parallel_loop3A_1026 = arith.andi %parallel_loop3A_1023, %parallel_loop3A_1025 : vector<16xi32>
      %parallel_loop3A_1027 = arith.constant 21 : i32
      %parallel_loop3A_1028 = vector.broadcast %parallel_loop3A_1027 : i32 to vector<16xi32>
      %parallel_loop3A_1029 = arith.shrsi %parallel_loop3A_1020, %parallel_loop3A_1028 : vector<16xi32>
      %parallel_loop3A_1030 = vector.broadcast %sub3A_171 : i32 to vector<16xi32>
      %parallel_loop3A_1031 = arith.cmpi eq, %parallel_loop3A_1029, %parallel_loop3A_1030 : vector<16xi32>
      tpu.vector_store_idx %arg7[%parallel_loop3A_1026], %broadcast_in_dim3A_29 masked %parallel_loop3A_1031 {add = true} : memref<2048xi32, #tpu.memory_space<vmem>>[vector<16xi32>], vector<16xi32>, vector<16xi1>
    } {sc.loop_unroll_factor = 8 : i64, sc.parallel_access}
    %scan3A_180 = arith.constant 0 : i32
    %scan3A_181 = arith.constant 0 : i32
    %scan3A_182 = arith.constant 0 : i32
    %scan3A_183 = arith.constant 0 : i32
    %scan3A_184 = arith.constant 0 : i32
    %scan3A_185 = arith.constant 32 : i32
    %scan3A_186 = arith.addi %scan3A_184, %scan3A_185 : i32
    %scan3A_187 = arith.constant 1 : i32
    %scan3A_188:4 = scf.for %scan3A_1018 = %scan3A_184 to %scan3A_186 step %scan3A_187 iter_args(%scan3A_1019 = %scan3A_180, %scan3A_1020 = %scan3A_181, %scan3A_1021 = %scan3A_182, %scan3A_1022 = %scan3A_183) -> (i32, i32, i32, i32)  : i32 {
      %add3A_1023 = arith.constant 1 : i32
      %add3A_1024 = arith.addi %scan3A_1018, %add3A_1023 : i32
      %mul3A_1025 = arith.constant 64 : i32
      %mul3A_1026 = arith.muli %mul3A_1025, %add3A_1024 : i32
      %sub3A_1027 = arith.constant 2048 : i32
      %sub3A_1028 = arith.subi %sub3A_1027, %mul3A_1026 : i32
      %get3A_1029 = arith.index_cast %sub3A_1028 : i32 to index
      %get3A_1030 = tpu.vector_load %arg7[%get3A_1029] {strides = array<i32>} : memref<2048xi32, #tpu.memory_space<vmem>>, vector<16xi32>,
      %add3A_1031 = arith.constant 16 : i32
      %add3A_1032 = arith.addi %sub3A_1028, %add3A_1031 : i32
      %get3A_1033 = arith.index_cast %add3A_1032 : i32 to index
      %get3A_1034 = tpu.vector_load %arg7[%get3A_1033] {strides = array<i32>} : memref<2048xi32, #tpu.memory_space<vmem>>, vector<16xi32>,
      %add3A_1035 = arith.addi %get3A_1030, %get3A_1034 : vector<16xi32>
      %add3A_1036 = arith.constant 32 : i32
      %add3A_1037 = arith.addi %sub3A_1028, %add3A_1036 : i32
      %get3A_1038 = arith.index_cast %add3A_1037 : i32 to index
      %get3A_1039 = tpu.vector_load %arg7[%get3A_1038] {strides = array<i32>} : memref<2048xi32, #tpu.memory_space<vmem>>, vector<16xi32>,
      %add3A_1040 = arith.constant 48 : i32
      %add3A_1041 = arith.addi %sub3A_1028, %add3A_1040 : i32
      %get3A_1042 = arith.index_cast %add3A_1041 : i32 to index
      %get3A_1043 = tpu.vector_load %arg7[%get3A_1042] {strides = array<i32>} : memref<2048xi32, #tpu.memory_space<vmem>>, vector<16xi32>,
      %add3A_1044 = arith.addi %get3A_1039, %get3A_1043 : vector<16xi32>
      %add3A_1045 = arith.addi %add3A_1035, %add3A_1044 : vector<16xi32>
      %reduce_sum3A_1046 = arith.constant true
      %reduce_sum3A_1047 = vector.broadcast %reduce_sum3A_1046 : i1 to vector<16xi1>
      %reduce_sum3A_1048 = tpu.scan <sum>, %add3A_1045 masked %reduce_sum3A_1047 : vector<16xi32>, vector<16xi1> -> vector<16xi32>
      %reduce_sum3A_1049 = vector.extract %reduce_sum3A_1048[15] : i32 from vector<16xi32>
      %eq3A_1050 = arith.constant 0 : i32
      %eq3A_1051 = arith.cmpi eq, %scan3A_1019, %eq3A_1050 : i32
      %add3A_1052 = arith.addi %scan3A_1022, %reduce_sum3A_1049 : i32
      %ge3A_1053 = arith.cmpi sge, %add3A_1052, %sub3A_173 : i32
      %and3A_1054 = arith.andi %eq3A_1051, %ge3A_1053 : i1
      %select_n3A_1055 = arith.select %and3A_1054, %sub3A_1028, %scan3A_1020 : i32
      %select_n3A_1056 = arith.select %and3A_1054, %scan3A_1022, %scan3A_1021 : i32
      %jit3A_1057 = arith.constant 1 : i32
      %select_n3A_1058 = arith.select %and3A_1054, %jit3A_1057, %scan3A_1019 : i32
      %add3A_1059 = arith.addi %scan3A_1022, %reduce_sum3A_1049 : i32
      scf.yield %select_n3A_1058, %select_n3A_1055, %select_n3A_1056, %add3A_1059 : i32, i32, i32, i32
    }
    %scan3A_189 = arith.constant 32 : i32
    %add3A_190 = arith.constant 48 : i32
    %add3A_191 = arith.addi %scan3A_188#1, %add3A_190 : i32
    %get3A_192 = arith.index_cast %add3A_191 : i32 to index
    %get3A_193 = tpu.vector_load %arg7[%get3A_192] {strides = array<i32>} : memref<2048xi32, #tpu.memory_space<vmem>>, vector<16xi32>,
    %reduce_sum3A_194 = arith.constant true
    %reduce_sum3A_195 = vector.broadcast %reduce_sum3A_194 : i1 to vector<16xi1>
    %reduce_sum3A_196 = tpu.scan <sum>, %get3A_193 masked %reduce_sum3A_195 : vector<16xi32>, vector<16xi1> -> vector<16xi32>
    %reduce_sum3A_197 = vector.extract %reduce_sum3A_196[15] : i32 from vector<16xi32>
    %eq3A_198 = arith.constant 0 : i32
    %eq3A_199 = arith.constant 0 : i32
    %eq3A_200 = arith.cmpi eq, %eq3A_198, %eq3A_199 : i32
    %add3A_201 = arith.addi %scan3A_188#2, %reduce_sum3A_197 : i32
    %ge3A_202 = arith.cmpi sge, %add3A_201, %sub3A_173 : i32
    %and3A_203 = arith.andi %eq3A_200, %ge3A_202 : i1
    %eq3A_204 = arith.constant 0 : i32
    %eq3A_205 = arith.constant 0 : i32
    %eq3A_206 = arith.cmpi eq, %eq3A_204, %eq3A_205 : i32
    %not3A_207 = arith.constant true
    %not3A_208 = arith.xori %and3A_203, %not3A_207 : i1
    %and3A_209 = arith.andi %eq3A_206, %not3A_208 : i1
    %jit3A_210 = arith.constant 0 : i32
    %select_n3A_211 = arith.select %and3A_203, %add3A_191, %jit3A_210 : i32
    %add3A_212 = arith.addi %scan3A_188#2, %reduce_sum3A_197 : i32
    %select_n3A_213 = arith.select %and3A_209, %add3A_212, %scan3A_188#2 : i32
    %jit3A_214 = arith.constant 1 : i32
    %jit3A_215 = arith.constant 0 : i32
    %select_n3A_216 = arith.select %and3A_203, %jit3A_214, %jit3A_215 : i32
    %add3A_217 = arith.constant 32 : i32
    %add3A_218 = arith.addi %scan3A_188#1, %add3A_217 : i32
    %get3A_219 = arith.index_cast %add3A_218 : i32 to index
    %get3A_220 = tpu.vector_load %arg7[%get3A_219] {strides = array<i32>} : memref<2048xi32, #tpu.memory_space<vmem>>, vector<16xi32>,
    %reduce_sum3A_221 = arith.constant true
    %reduce_sum3A_222 = vector.broadcast %reduce_sum3A_221 : i1 to vector<16xi1>
    %reduce_sum3A_223 = tpu.scan <sum>, %get3A_220 masked %reduce_sum3A_222 : vector<16xi32>, vector<16xi1> -> vector<16xi32>
    %reduce_sum3A_224 = vector.extract %reduce_sum3A_223[15] : i32 from vector<16xi32>
    %eq3A_225 = arith.constant 0 : i32
    %eq3A_226 = arith.cmpi eq, %select_n3A_216, %eq3A_225 : i32
    %add3A_227 = arith.addi %select_n3A_213, %reduce_sum3A_224 : i32
    %ge3A_228 = arith.cmpi sge, %add3A_227, %sub3A_173 : i32
    %and3A_229 = arith.andi %eq3A_226, %ge3A_228 : i1
    %eq3A_230 = arith.constant 0 : i32
    %eq3A_231 = arith.cmpi eq, %select_n3A_216, %eq3A_230 : i32
    %not3A_232 = arith.constant true
    %not3A_233 = arith.xori %and3A_229, %not3A_232 : i1
    %and3A_234 = arith.andi %eq3A_231, %not3A_233 : i1
    %select_n3A_235 = arith.select %and3A_229, %add3A_218, %select_n3A_211 : i32
    %add3A_236 = arith.addi %select_n3A_213, %reduce_sum3A_224 : i32
    %select_n3A_237 = arith.select %and3A_234, %add3A_236, %select_n3A_213 : i32
    %jit3A_238 = arith.constant 1 : i32
    %select_n3A_239 = arith.select %and3A_229, %jit3A_238, %select_n3A_216 : i32
    %add3A_240 = arith.constant 16 : i32
    %add3A_241 = arith.addi %scan3A_188#1, %add3A_240 : i32
    %get3A_242 = arith.index_cast %add3A_241 : i32 to index
    %get3A_243 = tpu.vector_load %arg7[%get3A_242] {strides = array<i32>} : memref<2048xi32, #tpu.memory_space<vmem>>, vector<16xi32>,
    %reduce_sum3A_244 = arith.constant true
    %reduce_sum3A_245 = vector.broadcast %reduce_sum3A_244 : i1 to vector<16xi1>
    %reduce_sum3A_246 = tpu.scan <sum>, %get3A_243 masked %reduce_sum3A_245 : vector<16xi32>, vector<16xi1> -> vector<16xi32>
    %reduce_sum3A_247 = vector.extract %reduce_sum3A_246[15] : i32 from vector<16xi32>
    %eq3A_248 = arith.constant 0 : i32
    %eq3A_249 = arith.cmpi eq, %select_n3A_239, %eq3A_248 : i32
    %add3A_250 = arith.addi %select_n3A_237, %reduce_sum3A_247 : i32
    %ge3A_251 = arith.cmpi sge, %add3A_250, %sub3A_173 : i32
    %and3A_252 = arith.andi %eq3A_249, %ge3A_251 : i1
    %eq3A_253 = arith.constant 0 : i32
    %eq3A_254 = arith.cmpi eq, %select_n3A_239, %eq3A_253 : i32
    %not3A_255 = arith.constant true
    %not3A_256 = arith.xori %and3A_252, %not3A_255 : i1
    %and3A_257 = arith.andi %eq3A_254, %not3A_256 : i1
    %select_n3A_258 = arith.select %and3A_252, %add3A_241, %select_n3A_235 : i32
    %add3A_259 = arith.addi %select_n3A_237, %reduce_sum3A_247 : i32
    %select_n3A_260 = arith.select %and3A_257, %add3A_259, %select_n3A_237 : i32
    %jit3A_261 = arith.constant 1 : i32
    %select_n3A_262 = arith.select %and3A_252, %jit3A_261, %select_n3A_239 : i32
    %add3A_263 = arith.constant 0 : i32
    %add3A_264 = arith.addi %scan3A_188#1, %add3A_263 : i32
    %get3A_265 = arith.index_cast %add3A_264 : i32 to index
    %get3A_266 = tpu.vector_load %arg7[%get3A_265] {strides = array<i32>} : memref<2048xi32, #tpu.memory_space<vmem>>, vector<16xi32>,
    %reduce_sum3A_267 = arith.constant true
    %reduce_sum3A_268 = vector.broadcast %reduce_sum3A_267 : i1 to vector<16xi1>
    %reduce_sum3A_269 = tpu.scan <sum>, %get3A_266 masked %reduce_sum3A_268 : vector<16xi32>, vector<16xi1> -> vector<16xi32>
    %reduce_sum3A_270 = vector.extract %reduce_sum3A_269[15] : i32 from vector<16xi32>
    %eq3A_271 = arith.constant 0 : i32
    %eq3A_272 = arith.cmpi eq, %select_n3A_262, %eq3A_271 : i32
    %add3A_273 = arith.addi %select_n3A_260, %reduce_sum3A_270 : i32
    %ge3A_274 = arith.cmpi sge, %add3A_273, %sub3A_173 : i32
    %and3A_275 = arith.andi %eq3A_272, %ge3A_274 : i1
    %eq3A_276 = arith.constant 0 : i32
    %eq3A_277 = arith.cmpi eq, %select_n3A_262, %eq3A_276 : i32
    %not3A_278 = arith.constant true
    %not3A_279 = arith.xori %and3A_275, %not3A_278 : i1
    %and3A_280 = arith.andi %eq3A_277, %not3A_279 : i1
    %select_n3A_281 = arith.select %and3A_275, %add3A_264, %select_n3A_258 : i32
    %add3A_282 = arith.addi %select_n3A_260, %reduce_sum3A_270 : i32
    %select_n3A_283 = arith.select %and3A_280, %add3A_282, %select_n3A_260 : i32
    %jit3A_284 = arith.constant 1 : i32
    %select_n3A_285 = arith.select %and3A_275, %jit3A_284, %select_n3A_262 : i32
    %iota3A_286 = tpu.iota {dimensions = array<i32: 0>} : vector<16xi32>
    %get3A_287 = arith.index_cast %select_n3A_281 : i32 to index
    %get3A_288 = tpu.vector_load %arg7[%get3A_287] {strides = array<i32>} : memref<2048xi32, #tpu.memory_space<vmem>>, vector<16xi32>,
    %rev3A_289 = arith.constant 15 : i32
    %rev3A_290 = vector.broadcast %rev3A_289 : i32 to vector<16xi32>
    %rev3A_291 = tpu.iota {dimensions = array<i32: 0>} : vector<16xi32>
    %rev3A_292 = arith.subi %rev3A_290, %rev3A_291 : vector<16xi32>
    %rev3A_293 = tpu.dynamic_gather %get3A_288[%rev3A_292] in [0] : vector<16xi32>, vector<16xi32> -> vector<16xi32>
    %cumsum3A_294 = arith.constant true
    %cumsum3A_295 = vector.broadcast %cumsum3A_294 : i1 to vector<16xi1>
    %cumsum3A_296 = tpu.scan <sum>, %rev3A_293 masked %cumsum3A_295 : vector<16xi32>, vector<16xi1> -> vector<16xi32>
    %add3A_297 = vector.broadcast %select_n3A_283 : i32 to vector<16xi32>
    %add3A_298 = arith.addi %add3A_297, %cumsum3A_296 : vector<16xi32>
    %ge3A_299 = vector.broadcast %sub3A_173 : i32 to vector<16xi32>
    %ge3A_300 = arith.cmpi sge, %add3A_298, %ge3A_299 : vector<16xi32>
    %convert_element_type3A_301 = arith.extui %ge3A_300 : vector<16xi1> to vector<16xi32>
    %reduce_sum3A_302 = arith.constant true
    %reduce_sum3A_303 = vector.broadcast %reduce_sum3A_302 : i1 to vector<16xi1>
    %reduce_sum3A_304 = tpu.scan <sum>, %convert_element_type3A_301 masked %reduce_sum3A_303 : vector<16xi32>, vector<16xi1> -> vector<16xi32>
    %reduce_sum3A_305 = vector.extract %reduce_sum3A_304[15] : i32 from vector<16xi32>
    %sub3A_306 = arith.constant 16 : i32
    %sub3A_307 = arith.subi %sub3A_306, %reduce_sum3A_305 : i32
    %add3A_308 = arith.constant 15 : i32
    %add3A_309 = arith.addi %select_n3A_281, %add3A_308 : i32
    %sub3A_310 = arith.subi %add3A_309, %sub3A_307 : i32
    %jit3A_311 = arith.constant 0 : i32
    %broadcast_in_dim3A_312 = vector.broadcast %jit3A_311 : i32 to vector<16xi32>
    %select_n3A_313 = arith.select %ge3A_300, %broadcast_in_dim3A_312, %rev3A_293 : vector<16xi1>, vector<16xi32>
    %reduce_sum3A_314 = arith.constant true
    %reduce_sum3A_315 = vector.broadcast %reduce_sum3A_314 : i1 to vector<16xi1>
    %reduce_sum3A_316 = tpu.scan <sum>, %select_n3A_313 masked %reduce_sum3A_315 : vector<16xi32>, vector<16xi1> -> vector<16xi32>
    %reduce_sum3A_317 = vector.extract %reduce_sum3A_316[15] : i32 from vector<16xi32>
    %add3A_318 = arith.addi %select_n3A_283, %reduce_sum3A_317 : i32
    %eq3A_319 = vector.broadcast %sub3A_307 : i32 to vector<16xi32>
    %eq3A_320 = arith.cmpi eq, %iota3A_286, %eq3A_319 : vector<16xi32>
    %jit3A_321 = arith.constant 0 : i32
    %broadcast_in_dim3A_322 = vector.broadcast %jit3A_321 : i32 to vector<16xi32>
    %select_n3A_323 = arith.select %eq3A_320, %rev3A_293, %broadcast_in_dim3A_322 : vector<16xi1>, vector<16xi32>
    %reduce_sum3A_324 = arith.constant true
    %reduce_sum3A_325 = vector.broadcast %reduce_sum3A_324 : i1 to vector<16xi1>
    %reduce_sum3A_326 = tpu.scan <sum>, %select_n3A_323 masked %reduce_sum3A_325 : vector<16xi32>, vector<16xi1> -> vector<16xi32>
    %reduce_sum3A_327 = vector.extract %reduce_sum3A_326[15] : i32 from vector<16xi32>
    %shift_left3A = arith.constant 11 : i32
    %shift_left3A_328 = arith.shli %sub3A_171, %shift_left3A : i32
    %or3A = arith.ori %shift_left3A_328, %sub3A_310 : i32
    %sub3A_329 = arith.subi %sub3A_173, %add3A_318 : i32
    %parallel_loop3A_330 = arith.constant 0 : i32
    %parallel_loop3A_331 = arith.constant 1024 : i32
    %parallel_loop3A_332 = arith.constant 16 : i32
    scf.for %parallel_loop3A_1018 = %parallel_loop3A_330 to %parallel_loop3A_331 step %parallel_loop3A_332  : i32 {
      %parallel_loop3A_1019 = arith.constant 0 : i32
      %parallel_loop3A_1020 = vector.broadcast %parallel_loop3A_1019 : i32 to vector<16xi32>
      %parallel_loop3A_1021 = arith.index_cast %parallel_loop3A_1018 : i32 to index
      %parallel_loop3A_1022 = tpu.vector_load %arg7[%parallel_loop3A_1021] {strides = array<i32>} : memref<2048xi32, #tpu.memory_space<vmem>>, vector<16xi32>,
      tpu.vector_store %arg7[%parallel_loop3A_1021], %parallel_loop3A_1020 {strides = array<i32>} : memref<2048xi32, #tpu.memory_space<vmem>>, vector<16xi32>,
    } {sc.loop_unroll_factor = 8 : i64, sc.parallel_access}
    %parallel_loop3A_333 = arith.constant 0 : i32
    %parallel_loop3A_334 = arith.constant 32768 : i32
    %parallel_loop3A_335 = arith.constant 16 : i32
    scf.for %parallel_loop3A_1018 = %parallel_loop3A_333 to %parallel_loop3A_334 step %parallel_loop3A_335  : i32 {
      %parallel_loop3A_1019 = arith.index_cast %parallel_loop3A_1018 : i32 to index
      %parallel_loop3A_1020 = tpu.vector_load %arg6[%parallel_loop3A_1019] {strides = array<i32>} : memref<32768xi32, #tpu.memory_space<vmem>>, vector<16xi32>,
      %parallel_loop3A_1021 = arith.constant 1023 : i32
      %parallel_loop3A_1022 = vector.broadcast %parallel_loop3A_1021 : i32 to vector<16xi32>
      %parallel_loop3A_1023 = arith.andi %parallel_loop3A_1020, %parallel_loop3A_1022 : vector<16xi32>
      %parallel_loop3A_1024 = arith.constant 10 : i32
      %parallel_loop3A_1025 = vector.broadcast %parallel_loop3A_1024 : i32 to vector<16xi32>
      %parallel_loop3A_1026 = arith.shrsi %parallel_loop3A_1020, %parallel_loop3A_1025 : vector<16xi32>
      %parallel_loop3A_1027 = vector.broadcast %or3A : i32 to vector<16xi32>
      %parallel_loop3A_1028 = arith.cmpi eq, %parallel_loop3A_1026, %parallel_loop3A_1027 : vector<16xi32>
      tpu.vector_store_idx %arg7[%parallel_loop3A_1023], %broadcast_in_dim3A_29 masked %parallel_loop3A_1028 {add = true} : memref<2048xi32, #tpu.memory_space<vmem>>[vector<16xi32>], vector<16xi32>, vector<16xi1>
    } {sc.loop_unroll_factor = 8 : i64, sc.parallel_access}
    %scan3A_336 = arith.constant 0 : i32
    %scan3A_337 = arith.constant 0 : i32
    %scan3A_338 = arith.constant 0 : i32
    %scan3A_339 = arith.constant 0 : i32
    %scan3A_340 = arith.constant 0 : i32
    %scan3A_341 = arith.constant 16 : i32
    %scan3A_342 = arith.addi %scan3A_340, %scan3A_341 : i32
    %scan3A_343 = arith.constant 1 : i32
    %scan3A_344:4 = scf.for %scan3A_1018 = %scan3A_340 to %scan3A_342 step %scan3A_343 iter_args(%scan3A_1019 = %scan3A_336, %scan3A_1020 = %scan3A_337, %scan3A_1021 = %scan3A_338, %scan3A_1022 = %scan3A_339) -> (i32, i32, i32, i32)  : i32 {
      %add3A_1023 = arith.constant 1 : i32
      %add3A_1024 = arith.addi %scan3A_1018, %add3A_1023 : i32
      %mul3A_1025 = arith.constant 64 : i32
      %mul3A_1026 = arith.muli %mul3A_1025, %add3A_1024 : i32
      %sub3A_1027 = arith.constant 1024 : i32
      %sub3A_1028 = arith.subi %sub3A_1027, %mul3A_1026 : i32
      %get3A_1029 = arith.index_cast %sub3A_1028 : i32 to index
      %get3A_1030 = tpu.vector_load %arg7[%get3A_1029] {strides = array<i32>} : memref<2048xi32, #tpu.memory_space<vmem>>, vector<16xi32>,
      %add3A_1031 = arith.constant 16 : i32
      %add3A_1032 = arith.addi %sub3A_1028, %add3A_1031 : i32
      %get3A_1033 = arith.index_cast %add3A_1032 : i32 to index
      %get3A_1034 = tpu.vector_load %arg7[%get3A_1033] {strides = array<i32>} : memref<2048xi32, #tpu.memory_space<vmem>>, vector<16xi32>,
      %add3A_1035 = arith.addi %get3A_1030, %get3A_1034 : vector<16xi32>
      %add3A_1036 = arith.constant 32 : i32
      %add3A_1037 = arith.addi %sub3A_1028, %add3A_1036 : i32
      %get3A_1038 = arith.index_cast %add3A_1037 : i32 to index
      %get3A_1039 = tpu.vector_load %arg7[%get3A_1038] {strides = array<i32>} : memref<2048xi32, #tpu.memory_space<vmem>>, vector<16xi32>,
      %add3A_1040 = arith.constant 48 : i32
      %add3A_1041 = arith.addi %sub3A_1028, %add3A_1040 : i32
      %get3A_1042 = arith.index_cast %add3A_1041 : i32 to index
      %get3A_1043 = tpu.vector_load %arg7[%get3A_1042] {strides = array<i32>} : memref<2048xi32, #tpu.memory_space<vmem>>, vector<16xi32>,
      %add3A_1044 = arith.addi %get3A_1039, %get3A_1043 : vector<16xi32>
      %add3A_1045 = arith.addi %add3A_1035, %add3A_1044 : vector<16xi32>
      %reduce_sum3A_1046 = arith.constant true
      %reduce_sum3A_1047 = vector.broadcast %reduce_sum3A_1046 : i1 to vector<16xi1>
      %reduce_sum3A_1048 = tpu.scan <sum>, %add3A_1045 masked %reduce_sum3A_1047 : vector<16xi32>, vector<16xi1> -> vector<16xi32>
      %reduce_sum3A_1049 = vector.extract %reduce_sum3A_1048[15] : i32 from vector<16xi32>
      %eq3A_1050 = arith.constant 0 : i32
      %eq3A_1051 = arith.cmpi eq, %scan3A_1019, %eq3A_1050 : i32
      %add3A_1052 = arith.addi %scan3A_1022, %reduce_sum3A_1049 : i32
      %ge3A_1053 = arith.cmpi sge, %add3A_1052, %sub3A_329 : i32
      %and3A_1054 = arith.andi %eq3A_1051, %ge3A_1053 : i1
      %select_n3A_1055 = arith.select %and3A_1054, %sub3A_1028, %scan3A_1020 : i32
      %select_n3A_1056 = arith.select %and3A_1054, %scan3A_1022, %scan3A_1021 : i32
      %jit3A_1057 = arith.constant 1 : i32
      %select_n3A_1058 = arith.select %and3A_1054, %jit3A_1057, %scan3A_1019 : i32
      %add3A_1059 = arith.addi %scan3A_1022, %reduce_sum3A_1049 : i32
      scf.yield %select_n3A_1058, %select_n3A_1055, %select_n3A_1056, %add3A_1059 : i32, i32, i32, i32
    }
    %scan3A_345 = arith.constant 16 : i32
    %add3A_346 = arith.constant 48 : i32
    %add3A_347 = arith.addi %scan3A_344#1, %add3A_346 : i32
    %get3A_348 = arith.index_cast %add3A_347 : i32 to index
    %get3A_349 = tpu.vector_load %arg7[%get3A_348] {strides = array<i32>} : memref<2048xi32, #tpu.memory_space<vmem>>, vector<16xi32>,
    %reduce_sum3A_350 = arith.constant true
    %reduce_sum3A_351 = vector.broadcast %reduce_sum3A_350 : i1 to vector<16xi1>
    %reduce_sum3A_352 = tpu.scan <sum>, %get3A_349 masked %reduce_sum3A_351 : vector<16xi32>, vector<16xi1> -> vector<16xi32>
    %reduce_sum3A_353 = vector.extract %reduce_sum3A_352[15] : i32 from vector<16xi32>
    %eq3A_354 = arith.constant 0 : i32
    %eq3A_355 = arith.constant 0 : i32
    %eq3A_356 = arith.cmpi eq, %eq3A_354, %eq3A_355 : i32
    %add3A_357 = arith.addi %scan3A_344#2, %reduce_sum3A_353 : i32
    %ge3A_358 = arith.cmpi sge, %add3A_357, %sub3A_329 : i32
    %and3A_359 = arith.andi %eq3A_356, %ge3A_358 : i1
    %eq3A_360 = arith.constant 0 : i32
    %eq3A_361 = arith.constant 0 : i32
    %eq3A_362 = arith.cmpi eq, %eq3A_360, %eq3A_361 : i32
    %not3A_363 = arith.constant true
    %not3A_364 = arith.xori %and3A_359, %not3A_363 : i1
    %and3A_365 = arith.andi %eq3A_362, %not3A_364 : i1
    %jit3A_366 = arith.constant 0 : i32
    %select_n3A_367 = arith.select %and3A_359, %add3A_347, %jit3A_366 : i32
    %add3A_368 = arith.addi %scan3A_344#2, %reduce_sum3A_353 : i32
    %select_n3A_369 = arith.select %and3A_365, %add3A_368, %scan3A_344#2 : i32
    %jit3A_370 = arith.constant 1 : i32
    %jit3A_371 = arith.constant 0 : i32
    %select_n3A_372 = arith.select %and3A_359, %jit3A_370, %jit3A_371 : i32
    %add3A_373 = arith.constant 32 : i32
    %add3A_374 = arith.addi %scan3A_344#1, %add3A_373 : i32
    %get3A_375 = arith.index_cast %add3A_374 : i32 to index
    %get3A_376 = tpu.vector_load %arg7[%get3A_375] {strides = array<i32>} : memref<2048xi32, #tpu.memory_space<vmem>>, vector<16xi32>,
    %reduce_sum3A_377 = arith.constant true
    %reduce_sum3A_378 = vector.broadcast %reduce_sum3A_377 : i1 to vector<16xi1>
    %reduce_sum3A_379 = tpu.scan <sum>, %get3A_376 masked %reduce_sum3A_378 : vector<16xi32>, vector<16xi1> -> vector<16xi32>
    %reduce_sum3A_380 = vector.extract %reduce_sum3A_379[15] : i32 from vector<16xi32>
    %eq3A_381 = arith.constant 0 : i32
    %eq3A_382 = arith.cmpi eq, %select_n3A_372, %eq3A_381 : i32
    %add3A_383 = arith.addi %select_n3A_369, %reduce_sum3A_380 : i32
    %ge3A_384 = arith.cmpi sge, %add3A_383, %sub3A_329 : i32
    %and3A_385 = arith.andi %eq3A_382, %ge3A_384 : i1
    %eq3A_386 = arith.constant 0 : i32
    %eq3A_387 = arith.cmpi eq, %select_n3A_372, %eq3A_386 : i32
    %not3A_388 = arith.constant true
    %not3A_389 = arith.xori %and3A_385, %not3A_388 : i1
    %and3A_390 = arith.andi %eq3A_387, %not3A_389 : i1
    %select_n3A_391 = arith.select %and3A_385, %add3A_374, %select_n3A_367 : i32
    %add3A_392 = arith.addi %select_n3A_369, %reduce_sum3A_380 : i32
    %select_n3A_393 = arith.select %and3A_390, %add3A_392, %select_n3A_369 : i32
    %jit3A_394 = arith.constant 1 : i32
    %select_n3A_395 = arith.select %and3A_385, %jit3A_394, %select_n3A_372 : i32
    %add3A_396 = arith.constant 16 : i32
    %add3A_397 = arith.addi %scan3A_344#1, %add3A_396 : i32
    %get3A_398 = arith.index_cast %add3A_397 : i32 to index
    %get3A_399 = tpu.vector_load %arg7[%get3A_398] {strides = array<i32>} : memref<2048xi32, #tpu.memory_space<vmem>>, vector<16xi32>,
    %reduce_sum3A_400 = arith.constant true
    %reduce_sum3A_401 = vector.broadcast %reduce_sum3A_400 : i1 to vector<16xi1>
    %reduce_sum3A_402 = tpu.scan <sum>, %get3A_399 masked %reduce_sum3A_401 : vector<16xi32>, vector<16xi1> -> vector<16xi32>
    %reduce_sum3A_403 = vector.extract %reduce_sum3A_402[15] : i32 from vector<16xi32>
    %eq3A_404 = arith.constant 0 : i32
    %eq3A_405 = arith.cmpi eq, %select_n3A_395, %eq3A_404 : i32
    %add3A_406 = arith.addi %select_n3A_393, %reduce_sum3A_403 : i32
    %ge3A_407 = arith.cmpi sge, %add3A_406, %sub3A_329 : i32
    %and3A_408 = arith.andi %eq3A_405, %ge3A_407 : i1
    %eq3A_409 = arith.constant 0 : i32
    %eq3A_410 = arith.cmpi eq, %select_n3A_395, %eq3A_409 : i32
    %not3A_411 = arith.constant true
    %not3A_412 = arith.xori %and3A_408, %not3A_411 : i1
    %and3A_413 = arith.andi %eq3A_410, %not3A_412 : i1
    %select_n3A_414 = arith.select %and3A_408, %add3A_397, %select_n3A_391 : i32
    %add3A_415 = arith.addi %select_n3A_393, %reduce_sum3A_403 : i32
    %select_n3A_416 = arith.select %and3A_413, %add3A_415, %select_n3A_393 : i32
    %jit3A_417 = arith.constant 1 : i32
    %select_n3A_418 = arith.select %and3A_408, %jit3A_417, %select_n3A_395 : i32
    %add3A_419 = arith.constant 0 : i32
    %add3A_420 = arith.addi %scan3A_344#1, %add3A_419 : i32
    %get3A_421 = arith.index_cast %add3A_420 : i32 to index
    %get3A_422 = tpu.vector_load %arg7[%get3A_421] {strides = array<i32>} : memref<2048xi32, #tpu.memory_space<vmem>>, vector<16xi32>,
    %reduce_sum3A_423 = arith.constant true
    %reduce_sum3A_424 = vector.broadcast %reduce_sum3A_423 : i1 to vector<16xi1>
    %reduce_sum3A_425 = tpu.scan <sum>, %get3A_422 masked %reduce_sum3A_424 : vector<16xi32>, vector<16xi1> -> vector<16xi32>
    %reduce_sum3A_426 = vector.extract %reduce_sum3A_425[15] : i32 from vector<16xi32>
    %eq3A_427 = arith.constant 0 : i32
    %eq3A_428 = arith.cmpi eq, %select_n3A_418, %eq3A_427 : i32
    %add3A_429 = arith.addi %select_n3A_416, %reduce_sum3A_426 : i32
    %ge3A_430 = arith.cmpi sge, %add3A_429, %sub3A_329 : i32
    %and3A_431 = arith.andi %eq3A_428, %ge3A_430 : i1
    %eq3A_432 = arith.constant 0 : i32
    %eq3A_433 = arith.cmpi eq, %select_n3A_418, %eq3A_432 : i32
    %not3A_434 = arith.constant true
    %not3A_435 = arith.xori %and3A_431, %not3A_434 : i1
    %and3A_436 = arith.andi %eq3A_433, %not3A_435 : i1
    %select_n3A_437 = arith.select %and3A_431, %add3A_420, %select_n3A_414 : i32
    %add3A_438 = arith.addi %select_n3A_416, %reduce_sum3A_426 : i32
    %select_n3A_439 = arith.select %and3A_436, %add3A_438, %select_n3A_416 : i32
    %jit3A_440 = arith.constant 1 : i32
    %select_n3A_441 = arith.select %and3A_431, %jit3A_440, %select_n3A_418 : i32
    %iota3A_442 = tpu.iota {dimensions = array<i32: 0>} : vector<16xi32>
    %get3A_443 = arith.index_cast %select_n3A_437 : i32 to index
    %get3A_444 = tpu.vector_load %arg7[%get3A_443] {strides = array<i32>} : memref<2048xi32, #tpu.memory_space<vmem>>, vector<16xi32>,
    %rev3A_445 = arith.constant 15 : i32
    %rev3A_446 = vector.broadcast %rev3A_445 : i32 to vector<16xi32>
    %rev3A_447 = tpu.iota {dimensions = array<i32: 0>} : vector<16xi32>
    %rev3A_448 = arith.subi %rev3A_446, %rev3A_447 : vector<16xi32>
    %rev3A_449 = tpu.dynamic_gather %get3A_444[%rev3A_448] in [0] : vector<16xi32>, vector<16xi32> -> vector<16xi32>
    %cumsum3A_450 = arith.constant true
    %cumsum3A_451 = vector.broadcast %cumsum3A_450 : i1 to vector<16xi1>
    %cumsum3A_452 = tpu.scan <sum>, %rev3A_449 masked %cumsum3A_451 : vector<16xi32>, vector<16xi1> -> vector<16xi32>
    %add3A_453 = vector.broadcast %select_n3A_439 : i32 to vector<16xi32>
    %add3A_454 = arith.addi %add3A_453, %cumsum3A_452 : vector<16xi32>
    %ge3A_455 = vector.broadcast %sub3A_329 : i32 to vector<16xi32>
    %ge3A_456 = arith.cmpi sge, %add3A_454, %ge3A_455 : vector<16xi32>
    %convert_element_type3A_457 = arith.extui %ge3A_456 : vector<16xi1> to vector<16xi32>
    %reduce_sum3A_458 = arith.constant true
    %reduce_sum3A_459 = vector.broadcast %reduce_sum3A_458 : i1 to vector<16xi1>
    %reduce_sum3A_460 = tpu.scan <sum>, %convert_element_type3A_457 masked %reduce_sum3A_459 : vector<16xi32>, vector<16xi1> -> vector<16xi32>
    %reduce_sum3A_461 = vector.extract %reduce_sum3A_460[15] : i32 from vector<16xi32>
    %sub3A_462 = arith.constant 16 : i32
    %sub3A_463 = arith.subi %sub3A_462, %reduce_sum3A_461 : i32
    %add3A_464 = arith.constant 15 : i32
    %add3A_465 = arith.addi %select_n3A_437, %add3A_464 : i32
    %sub3A_466 = arith.subi %add3A_465, %sub3A_463 : i32
    %jit3A_467 = arith.constant 0 : i32
    %broadcast_in_dim3A_468 = vector.broadcast %jit3A_467 : i32 to vector<16xi32>
    %select_n3A_469 = arith.select %ge3A_456, %broadcast_in_dim3A_468, %rev3A_449 : vector<16xi1>, vector<16xi32>
    %reduce_sum3A_470 = arith.constant true
    %reduce_sum3A_471 = vector.broadcast %reduce_sum3A_470 : i1 to vector<16xi1>
    %reduce_sum3A_472 = tpu.scan <sum>, %select_n3A_469 masked %reduce_sum3A_471 : vector<16xi32>, vector<16xi1> -> vector<16xi32>
    %reduce_sum3A_473 = vector.extract %reduce_sum3A_472[15] : i32 from vector<16xi32>
    %add3A_474 = arith.addi %select_n3A_439, %reduce_sum3A_473 : i32
    %eq3A_475 = vector.broadcast %sub3A_463 : i32 to vector<16xi32>
    %eq3A_476 = arith.cmpi eq, %iota3A_442, %eq3A_475 : vector<16xi32>
    %jit3A_477 = arith.constant 0 : i32
    %broadcast_in_dim3A_478 = vector.broadcast %jit3A_477 : i32 to vector<16xi32>
    %select_n3A_479 = arith.select %eq3A_476, %rev3A_449, %broadcast_in_dim3A_478 : vector<16xi1>, vector<16xi32>
    %reduce_sum3A_480 = arith.constant true
    %reduce_sum3A_481 = vector.broadcast %reduce_sum3A_480 : i1 to vector<16xi1>
    %reduce_sum3A_482 = tpu.scan <sum>, %select_n3A_479 masked %reduce_sum3A_481 : vector<16xi32>, vector<16xi1> -> vector<16xi32>
    %reduce_sum3A_483 = vector.extract %reduce_sum3A_482[15] : i32 from vector<16xi32>
    %shift_left3A_484 = arith.constant 10 : i32
    %shift_left3A_485 = arith.shli %or3A, %shift_left3A_484 : i32
    %or3A_486 = arith.ori %shift_left3A_485, %sub3A_466 : i32
    %sub3A_487 = arith.subi %sub3A_329, %add3A_474 : i32
    %eq3A_488 = arith.cmpi eq, %reduce_sum3A_483, %sub3A_487 : i32
    %convert_element_type3A_489 = arith.extui %eq3A_488 : i1 to i32
    %cond3A = arith.constant 1.000000e+00 : f32
    %cond3A_490 = arith.constant 0.000000e+00 : f32
    %cond3A_491 = arith.constant 0 : i32
    %cond3A_492 = arith.constant 0 : i32
    %cond3A_493 = arith.cmpi ne, %convert_element_type3A_489, %cond3A_492 : i32
    %cond3A_494 = scf.if %cond3A_493 -> (i32) {
      %parallel_loop3A_1018 = arith.constant 0 : i32
      %parallel_loop3A_1019 = arith.constant 32768 : i32
      %parallel_loop3A_1020 = arith.constant 16 : i32
      scf.for %parallel_loop3A_1021 = %parallel_loop3A_1018 to %parallel_loop3A_1019 step %parallel_loop3A_1020  : i32 {
        %parallel_loop3A_1022 = arith.index_cast %parallel_loop3A_1021 : i32 to index
        %parallel_loop3A_1023 = tpu.vector_load %arg6[%parallel_loop3A_1022] {strides = array<i32>} : memref<32768xi32, #tpu.memory_space<vmem>>, vector<16xi32>,
        %parallel_loop3A_1024 = vector.broadcast %or3A_486 : i32 to vector<16xi32>
        %parallel_loop3A_1025 = arith.cmpi sge, %parallel_loop3A_1023, %parallel_loop3A_1024 : vector<16xi32>
        %parallel_loop3A_1026 = vector.broadcast %cond3A : f32 to vector<16xf32>
        %parallel_loop3A_1027 = vector.broadcast %cond3A_490 : f32 to vector<16xf32>
        %parallel_loop3A_1028 = arith.select %parallel_loop3A_1025, %parallel_loop3A_1026, %parallel_loop3A_1027 : vector<16xi1>, vector<16xf32>
        %parallel_loop3A_1029 = arith.index_cast %parallel_loop3A_1021 : i32 to index
        %parallel_loop3A_1030 = tpu.vector_load %arg4[%parallel_loop3A_1029] {strides = array<i32>} : memref<32768xf32, #tpu.memory_space<vmem>>, vector<16xf32>,
        tpu.vector_store %arg4[%parallel_loop3A_1029], %parallel_loop3A_1028 {strides = array<i32>} : memref<32768xf32, #tpu.memory_space<vmem>>, vector<16xf32>,
      } {sc.loop_unroll_factor = 8 : i64, sc.parallel_access}
      scf.yield %cond3A_491 : i32
    } else {
      %scan3A_1018 = arith.constant 0 : i32
      %scan3A_1019 = arith.constant 2048 : i32
      %scan3A_1020 = arith.addi %scan3A_1018, %scan3A_1019 : i32
      %scan3A_1021 = arith.constant 1 : i32
      %scan3A_1022 = scf.for %scan3A_1024 = %scan3A_1018 to %scan3A_1020 step %scan3A_1021 iter_args(%scan3A_1025 = %cond3A_491) -> (i32)  : i32 {
        %mul3A_1026 = arith.constant 16 : i32
        %mul3A_1027 = arith.muli %scan3A_1024, %mul3A_1026 : i32
        %get3A_1028 = arith.index_cast %mul3A_1027 : i32 to index
        %get3A_1029 = tpu.vector_load %arg6[%get3A_1028] {strides = array<i32>} : memref<32768xi32, #tpu.memory_space<vmem>>, vector<16xi32>,
        %eq3A_1030 = vector.broadcast %or3A_486 : i32 to vector<16xi32>
        %eq3A_1031 = arith.cmpi eq, %get3A_1029, %eq3A_1030 : vector<16xi32>
        %convert_element_type3A_1032 = arith.extui %eq3A_1031 : vector<16xi1> to vector<16xi32>
        %cumsum3A_1033 = arith.constant true
        %cumsum3A_1034 = vector.broadcast %cumsum3A_1033 : i1 to vector<16xi1>
        %cumsum3A_1035 = tpu.scan <sum>, %convert_element_type3A_1032 masked %cumsum3A_1034 : vector<16xi32>, vector<16xi1> -> vector<16xi32>
        %add3A_1036 = vector.broadcast %scan3A_1025 : i32 to vector<16xi32>
        %add3A_1037 = arith.addi %add3A_1036, %cumsum3A_1035 : vector<16xi32>
        %le3A = vector.broadcast %sub3A_487 : i32 to vector<16xi32>
        %le3A_1038 = arith.cmpi sle, %add3A_1037, %le3A : vector<16xi32>
        %and3A_1039 = arith.andi %eq3A_1031, %le3A_1038 : vector<16xi1>
        %gt3A = vector.broadcast %or3A_486 : i32 to vector<16xi32>
        %gt3A_1040 = arith.cmpi sgt, %get3A_1029, %gt3A : vector<16xi32>
        %or3A_1041 = arith.ori %gt3A_1040, %and3A_1039 : vector<16xi1>
        %broadcast_in_dim3A_1042 = vector.broadcast %cond3A : f32 to vector<16xf32>
        %broadcast_in_dim3A_1043 = vector.broadcast %cond3A_490 : f32 to vector<16xf32>
        %select_n3A_1044 = arith.select %or3A_1041, %broadcast_in_dim3A_1042, %broadcast_in_dim3A_1043 : vector<16xi1>, vector<16xf32>
        %mul3A_1045 = arith.constant 16 : i32
        %mul3A_1046 = arith.muli %scan3A_1024, %mul3A_1045 : i32
        %swap3A = arith.index_cast %mul3A_1046 : i32 to index
        %swap3A_1047 = tpu.vector_load %arg4[%swap3A] {strides = array<i32>} : memref<32768xf32, #tpu.memory_space<vmem>>, vector<16xf32>,
        tpu.vector_store %arg4[%swap3A], %select_n3A_1044 {strides = array<i32>} : memref<32768xf32, #tpu.memory_space<vmem>>, vector<16xf32>,
        %reduce_sum3A_1048 = arith.constant true
        %reduce_sum3A_1049 = vector.broadcast %reduce_sum3A_1048 : i1 to vector<16xi1>
        %reduce_sum3A_1050 = tpu.scan <sum>, %convert_element_type3A_1032 masked %reduce_sum3A_1049 : vector<16xi32>, vector<16xi1> -> vector<16xi32>
        %reduce_sum3A_1051 = vector.extract %reduce_sum3A_1050[15] : i32 from vector<16xi32>
        %add3A_1052 = arith.addi %scan3A_1025, %reduce_sum3A_1051 : i32
        scf.yield %add3A_1052 : i32
      }
      %scan3A_1023 = arith.constant 2048 : i32
      scf.yield %scan3A_1022 : i32
    }
    %dma_start3A_495 = arith.constant 0 : i32
    %dma_start3A_496 = tpu.memref_slice %arg3[%mul3A_2, %dma_start3A_495] : memref<64x32768xf32, #tpu.memory_space<hbm>> -> memref<1x32768xf32, #tpu.memory_space<hbm>>
    %dma_start3A_497 = tpu.memref_squeeze %dma_start3A_496 : memref<1x32768xf32, #tpu.memory_space<hbm>> -> memref<32768xf32, #tpu.memory_space<hbm>>
    %dma_start3A_498 = arith.constant 0 : i32
    %dma_start3A_499 = tpu.memref_slice %arg3[%mul3A_2, %dma_start3A_498] : memref<64x32768xf32, #tpu.memory_space<hbm>> -> memref<1x32768xf32, #tpu.memory_space<hbm>>
    %dma_start3A_500 = tpu.memref_squeeze %dma_start3A_499 : memref<1x32768xf32, #tpu.memory_space<hbm>> -> memref<32768xf32, #tpu.memory_space<hbm>>
    tpu.enqueue_dma source(%arg4 : memref<32768xf32, #tpu.memory_space<vmem>>) target(%dma_start3A_500 : memref<32768xf32, #tpu.memory_space<hbm>>) target_semaphore(%arg8 : memref<!tpu.dma_semaphore, #tpu.memory_space<semaphore_mem>>)
    %dma_wait3A_501 = arith.constant 0 : i32
    %dma_wait3A_502 = tpu.memref_slice %arg2[%add3A_4, %dma_wait3A_501] : memref<64x32768xf32, #tpu.memory_space<hbm>> -> memref<1x32768xf32, #tpu.memory_space<hbm>>
    %dma_wait3A_503 = tpu.memref_squeeze %dma_wait3A_502 : memref<1x32768xf32, #tpu.memory_space<hbm>> -> memref<32768xf32, #tpu.memory_space<hbm>>
    %dma_wait3A_504 = arith.constant 0 : i32
    %dma_wait3A_505 = tpu.memref_slice %arg2[%add3A_4, %dma_wait3A_504] : memref<64x32768xf32, #tpu.memory_space<hbm>> -> memref<1x32768xf32, #tpu.memory_space<hbm>>
    %dma_wait3A_506 = tpu.memref_squeeze %dma_wait3A_505 : memref<1x32768xf32, #tpu.memory_space<hbm>> -> memref<32768xf32, #tpu.memory_space<hbm>>
    tpu.wait_dma2 semaphore(%arg9 : memref<!tpu.dma_semaphore, #tpu.memory_space<semaphore_mem>>) src(%dma_wait3A_506 : memref<32768xf32, #tpu.memory_space<hbm>>) dst(%arg5 : memref<32768xf32, #tpu.memory_space<vmem>>)
    %parallel_loop3A_507 = arith.constant 0 : i32
    %parallel_loop3A_508 = arith.constant 2048 : i32
    %parallel_loop3A_509 = arith.constant 16 : i32
    scf.for %parallel_loop3A_1018 = %parallel_loop3A_507 to %parallel_loop3A_508 step %parallel_loop3A_509  : i32 {
      %parallel_loop3A_1019 = arith.constant 0 : i32
      %parallel_loop3A_1020 = vector.broadcast %parallel_loop3A_1019 : i32 to vector<16xi32>
      %parallel_loop3A_1021 = arith.index_cast %parallel_loop3A_1018 : i32 to index
      %parallel_loop3A_1022 = tpu.vector_load %arg7[%parallel_loop3A_1021] {strides = array<i32>} : memref<2048xi32, #tpu.memory_space<vmem>>, vector<16xi32>,
      tpu.vector_store %arg7[%parallel_loop3A_1021], %parallel_loop3A_1020 {strides = array<i32>} : memref<2048xi32, #tpu.memory_space<vmem>>, vector<16xi32>,
    } {sc.loop_unroll_factor = 8 : i64, sc.parallel_access}
    %broadcast_in_dim3A_510 = arith.constant 1 : i32
    %broadcast_in_dim3A_511 = vector.broadcast %broadcast_in_dim3A_510 : i32 to vector<16xi32>
    %parallel_loop3A_512 = arith.constant 0 : i32
    %parallel_loop3A_513 = arith.constant 32768 : i32
    %parallel_loop3A_514 = arith.constant 16 : i32
    %parallel_loop3A_515 = arith.constant -2147483648 : i32
    scf.for %parallel_loop3A_1018 = %parallel_loop3A_512 to %parallel_loop3A_513 step %parallel_loop3A_514  : i32 {
      %parallel_loop3A_1019 = arith.index_cast %parallel_loop3A_1018 : i32 to index
      %parallel_loop3A_1020 = tpu.vector_load %arg5[%parallel_loop3A_1019] {strides = array<i32>} : memref<32768xf32, #tpu.memory_space<vmem>>, vector<16xf32>,
      %parallel_loop3A_1021 = tpu.bitcast %parallel_loop3A_1020 : vector<16xf32> -> vector<16xi32>
      %parallel_loop3A_1022 = arith.constant 31 : i32
      %parallel_loop3A_1023 = vector.broadcast %parallel_loop3A_1022 : i32 to vector<16xi32>
      %parallel_loop3A_1024 = arith.shrsi %parallel_loop3A_1021, %parallel_loop3A_1023 : vector<16xi32>
      %parallel_loop3A_1025 = arith.constant 2147483647 : i32
      %parallel_loop3A_1026 = vector.broadcast %parallel_loop3A_1025 : i32 to vector<16xi32>
      %parallel_loop3A_1027 = arith.andi %parallel_loop3A_1024, %parallel_loop3A_1026 : vector<16xi32>
      %parallel_loop3A_1028 = arith.xori %parallel_loop3A_1021, %parallel_loop3A_1027 : vector<16xi32>
      %parallel_loop3A_1029 = vector.broadcast %parallel_loop3A_515 : i32 to vector<16xi32>
      %parallel_loop3A_1030 = arith.cmpi eq, %parallel_loop3A_1021, %parallel_loop3A_1029 : vector<16xi32>
      %parallel_loop3A_1031 = arith.constant 0 : i32
      %parallel_loop3A_1032 = vector.broadcast %parallel_loop3A_1031 : i32 to vector<16xi32>
      %parallel_loop3A_1033 = arith.select %parallel_loop3A_1030, %parallel_loop3A_1032, %parallel_loop3A_1028 : vector<16xi1>, vector<16xi32>
      %parallel_loop3A_1034 = arith.index_cast %parallel_loop3A_1018 : i32 to index
      %parallel_loop3A_1035 = tpu.vector_load %arg6[%parallel_loop3A_1034] {strides = array<i32>} : memref<32768xi32, #tpu.memory_space<vmem>>, vector<16xi32>,
      tpu.vector_store %arg6[%parallel_loop3A_1034], %parallel_loop3A_1033 {strides = array<i32>} : memref<32768xi32, #tpu.memory_space<vmem>>, vector<16xi32>,
      %parallel_loop3A_1036 = arith.constant 21 : i32
      %parallel_loop3A_1037 = vector.broadcast %parallel_loop3A_1036 : i32 to vector<16xi32>
      %parallel_loop3A_1038 = arith.shrsi %parallel_loop3A_1033, %parallel_loop3A_1037 : vector<16xi32>
      %parallel_loop3A_1039 = arith.constant 1024 : i32
      %parallel_loop3A_1040 = vector.broadcast %parallel_loop3A_1039 : i32 to vector<16xi32>
      %parallel_loop3A_1041 = arith.addi %parallel_loop3A_1038, %parallel_loop3A_1040 : vector<16xi32>
      tpu.vector_store_idx %arg7[%parallel_loop3A_1041], %broadcast_in_dim3A_511 {add = true} : memref<2048xi32, #tpu.memory_space<vmem>>[vector<16xi32>], vector<16xi32>,
    } {sc.loop_unroll_factor = 8 : i64, sc.parallel_access}
    %broadcast_in_dim3A_516 = arith.constant 1 : i32
    %broadcast_in_dim3A_517 = vector.broadcast %broadcast_in_dim3A_516 : i32 to vector<16xi32>
    %scan3A_518 = arith.constant 256 : i32
    %scan3A_519 = arith.constant 0 : i32
    %scan3A_520 = arith.constant 0 : i32
    %scan3A_521 = arith.constant 0 : i32
    %scan3A_522 = arith.constant 0 : i32
    %scan3A_523 = arith.constant 0 : i32
    %scan3A_524 = arith.constant 32 : i32
    %scan3A_525 = arith.addi %scan3A_523, %scan3A_524 : i32
    %scan3A_526 = arith.constant 1 : i32
    %scan3A_527:4 = scf.for %scan3A_1018 = %scan3A_523 to %scan3A_525 step %scan3A_526 iter_args(%scan3A_1019 = %scan3A_519, %scan3A_1020 = %scan3A_520, %scan3A_1021 = %scan3A_521, %scan3A_1022 = %scan3A_522) -> (i32, i32, i32, i32)  : i32 {
      %add3A_1023 = arith.constant 1 : i32
      %add3A_1024 = arith.addi %scan3A_1018, %add3A_1023 : i32
      %mul3A_1025 = arith.constant 64 : i32
      %mul3A_1026 = arith.muli %mul3A_1025, %add3A_1024 : i32
      %sub3A_1027 = arith.constant 2048 : i32
      %sub3A_1028 = arith.subi %sub3A_1027, %mul3A_1026 : i32
      %get3A_1029 = arith.index_cast %sub3A_1028 : i32 to index
      %get3A_1030 = tpu.vector_load %arg7[%get3A_1029] {strides = array<i32>} : memref<2048xi32, #tpu.memory_space<vmem>>, vector<16xi32>,
      %add3A_1031 = arith.constant 16 : i32
      %add3A_1032 = arith.addi %sub3A_1028, %add3A_1031 : i32
      %get3A_1033 = arith.index_cast %add3A_1032 : i32 to index
      %get3A_1034 = tpu.vector_load %arg7[%get3A_1033] {strides = array<i32>} : memref<2048xi32, #tpu.memory_space<vmem>>, vector<16xi32>,
      %add3A_1035 = arith.addi %get3A_1030, %get3A_1034 : vector<16xi32>
      %add3A_1036 = arith.constant 32 : i32
      %add3A_1037 = arith.addi %sub3A_1028, %add3A_1036 : i32
      %get3A_1038 = arith.index_cast %add3A_1037 : i32 to index
      %get3A_1039 = tpu.vector_load %arg7[%get3A_1038] {strides = array<i32>} : memref<2048xi32, #tpu.memory_space<vmem>>, vector<16xi32>,
      %add3A_1040 = arith.constant 48 : i32
      %add3A_1041 = arith.addi %sub3A_1028, %add3A_1040 : i32
      %get3A_1042 = arith.index_cast %add3A_1041 : i32 to index
      %get3A_1043 = tpu.vector_load %arg7[%get3A_1042] {strides = array<i32>} : memref<2048xi32, #tpu.memory_space<vmem>>, vector<16xi32>,
      %add3A_1044 = arith.addi %get3A_1039, %get3A_1043 : vector<16xi32>
      %add3A_1045 = arith.addi %add3A_1035, %add3A_1044 : vector<16xi32>
      %reduce_sum3A_1046 = arith.constant true
      %reduce_sum3A_1047 = vector.broadcast %reduce_sum3A_1046 : i1 to vector<16xi1>
      %reduce_sum3A_1048 = tpu.scan <sum>, %add3A_1045 masked %reduce_sum3A_1047 : vector<16xi32>, vector<16xi1> -> vector<16xi32>
      %reduce_sum3A_1049 = vector.extract %reduce_sum3A_1048[15] : i32 from vector<16xi32>
      %eq3A_1050 = arith.constant 0 : i32
      %eq3A_1051 = arith.cmpi eq, %scan3A_1019, %eq3A_1050 : i32
      %add3A_1052 = arith.addi %scan3A_1022, %reduce_sum3A_1049 : i32
      %ge3A_1053 = arith.cmpi sge, %add3A_1052, %scan3A_518 : i32
      %and3A_1054 = arith.andi %eq3A_1051, %ge3A_1053 : i1
      %select_n3A_1055 = arith.select %and3A_1054, %sub3A_1028, %scan3A_1020 : i32
      %select_n3A_1056 = arith.select %and3A_1054, %scan3A_1022, %scan3A_1021 : i32
      %jit3A_1057 = arith.constant 1 : i32
      %select_n3A_1058 = arith.select %and3A_1054, %jit3A_1057, %scan3A_1019 : i32
      %add3A_1059 = arith.addi %scan3A_1022, %reduce_sum3A_1049 : i32
      scf.yield %select_n3A_1058, %select_n3A_1055, %select_n3A_1056, %add3A_1059 : i32, i32, i32, i32
    }
    %scan3A_528 = arith.constant 32 : i32
    %add3A_529 = arith.constant 48 : i32
    %add3A_530 = arith.addi %scan3A_527#1, %add3A_529 : i32
    %get3A_531 = arith.index_cast %add3A_530 : i32 to index
    %get3A_532 = tpu.vector_load %arg7[%get3A_531] {strides = array<i32>} : memref<2048xi32, #tpu.memory_space<vmem>>, vector<16xi32>,
    %reduce_sum3A_533 = arith.constant true
    %reduce_sum3A_534 = vector.broadcast %reduce_sum3A_533 : i1 to vector<16xi1>
    %reduce_sum3A_535 = tpu.scan <sum>, %get3A_532 masked %reduce_sum3A_534 : vector<16xi32>, vector<16xi1> -> vector<16xi32>
    %reduce_sum3A_536 = vector.extract %reduce_sum3A_535[15] : i32 from vector<16xi32>
    %eq3A_537 = arith.constant 0 : i32
    %eq3A_538 = arith.constant 0 : i32
    %eq3A_539 = arith.cmpi eq, %eq3A_537, %eq3A_538 : i32
    %add3A_540 = arith.addi %scan3A_527#2, %reduce_sum3A_536 : i32
    %ge3A_541 = arith.constant 256 : i32
    %ge3A_542 = arith.cmpi sge, %add3A_540, %ge3A_541 : i32
    %and3A_543 = arith.andi %eq3A_539, %ge3A_542 : i1
    %eq3A_544 = arith.constant 0 : i32
    %eq3A_545 = arith.constant 0 : i32
    %eq3A_546 = arith.cmpi eq, %eq3A_544, %eq3A_545 : i32
    %not3A_547 = arith.constant true
    %not3A_548 = arith.xori %and3A_543, %not3A_547 : i1
    %and3A_549 = arith.andi %eq3A_546, %not3A_548 : i1
    %jit3A_550 = arith.constant 0 : i32
    %select_n3A_551 = arith.select %and3A_543, %add3A_530, %jit3A_550 : i32
    %add3A_552 = arith.addi %scan3A_527#2, %reduce_sum3A_536 : i32
    %select_n3A_553 = arith.select %and3A_549, %add3A_552, %scan3A_527#2 : i32
    %jit3A_554 = arith.constant 1 : i32
    %jit3A_555 = arith.constant 0 : i32
    %select_n3A_556 = arith.select %and3A_543, %jit3A_554, %jit3A_555 : i32
    %add3A_557 = arith.constant 32 : i32
    %add3A_558 = arith.addi %scan3A_527#1, %add3A_557 : i32
    %get3A_559 = arith.index_cast %add3A_558 : i32 to index
    %get3A_560 = tpu.vector_load %arg7[%get3A_559] {strides = array<i32>} : memref<2048xi32, #tpu.memory_space<vmem>>, vector<16xi32>,
    %reduce_sum3A_561 = arith.constant true
    %reduce_sum3A_562 = vector.broadcast %reduce_sum3A_561 : i1 to vector<16xi1>
    %reduce_sum3A_563 = tpu.scan <sum>, %get3A_560 masked %reduce_sum3A_562 : vector<16xi32>, vector<16xi1> -> vector<16xi32>
    %reduce_sum3A_564 = vector.extract %reduce_sum3A_563[15] : i32 from vector<16xi32>
    %eq3A_565 = arith.constant 0 : i32
    %eq3A_566 = arith.cmpi eq, %select_n3A_556, %eq3A_565 : i32
    %add3A_567 = arith.addi %select_n3A_553, %reduce_sum3A_564 : i32
    %ge3A_568 = arith.constant 256 : i32
    %ge3A_569 = arith.cmpi sge, %add3A_567, %ge3A_568 : i32
    %and3A_570 = arith.andi %eq3A_566, %ge3A_569 : i1
    %eq3A_571 = arith.constant 0 : i32
    %eq3A_572 = arith.cmpi eq, %select_n3A_556, %eq3A_571 : i32
    %not3A_573 = arith.constant true
    %not3A_574 = arith.xori %and3A_570, %not3A_573 : i1
    %and3A_575 = arith.andi %eq3A_572, %not3A_574 : i1
    %select_n3A_576 = arith.select %and3A_570, %add3A_558, %select_n3A_551 : i32
    %add3A_577 = arith.addi %select_n3A_553, %reduce_sum3A_564 : i32
    %select_n3A_578 = arith.select %and3A_575, %add3A_577, %select_n3A_553 : i32
    %jit3A_579 = arith.constant 1 : i32
    %select_n3A_580 = arith.select %and3A_570, %jit3A_579, %select_n3A_556 : i32
    %add3A_581 = arith.constant 16 : i32
    %add3A_582 = arith.addi %scan3A_527#1, %add3A_581 : i32
    %get3A_583 = arith.index_cast %add3A_582 : i32 to index
    %get3A_584 = tpu.vector_load %arg7[%get3A_583] {strides = array<i32>} : memref<2048xi32, #tpu.memory_space<vmem>>, vector<16xi32>,
    %reduce_sum3A_585 = arith.constant true
    %reduce_sum3A_586 = vector.broadcast %reduce_sum3A_585 : i1 to vector<16xi1>
    %reduce_sum3A_587 = tpu.scan <sum>, %get3A_584 masked %reduce_sum3A_586 : vector<16xi32>, vector<16xi1> -> vector<16xi32>
    %reduce_sum3A_588 = vector.extract %reduce_sum3A_587[15] : i32 from vector<16xi32>
    %eq3A_589 = arith.constant 0 : i32
    %eq3A_590 = arith.cmpi eq, %select_n3A_580, %eq3A_589 : i32
    %add3A_591 = arith.addi %select_n3A_578, %reduce_sum3A_588 : i32
    %ge3A_592 = arith.constant 256 : i32
    %ge3A_593 = arith.cmpi sge, %add3A_591, %ge3A_592 : i32
    %and3A_594 = arith.andi %eq3A_590, %ge3A_593 : i1
    %eq3A_595 = arith.constant 0 : i32
    %eq3A_596 = arith.cmpi eq, %select_n3A_580, %eq3A_595 : i32
    %not3A_597 = arith.constant true
    %not3A_598 = arith.xori %and3A_594, %not3A_597 : i1
    %and3A_599 = arith.andi %eq3A_596, %not3A_598 : i1
    %select_n3A_600 = arith.select %and3A_594, %add3A_582, %select_n3A_576 : i32
    %add3A_601 = arith.addi %select_n3A_578, %reduce_sum3A_588 : i32
    %select_n3A_602 = arith.select %and3A_599, %add3A_601, %select_n3A_578 : i32
    %jit3A_603 = arith.constant 1 : i32
    %select_n3A_604 = arith.select %and3A_594, %jit3A_603, %select_n3A_580 : i32
    %add3A_605 = arith.constant 0 : i32
    %add3A_606 = arith.addi %scan3A_527#1, %add3A_605 : i32
    %get3A_607 = arith.index_cast %add3A_606 : i32 to index
    %get3A_608 = tpu.vector_load %arg7[%get3A_607] {strides = array<i32>} : memref<2048xi32, #tpu.memory_space<vmem>>, vector<16xi32>,
    %reduce_sum3A_609 = arith.constant true
    %reduce_sum3A_610 = vector.broadcast %reduce_sum3A_609 : i1 to vector<16xi1>
    %reduce_sum3A_611 = tpu.scan <sum>, %get3A_608 masked %reduce_sum3A_610 : vector<16xi32>, vector<16xi1> -> vector<16xi32>
    %reduce_sum3A_612 = vector.extract %reduce_sum3A_611[15] : i32 from vector<16xi32>
    %eq3A_613 = arith.constant 0 : i32
    %eq3A_614 = arith.cmpi eq, %select_n3A_604, %eq3A_613 : i32
    %add3A_615 = arith.addi %select_n3A_602, %reduce_sum3A_612 : i32
    %ge3A_616 = arith.constant 256 : i32
    %ge3A_617 = arith.cmpi sge, %add3A_615, %ge3A_616 : i32
    %and3A_618 = arith.andi %eq3A_614, %ge3A_617 : i1
    %eq3A_619 = arith.constant 0 : i32
    %eq3A_620 = arith.cmpi eq, %select_n3A_604, %eq3A_619 : i32
    %not3A_621 = arith.constant true
    %not3A_622 = arith.xori %and3A_618, %not3A_621 : i1
    %and3A_623 = arith.andi %eq3A_620, %not3A_622 : i1
    %select_n3A_624 = arith.select %and3A_618, %add3A_606, %select_n3A_600 : i32
    %add3A_625 = arith.addi %select_n3A_602, %reduce_sum3A_612 : i32
    %select_n3A_626 = arith.select %and3A_623, %add3A_625, %select_n3A_602 : i32
    %jit3A_627 = arith.constant 1 : i32
    %select_n3A_628 = arith.select %and3A_618, %jit3A_627, %select_n3A_604 : i32
    %iota3A_629 = tpu.iota {dimensions = array<i32: 0>} : vector<16xi32>
    %get3A_630 = arith.index_cast %select_n3A_624 : i32 to index
    %get3A_631 = tpu.vector_load %arg7[%get3A_630] {strides = array<i32>} : memref<2048xi32, #tpu.memory_space<vmem>>, vector<16xi32>,
    %rev3A_632 = arith.constant 15 : i32
    %rev3A_633 = vector.broadcast %rev3A_632 : i32 to vector<16xi32>
    %rev3A_634 = tpu.iota {dimensions = array<i32: 0>} : vector<16xi32>
    %rev3A_635 = arith.subi %rev3A_633, %rev3A_634 : vector<16xi32>
    %rev3A_636 = tpu.dynamic_gather %get3A_631[%rev3A_635] in [0] : vector<16xi32>, vector<16xi32> -> vector<16xi32>
    %cumsum3A_637 = arith.constant true
    %cumsum3A_638 = vector.broadcast %cumsum3A_637 : i1 to vector<16xi1>
    %cumsum3A_639 = tpu.scan <sum>, %rev3A_636 masked %cumsum3A_638 : vector<16xi32>, vector<16xi1> -> vector<16xi32>
    %add3A_640 = vector.broadcast %select_n3A_626 : i32 to vector<16xi32>
    %add3A_641 = arith.addi %add3A_640, %cumsum3A_639 : vector<16xi32>
    %ge3A_642 = arith.constant 256 : i32
    %ge3A_643 = vector.broadcast %ge3A_642 : i32 to vector<16xi32>
    %ge3A_644 = arith.cmpi sge, %add3A_641, %ge3A_643 : vector<16xi32>
    %convert_element_type3A_645 = arith.extui %ge3A_644 : vector<16xi1> to vector<16xi32>
    %reduce_sum3A_646 = arith.constant true
    %reduce_sum3A_647 = vector.broadcast %reduce_sum3A_646 : i1 to vector<16xi1>
    %reduce_sum3A_648 = tpu.scan <sum>, %convert_element_type3A_645 masked %reduce_sum3A_647 : vector<16xi32>, vector<16xi1> -> vector<16xi32>
    %reduce_sum3A_649 = vector.extract %reduce_sum3A_648[15] : i32 from vector<16xi32>
    %sub3A_650 = arith.constant 16 : i32
    %sub3A_651 = arith.subi %sub3A_650, %reduce_sum3A_649 : i32
    %add3A_652 = arith.constant 15 : i32
    %add3A_653 = arith.addi %select_n3A_624, %add3A_652 : i32
    %sub3A_654 = arith.subi %add3A_653, %sub3A_651 : i32
    %jit3A_655 = arith.constant 0 : i32
    %broadcast_in_dim3A_656 = vector.broadcast %jit3A_655 : i32 to vector<16xi32>
    %select_n3A_657 = arith.select %ge3A_644, %broadcast_in_dim3A_656, %rev3A_636 : vector<16xi1>, vector<16xi32>
    %reduce_sum3A_658 = arith.constant true
    %reduce_sum3A_659 = vector.broadcast %reduce_sum3A_658 : i1 to vector<16xi1>
    %reduce_sum3A_660 = tpu.scan <sum>, %select_n3A_657 masked %reduce_sum3A_659 : vector<16xi32>, vector<16xi1> -> vector<16xi32>
    %reduce_sum3A_661 = vector.extract %reduce_sum3A_660[15] : i32 from vector<16xi32>
    %add3A_662 = arith.addi %select_n3A_626, %reduce_sum3A_661 : i32
    %eq3A_663 = vector.broadcast %sub3A_651 : i32 to vector<16xi32>
    %eq3A_664 = arith.cmpi eq, %iota3A_629, %eq3A_663 : vector<16xi32>
    %jit3A_665 = arith.constant 0 : i32
    %broadcast_in_dim3A_666 = vector.broadcast %jit3A_665 : i32 to vector<16xi32>
    %select_n3A_667 = arith.select %eq3A_664, %rev3A_636, %broadcast_in_dim3A_666 : vector<16xi1>, vector<16xi32>
    %reduce_sum3A_668 = arith.constant true
    %reduce_sum3A_669 = vector.broadcast %reduce_sum3A_668 : i1 to vector<16xi1>
    %reduce_sum3A_670 = tpu.scan <sum>, %select_n3A_667 masked %reduce_sum3A_669 : vector<16xi32>, vector<16xi1> -> vector<16xi32>
    %reduce_sum3A_671 = vector.extract %reduce_sum3A_670[15] : i32 from vector<16xi32>
    %sub3A_672 = arith.constant 1024 : i32
    %sub3A_673 = arith.subi %sub3A_654, %sub3A_672 : i32
    %sub3A_674 = arith.constant 256 : i32
    %sub3A_675 = arith.subi %sub3A_674, %add3A_662 : i32
    %parallel_loop3A_676 = arith.constant 0 : i32
    %parallel_loop3A_677 = arith.constant 2048 : i32
    %parallel_loop3A_678 = arith.constant 16 : i32
    scf.for %parallel_loop3A_1018 = %parallel_loop3A_676 to %parallel_loop3A_677 step %parallel_loop3A_678  : i32 {
      %parallel_loop3A_1019 = arith.constant 0 : i32
      %parallel_loop3A_1020 = vector.broadcast %parallel_loop3A_1019 : i32 to vector<16xi32>
      %parallel_loop3A_1021 = arith.index_cast %parallel_loop3A_1018 : i32 to index
      %parallel_loop3A_1022 = tpu.vector_load %arg7[%parallel_loop3A_1021] {strides = array<i32>} : memref<2048xi32, #tpu.memory_space<vmem>>, vector<16xi32>,
      tpu.vector_store %arg7[%parallel_loop3A_1021], %parallel_loop3A_1020 {strides = array<i32>} : memref<2048xi32, #tpu.memory_space<vmem>>, vector<16xi32>,
    } {sc.loop_unroll_factor = 8 : i64, sc.parallel_access}
    %parallel_loop3A_679 = arith.constant 0 : i32
    %parallel_loop3A_680 = arith.constant 32768 : i32
    %parallel_loop3A_681 = arith.constant 16 : i32
    scf.for %parallel_loop3A_1018 = %parallel_loop3A_679 to %parallel_loop3A_680 step %parallel_loop3A_681  : i32 {
      %parallel_loop3A_1019 = arith.index_cast %parallel_loop3A_1018 : i32 to index
      %parallel_loop3A_1020 = tpu.vector_load %arg6[%parallel_loop3A_1019] {strides = array<i32>} : memref<32768xi32, #tpu.memory_space<vmem>>, vector<16xi32>,
      %parallel_loop3A_1021 = arith.constant 10 : i32
      %parallel_loop3A_1022 = vector.broadcast %parallel_loop3A_1021 : i32 to vector<16xi32>
      %parallel_loop3A_1023 = arith.shrsi %parallel_loop3A_1020, %parallel_loop3A_1022 : vector<16xi32>
      %parallel_loop3A_1024 = arith.constant 2047 : i32
      %parallel_loop3A_1025 = vector.broadcast %parallel_loop3A_1024 : i32 to vector<16xi32>
      %parallel_loop3A_1026 = arith.andi %parallel_loop3A_1023, %parallel_loop3A_1025 : vector<16xi32>
      %parallel_loop3A_1027 = arith.constant 21 : i32
      %parallel_loop3A_1028 = vector.broadcast %parallel_loop3A_1027 : i32 to vector<16xi32>
      %parallel_loop3A_1029 = arith.shrsi %parallel_loop3A_1020, %parallel_loop3A_1028 : vector<16xi32>
      %parallel_loop3A_1030 = vector.broadcast %sub3A_673 : i32 to vector<16xi32>
      %parallel_loop3A_1031 = arith.cmpi eq, %parallel_loop3A_1029, %parallel_loop3A_1030 : vector<16xi32>
      tpu.vector_store_idx %arg7[%parallel_loop3A_1026], %broadcast_in_dim3A_517 masked %parallel_loop3A_1031 {add = true} : memref<2048xi32, #tpu.memory_space<vmem>>[vector<16xi32>], vector<16xi32>, vector<16xi1>
    } {sc.loop_unroll_factor = 8 : i64, sc.parallel_access}
    %scan3A_682 = arith.constant 0 : i32
    %scan3A_683 = arith.constant 0 : i32
    %scan3A_684 = arith.constant 0 : i32
    %scan3A_685 = arith.constant 0 : i32
    %scan3A_686 = arith.constant 0 : i32
    %scan3A_687 = arith.constant 32 : i32
    %scan3A_688 = arith.addi %scan3A_686, %scan3A_687 : i32
    %scan3A_689 = arith.constant 1 : i32
    %scan3A_690:4 = scf.for %scan3A_1018 = %scan3A_686 to %scan3A_688 step %scan3A_689 iter_args(%scan3A_1019 = %scan3A_682, %scan3A_1020 = %scan3A_683, %scan3A_1021 = %scan3A_684, %scan3A_1022 = %scan3A_685) -> (i32, i32, i32, i32)  : i32 {
      %add3A_1023 = arith.constant 1 : i32
      %add3A_1024 = arith.addi %scan3A_1018, %add3A_1023 : i32
      %mul3A_1025 = arith.constant 64 : i32
      %mul3A_1026 = arith.muli %mul3A_1025, %add3A_1024 : i32
      %sub3A_1027 = arith.constant 2048 : i32
      %sub3A_1028 = arith.subi %sub3A_1027, %mul3A_1026 : i32
      %get3A_1029 = arith.index_cast %sub3A_1028 : i32 to index
      %get3A_1030 = tpu.vector_load %arg7[%get3A_1029] {strides = array<i32>} : memref<2048xi32, #tpu.memory_space<vmem>>, vector<16xi32>,
      %add3A_1031 = arith.constant 16 : i32
      %add3A_1032 = arith.addi %sub3A_1028, %add3A_1031 : i32
      %get3A_1033 = arith.index_cast %add3A_1032 : i32 to index
      %get3A_1034 = tpu.vector_load %arg7[%get3A_1033] {strides = array<i32>} : memref<2048xi32, #tpu.memory_space<vmem>>, vector<16xi32>,
      %add3A_1035 = arith.addi %get3A_1030, %get3A_1034 : vector<16xi32>
      %add3A_1036 = arith.constant 32 : i32
      %add3A_1037 = arith.addi %sub3A_1028, %add3A_1036 : i32
      %get3A_1038 = arith.index_cast %add3A_1037 : i32 to index
      %get3A_1039 = tpu.vector_load %arg7[%get3A_1038] {strides = array<i32>} : memref<2048xi32, #tpu.memory_space<vmem>>, vector<16xi32>,
      %add3A_1040 = arith.constant 48 : i32
      %add3A_1041 = arith.addi %sub3A_1028, %add3A_1040 : i32
      %get3A_1042 = arith.index_cast %add3A_1041 : i32 to index
      %get3A_1043 = tpu.vector_load %arg7[%get3A_1042] {strides = array<i32>} : memref<2048xi32, #tpu.memory_space<vmem>>, vector<16xi32>,
      %add3A_1044 = arith.addi %get3A_1039, %get3A_1043 : vector<16xi32>
      %add3A_1045 = arith.addi %add3A_1035, %add3A_1044 : vector<16xi32>
      %reduce_sum3A_1046 = arith.constant true
      %reduce_sum3A_1047 = vector.broadcast %reduce_sum3A_1046 : i1 to vector<16xi1>
      %reduce_sum3A_1048 = tpu.scan <sum>, %add3A_1045 masked %reduce_sum3A_1047 : vector<16xi32>, vector<16xi1> -> vector<16xi32>
      %reduce_sum3A_1049 = vector.extract %reduce_sum3A_1048[15] : i32 from vector<16xi32>
      %eq3A_1050 = arith.constant 0 : i32
      %eq3A_1051 = arith.cmpi eq, %scan3A_1019, %eq3A_1050 : i32
      %add3A_1052 = arith.addi %scan3A_1022, %reduce_sum3A_1049 : i32
      %ge3A_1053 = arith.cmpi sge, %add3A_1052, %sub3A_675 : i32
      %and3A_1054 = arith.andi %eq3A_1051, %ge3A_1053 : i1
      %select_n3A_1055 = arith.select %and3A_1054, %sub3A_1028, %scan3A_1020 : i32
      %select_n3A_1056 = arith.select %and3A_1054, %scan3A_1022, %scan3A_1021 : i32
      %jit3A_1057 = arith.constant 1 : i32
      %select_n3A_1058 = arith.select %and3A_1054, %jit3A_1057, %scan3A_1019 : i32
      %add3A_1059 = arith.addi %scan3A_1022, %reduce_sum3A_1049 : i32
      scf.yield %select_n3A_1058, %select_n3A_1055, %select_n3A_1056, %add3A_1059 : i32, i32, i32, i32
    }
    %scan3A_691 = arith.constant 32 : i32
    %add3A_692 = arith.constant 48 : i32
    %add3A_693 = arith.addi %scan3A_690#1, %add3A_692 : i32
    %get3A_694 = arith.index_cast %add3A_693 : i32 to index
    %get3A_695 = tpu.vector_load %arg7[%get3A_694] {strides = array<i32>} : memref<2048xi32, #tpu.memory_space<vmem>>, vector<16xi32>,
    %reduce_sum3A_696 = arith.constant true
    %reduce_sum3A_697 = vector.broadcast %reduce_sum3A_696 : i1 to vector<16xi1>
    %reduce_sum3A_698 = tpu.scan <sum>, %get3A_695 masked %reduce_sum3A_697 : vector<16xi32>, vector<16xi1> -> vector<16xi32>
    %reduce_sum3A_699 = vector.extract %reduce_sum3A_698[15] : i32 from vector<16xi32>
    %eq3A_700 = arith.constant 0 : i32
    %eq3A_701 = arith.constant 0 : i32
    %eq3A_702 = arith.cmpi eq, %eq3A_700, %eq3A_701 : i32
    %add3A_703 = arith.addi %scan3A_690#2, %reduce_sum3A_699 : i32
    %ge3A_704 = arith.cmpi sge, %add3A_703, %sub3A_675 : i32
    %and3A_705 = arith.andi %eq3A_702, %ge3A_704 : i1
    %eq3A_706 = arith.constant 0 : i32
    %eq3A_707 = arith.constant 0 : i32
    %eq3A_708 = arith.cmpi eq, %eq3A_706, %eq3A_707 : i32
    %not3A_709 = arith.constant true
    %not3A_710 = arith.xori %and3A_705, %not3A_709 : i1
    %and3A_711 = arith.andi %eq3A_708, %not3A_710 : i1
    %jit3A_712 = arith.constant 0 : i32
    %select_n3A_713 = arith.select %and3A_705, %add3A_693, %jit3A_712 : i32
    %add3A_714 = arith.addi %scan3A_690#2, %reduce_sum3A_699 : i32
    %select_n3A_715 = arith.select %and3A_711, %add3A_714, %scan3A_690#2 : i32
    %jit3A_716 = arith.constant 1 : i32
    %jit3A_717 = arith.constant 0 : i32
    %select_n3A_718 = arith.select %and3A_705, %jit3A_716, %jit3A_717 : i32
    %add3A_719 = arith.constant 32 : i32
    %add3A_720 = arith.addi %scan3A_690#1, %add3A_719 : i32
    %get3A_721 = arith.index_cast %add3A_720 : i32 to index
    %get3A_722 = tpu.vector_load %arg7[%get3A_721] {strides = array<i32>} : memref<2048xi32, #tpu.memory_space<vmem>>, vector<16xi32>,
    %reduce_sum3A_723 = arith.constant true
    %reduce_sum3A_724 = vector.broadcast %reduce_sum3A_723 : i1 to vector<16xi1>
    %reduce_sum3A_725 = tpu.scan <sum>, %get3A_722 masked %reduce_sum3A_724 : vector<16xi32>, vector<16xi1> -> vector<16xi32>
    %reduce_sum3A_726 = vector.extract %reduce_sum3A_725[15] : i32 from vector<16xi32>
    %eq3A_727 = arith.constant 0 : i32
    %eq3A_728 = arith.cmpi eq, %select_n3A_718, %eq3A_727 : i32
    %add3A_729 = arith.addi %select_n3A_715, %reduce_sum3A_726 : i32
    %ge3A_730 = arith.cmpi sge, %add3A_729, %sub3A_675 : i32
    %and3A_731 = arith.andi %eq3A_728, %ge3A_730 : i1
    %eq3A_732 = arith.constant 0 : i32
    %eq3A_733 = arith.cmpi eq, %select_n3A_718, %eq3A_732 : i32
    %not3A_734 = arith.constant true
    %not3A_735 = arith.xori %and3A_731, %not3A_734 : i1
    %and3A_736 = arith.andi %eq3A_733, %not3A_735 : i1
    %select_n3A_737 = arith.select %and3A_731, %add3A_720, %select_n3A_713 : i32
    %add3A_738 = arith.addi %select_n3A_715, %reduce_sum3A_726 : i32
    %select_n3A_739 = arith.select %and3A_736, %add3A_738, %select_n3A_715 : i32
    %jit3A_740 = arith.constant 1 : i32
    %select_n3A_741 = arith.select %and3A_731, %jit3A_740, %select_n3A_718 : i32
    %add3A_742 = arith.constant 16 : i32
    %add3A_743 = arith.addi %scan3A_690#1, %add3A_742 : i32
    %get3A_744 = arith.index_cast %add3A_743 : i32 to index
    %get3A_745 = tpu.vector_load %arg7[%get3A_744] {strides = array<i32>} : memref<2048xi32, #tpu.memory_space<vmem>>, vector<16xi32>,
    %reduce_sum3A_746 = arith.constant true
    %reduce_sum3A_747 = vector.broadcast %reduce_sum3A_746 : i1 to vector<16xi1>
    %reduce_sum3A_748 = tpu.scan <sum>, %get3A_745 masked %reduce_sum3A_747 : vector<16xi32>, vector<16xi1> -> vector<16xi32>
    %reduce_sum3A_749 = vector.extract %reduce_sum3A_748[15] : i32 from vector<16xi32>
    %eq3A_750 = arith.constant 0 : i32
    %eq3A_751 = arith.cmpi eq, %select_n3A_741, %eq3A_750 : i32
    %add3A_752 = arith.addi %select_n3A_739, %reduce_sum3A_749 : i32
    %ge3A_753 = arith.cmpi sge, %add3A_752, %sub3A_675 : i32
    %and3A_754 = arith.andi %eq3A_751, %ge3A_753 : i1
    %eq3A_755 = arith.constant 0 : i32
    %eq3A_756 = arith.cmpi eq, %select_n3A_741, %eq3A_755 : i32
    %not3A_757 = arith.constant true
    %not3A_758 = arith.xori %and3A_754, %not3A_757 : i1
    %and3A_759 = arith.andi %eq3A_756, %not3A_758 : i1
    %select_n3A_760 = arith.select %and3A_754, %add3A_743, %select_n3A_737 : i32
    %add3A_761 = arith.addi %select_n3A_739, %reduce_sum3A_749 : i32
    %select_n3A_762 = arith.select %and3A_759, %add3A_761, %select_n3A_739 : i32
    %jit3A_763 = arith.constant 1 : i32
    %select_n3A_764 = arith.select %and3A_754, %jit3A_763, %select_n3A_741 : i32
    %add3A_765 = arith.constant 0 : i32
    %add3A_766 = arith.addi %scan3A_690#1, %add3A_765 : i32
    %get3A_767 = arith.index_cast %add3A_766 : i32 to index
    %get3A_768 = tpu.vector_load %arg7[%get3A_767] {strides = array<i32>} : memref<2048xi32, #tpu.memory_space<vmem>>, vector<16xi32>,
    %reduce_sum3A_769 = arith.constant true
    %reduce_sum3A_770 = vector.broadcast %reduce_sum3A_769 : i1 to vector<16xi1>
    %reduce_sum3A_771 = tpu.scan <sum>, %get3A_768 masked %reduce_sum3A_770 : vector<16xi32>, vector<16xi1> -> vector<16xi32>
    %reduce_sum3A_772 = vector.extract %reduce_sum3A_771[15] : i32 from vector<16xi32>
    %eq3A_773 = arith.constant 0 : i32
    %eq3A_774 = arith.cmpi eq, %select_n3A_764, %eq3A_773 : i32
    %add3A_775 = arith.addi %select_n3A_762, %reduce_sum3A_772 : i32
    %ge3A_776 = arith.cmpi sge, %add3A_775, %sub3A_675 : i32
    %and3A_777 = arith.andi %eq3A_774, %ge3A_776 : i1
    %eq3A_778 = arith.constant 0 : i32
    %eq3A_779 = arith.cmpi eq, %select_n3A_764, %eq3A_778 : i32
    %not3A_780 = arith.constant true
    %not3A_781 = arith.xori %and3A_777, %not3A_780 : i1
    %and3A_782 = arith.andi %eq3A_779, %not3A_781 : i1
    %select_n3A_783 = arith.select %and3A_777, %add3A_766, %select_n3A_760 : i32
    %add3A_784 = arith.addi %select_n3A_762, %reduce_sum3A_772 : i32
    %select_n3A_785 = arith.select %and3A_782, %add3A_784, %select_n3A_762 : i32
    %jit3A_786 = arith.constant 1 : i32
    %select_n3A_787 = arith.select %and3A_777, %jit3A_786, %select_n3A_764 : i32
    %iota3A_788 = tpu.iota {dimensions = array<i32: 0>} : vector<16xi32>
    %get3A_789 = arith.index_cast %select_n3A_783 : i32 to index
    %get3A_790 = tpu.vector_load %arg7[%get3A_789] {strides = array<i32>} : memref<2048xi32, #tpu.memory_space<vmem>>, vector<16xi32>,
    %rev3A_791 = arith.constant 15 : i32
    %rev3A_792 = vector.broadcast %rev3A_791 : i32 to vector<16xi32>
    %rev3A_793 = tpu.iota {dimensions = array<i32: 0>} : vector<16xi32>
    %rev3A_794 = arith.subi %rev3A_792, %rev3A_793 : vector<16xi32>
    %rev3A_795 = tpu.dynamic_gather %get3A_790[%rev3A_794] in [0] : vector<16xi32>, vector<16xi32> -> vector<16xi32>
    %cumsum3A_796 = arith.constant true
    %cumsum3A_797 = vector.broadcast %cumsum3A_796 : i1 to vector<16xi1>
    %cumsum3A_798 = tpu.scan <sum>, %rev3A_795 masked %cumsum3A_797 : vector<16xi32>, vector<16xi1> -> vector<16xi32>
    %add3A_799 = vector.broadcast %select_n3A_785 : i32 to vector<16xi32>
    %add3A_800 = arith.addi %add3A_799, %cumsum3A_798 : vector<16xi32>
    %ge3A_801 = vector.broadcast %sub3A_675 : i32 to vector<16xi32>
    %ge3A_802 = arith.cmpi sge, %add3A_800, %ge3A_801 : vector<16xi32>
    %convert_element_type3A_803 = arith.extui %ge3A_802 : vector<16xi1> to vector<16xi32>
    %reduce_sum3A_804 = arith.constant true
    %reduce_sum3A_805 = vector.broadcast %reduce_sum3A_804 : i1 to vector<16xi1>
    %reduce_sum3A_806 = tpu.scan <sum>, %convert_element_type3A_803 masked %reduce_sum3A_805 : vector<16xi32>, vector<16xi1> -> vector<16xi32>
    %reduce_sum3A_807 = vector.extract %reduce_sum3A_806[15] : i32 from vector<16xi32>
    %sub3A_808 = arith.constant 16 : i32
    %sub3A_809 = arith.subi %sub3A_808, %reduce_sum3A_807 : i32
    %add3A_810 = arith.constant 15 : i32
    %add3A_811 = arith.addi %select_n3A_783, %add3A_810 : i32
    %sub3A_812 = arith.subi %add3A_811, %sub3A_809 : i32
    %jit3A_813 = arith.constant 0 : i32
    %broadcast_in_dim3A_814 = vector.broadcast %jit3A_813 : i32 to vector<16xi32>
    %select_n3A_815 = arith.select %ge3A_802, %broadcast_in_dim3A_814, %rev3A_795 : vector<16xi1>, vector<16xi32>
    %reduce_sum3A_816 = arith.constant true
    %reduce_sum3A_817 = vector.broadcast %reduce_sum3A_816 : i1 to vector<16xi1>
    %reduce_sum3A_818 = tpu.scan <sum>, %select_n3A_815 masked %reduce_sum3A_817 : vector<16xi32>, vector<16xi1> -> vector<16xi32>
    %reduce_sum3A_819 = vector.extract %reduce_sum3A_818[15] : i32 from vector<16xi32>
    %add3A_820 = arith.addi %select_n3A_785, %reduce_sum3A_819 : i32
    %eq3A_821 = vector.broadcast %sub3A_809 : i32 to vector<16xi32>
    %eq3A_822 = arith.cmpi eq, %iota3A_788, %eq3A_821 : vector<16xi32>
    %jit3A_823 = arith.constant 0 : i32
    %broadcast_in_dim3A_824 = vector.broadcast %jit3A_823 : i32 to vector<16xi32>
    %select_n3A_825 = arith.select %eq3A_822, %rev3A_795, %broadcast_in_dim3A_824 : vector<16xi1>, vector<16xi32>
    %reduce_sum3A_826 = arith.constant true
    %reduce_sum3A_827 = vector.broadcast %reduce_sum3A_826 : i1 to vector<16xi1>
    %reduce_sum3A_828 = tpu.scan <sum>, %select_n3A_825 masked %reduce_sum3A_827 : vector<16xi32>, vector<16xi1> -> vector<16xi32>
    %reduce_sum3A_829 = vector.extract %reduce_sum3A_828[15] : i32 from vector<16xi32>
    %shift_left3A_830 = arith.constant 11 : i32
    %shift_left3A_831 = arith.shli %sub3A_673, %shift_left3A_830 : i32
    %or3A_832 = arith.ori %shift_left3A_831, %sub3A_812 : i32
    %sub3A_833 = arith.subi %sub3A_675, %add3A_820 : i32
    %parallel_loop3A_834 = arith.constant 0 : i32
    %parallel_loop3A_835 = arith.constant 1024 : i32
    %parallel_loop3A_836 = arith.constant 16 : i32
    scf.for %parallel_loop3A_1018 = %parallel_loop3A_834 to %parallel_loop3A_835 step %parallel_loop3A_836  : i32 {
      %parallel_loop3A_1019 = arith.constant 0 : i32
      %parallel_loop3A_1020 = vector.broadcast %parallel_loop3A_1019 : i32 to vector<16xi32>
      %parallel_loop3A_1021 = arith.index_cast %parallel_loop3A_1018 : i32 to index
      %parallel_loop3A_1022 = tpu.vector_load %arg7[%parallel_loop3A_1021] {strides = array<i32>} : memref<2048xi32, #tpu.memory_space<vmem>>, vector<16xi32>,
      tpu.vector_store %arg7[%parallel_loop3A_1021], %parallel_loop3A_1020 {strides = array<i32>} : memref<2048xi32, #tpu.memory_space<vmem>>, vector<16xi32>,
    } {sc.loop_unroll_factor = 8 : i64, sc.parallel_access}
    %parallel_loop3A_837 = arith.constant 0 : i32
    %parallel_loop3A_838 = arith.constant 32768 : i32
    %parallel_loop3A_839 = arith.constant 16 : i32
    scf.for %parallel_loop3A_1018 = %parallel_loop3A_837 to %parallel_loop3A_838 step %parallel_loop3A_839  : i32 {
      %parallel_loop3A_1019 = arith.index_cast %parallel_loop3A_1018 : i32 to index
      %parallel_loop3A_1020 = tpu.vector_load %arg6[%parallel_loop3A_1019] {strides = array<i32>} : memref<32768xi32, #tpu.memory_space<vmem>>, vector<16xi32>,
      %parallel_loop3A_1021 = arith.constant 1023 : i32
      %parallel_loop3A_1022 = vector.broadcast %parallel_loop3A_1021 : i32 to vector<16xi32>
      %parallel_loop3A_1023 = arith.andi %parallel_loop3A_1020, %parallel_loop3A_1022 : vector<16xi32>
      %parallel_loop3A_1024 = arith.constant 10 : i32
      %parallel_loop3A_1025 = vector.broadcast %parallel_loop3A_1024 : i32 to vector<16xi32>
      %parallel_loop3A_1026 = arith.shrsi %parallel_loop3A_1020, %parallel_loop3A_1025 : vector<16xi32>
      %parallel_loop3A_1027 = vector.broadcast %or3A_832 : i32 to vector<16xi32>
      %parallel_loop3A_1028 = arith.cmpi eq, %parallel_loop3A_1026, %parallel_loop3A_1027 : vector<16xi32>
      tpu.vector_store_idx %arg7[%parallel_loop3A_1023], %broadcast_in_dim3A_517 masked %parallel_loop3A_1028 {add = true} : memref<2048xi32, #tpu.memory_space<vmem>>[vector<16xi32>], vector<16xi32>, vector<16xi1>
    } {sc.loop_unroll_factor = 8 : i64, sc.parallel_access}
    %scan3A_840 = arith.constant 0 : i32
    %scan3A_841 = arith.constant 0 : i32
    %scan3A_842 = arith.constant 0 : i32
    %scan3A_843 = arith.constant 0 : i32
    %scan3A_844 = arith.constant 0 : i32
    %scan3A_845 = arith.constant 16 : i32
    %scan3A_846 = arith.addi %scan3A_844, %scan3A_845 : i32
    %scan3A_847 = arith.constant 1 : i32
    %scan3A_848:4 = scf.for %scan3A_1018 = %scan3A_844 to %scan3A_846 step %scan3A_847 iter_args(%scan3A_1019 = %scan3A_840, %scan3A_1020 = %scan3A_841, %scan3A_1021 = %scan3A_842, %scan3A_1022 = %scan3A_843) -> (i32, i32, i32, i32)  : i32 {
      %add3A_1023 = arith.constant 1 : i32
      %add3A_1024 = arith.addi %scan3A_1018, %add3A_1023 : i32
      %mul3A_1025 = arith.constant 64 : i32
      %mul3A_1026 = arith.muli %mul3A_1025, %add3A_1024 : i32
      %sub3A_1027 = arith.constant 1024 : i32
      %sub3A_1028 = arith.subi %sub3A_1027, %mul3A_1026 : i32
      %get3A_1029 = arith.index_cast %sub3A_1028 : i32 to index
      %get3A_1030 = tpu.vector_load %arg7[%get3A_1029] {strides = array<i32>} : memref<2048xi32, #tpu.memory_space<vmem>>, vector<16xi32>,
      %add3A_1031 = arith.constant 16 : i32
      %add3A_1032 = arith.addi %sub3A_1028, %add3A_1031 : i32
      %get3A_1033 = arith.index_cast %add3A_1032 : i32 to index
      %get3A_1034 = tpu.vector_load %arg7[%get3A_1033] {strides = array<i32>} : memref<2048xi32, #tpu.memory_space<vmem>>, vector<16xi32>,
      %add3A_1035 = arith.addi %get3A_1030, %get3A_1034 : vector<16xi32>
      %add3A_1036 = arith.constant 32 : i32
      %add3A_1037 = arith.addi %sub3A_1028, %add3A_1036 : i32
      %get3A_1038 = arith.index_cast %add3A_1037 : i32 to index
      %get3A_1039 = tpu.vector_load %arg7[%get3A_1038] {strides = array<i32>} : memref<2048xi32, #tpu.memory_space<vmem>>, vector<16xi32>,
      %add3A_1040 = arith.constant 48 : i32
      %add3A_1041 = arith.addi %sub3A_1028, %add3A_1040 : i32
      %get3A_1042 = arith.index_cast %add3A_1041 : i32 to index
      %get3A_1043 = tpu.vector_load %arg7[%get3A_1042] {strides = array<i32>} : memref<2048xi32, #tpu.memory_space<vmem>>, vector<16xi32>,
      %add3A_1044 = arith.addi %get3A_1039, %get3A_1043 : vector<16xi32>
      %add3A_1045 = arith.addi %add3A_1035, %add3A_1044 : vector<16xi32>
      %reduce_sum3A_1046 = arith.constant true
      %reduce_sum3A_1047 = vector.broadcast %reduce_sum3A_1046 : i1 to vector<16xi1>
      %reduce_sum3A_1048 = tpu.scan <sum>, %add3A_1045 masked %reduce_sum3A_1047 : vector<16xi32>, vector<16xi1> -> vector<16xi32>
      %reduce_sum3A_1049 = vector.extract %reduce_sum3A_1048[15] : i32 from vector<16xi32>
      %eq3A_1050 = arith.constant 0 : i32
      %eq3A_1051 = arith.cmpi eq, %scan3A_1019, %eq3A_1050 : i32
      %add3A_1052 = arith.addi %scan3A_1022, %reduce_sum3A_1049 : i32
      %ge3A_1053 = arith.cmpi sge, %add3A_1052, %sub3A_833 : i32
      %and3A_1054 = arith.andi %eq3A_1051, %ge3A_1053 : i1
      %select_n3A_1055 = arith.select %and3A_1054, %sub3A_1028, %scan3A_1020 : i32
      %select_n3A_1056 = arith.select %and3A_1054, %scan3A_1022, %scan3A_1021 : i32
      %jit3A_1057 = arith.constant 1 : i32
      %select_n3A_1058 = arith.select %and3A_1054, %jit3A_1057, %scan3A_1019 : i32
      %add3A_1059 = arith.addi %scan3A_1022, %reduce_sum3A_1049 : i32
      scf.yield %select_n3A_1058, %select_n3A_1055, %select_n3A_1056, %add3A_1059 : i32, i32, i32, i32
    }
    %scan3A_849 = arith.constant 16 : i32
    %add3A_850 = arith.constant 48 : i32
    %add3A_851 = arith.addi %scan3A_848#1, %add3A_850 : i32
    %get3A_852 = arith.index_cast %add3A_851 : i32 to index
    %get3A_853 = tpu.vector_load %arg7[%get3A_852] {strides = array<i32>} : memref<2048xi32, #tpu.memory_space<vmem>>, vector<16xi32>,
    %reduce_sum3A_854 = arith.constant true
    %reduce_sum3A_855 = vector.broadcast %reduce_sum3A_854 : i1 to vector<16xi1>
    %reduce_sum3A_856 = tpu.scan <sum>, %get3A_853 masked %reduce_sum3A_855 : vector<16xi32>, vector<16xi1> -> vector<16xi32>
    %reduce_sum3A_857 = vector.extract %reduce_sum3A_856[15] : i32 from vector<16xi32>
    %eq3A_858 = arith.constant 0 : i32
    %eq3A_859 = arith.constant 0 : i32
    %eq3A_860 = arith.cmpi eq, %eq3A_858, %eq3A_859 : i32
    %add3A_861 = arith.addi %scan3A_848#2, %reduce_sum3A_857 : i32
    %ge3A_862 = arith.cmpi sge, %add3A_861, %sub3A_833 : i32
    %and3A_863 = arith.andi %eq3A_860, %ge3A_862 : i1
    %eq3A_864 = arith.constant 0 : i32
    %eq3A_865 = arith.constant 0 : i32
    %eq3A_866 = arith.cmpi eq, %eq3A_864, %eq3A_865 : i32
    %not3A_867 = arith.constant true
    %not3A_868 = arith.xori %and3A_863, %not3A_867 : i1
    %and3A_869 = arith.andi %eq3A_866, %not3A_868 : i1
    %jit3A_870 = arith.constant 0 : i32
    %select_n3A_871 = arith.select %and3A_863, %add3A_851, %jit3A_870 : i32
    %add3A_872 = arith.addi %scan3A_848#2, %reduce_sum3A_857 : i32
    %select_n3A_873 = arith.select %and3A_869, %add3A_872, %scan3A_848#2 : i32
    %jit3A_874 = arith.constant 1 : i32
    %jit3A_875 = arith.constant 0 : i32
    %select_n3A_876 = arith.select %and3A_863, %jit3A_874, %jit3A_875 : i32
    %add3A_877 = arith.constant 32 : i32
    %add3A_878 = arith.addi %scan3A_848#1, %add3A_877 : i32
    %get3A_879 = arith.index_cast %add3A_878 : i32 to index
    %get3A_880 = tpu.vector_load %arg7[%get3A_879] {strides = array<i32>} : memref<2048xi32, #tpu.memory_space<vmem>>, vector<16xi32>,
    %reduce_sum3A_881 = arith.constant true
    %reduce_sum3A_882 = vector.broadcast %reduce_sum3A_881 : i1 to vector<16xi1>
    %reduce_sum3A_883 = tpu.scan <sum>, %get3A_880 masked %reduce_sum3A_882 : vector<16xi32>, vector<16xi1> -> vector<16xi32>
    %reduce_sum3A_884 = vector.extract %reduce_sum3A_883[15] : i32 from vector<16xi32>
    %eq3A_885 = arith.constant 0 : i32
    %eq3A_886 = arith.cmpi eq, %select_n3A_876, %eq3A_885 : i32
    %add3A_887 = arith.addi %select_n3A_873, %reduce_sum3A_884 : i32
    %ge3A_888 = arith.cmpi sge, %add3A_887, %sub3A_833 : i32
    %and3A_889 = arith.andi %eq3A_886, %ge3A_888 : i1
    %eq3A_890 = arith.constant 0 : i32
    %eq3A_891 = arith.cmpi eq, %select_n3A_876, %eq3A_890 : i32
    %not3A_892 = arith.constant true
    %not3A_893 = arith.xori %and3A_889, %not3A_892 : i1
    %and3A_894 = arith.andi %eq3A_891, %not3A_893 : i1
    %select_n3A_895 = arith.select %and3A_889, %add3A_878, %select_n3A_871 : i32
    %add3A_896 = arith.addi %select_n3A_873, %reduce_sum3A_884 : i32
    %select_n3A_897 = arith.select %and3A_894, %add3A_896, %select_n3A_873 : i32
    %jit3A_898 = arith.constant 1 : i32
    %select_n3A_899 = arith.select %and3A_889, %jit3A_898, %select_n3A_876 : i32
    %add3A_900 = arith.constant 16 : i32
    %add3A_901 = arith.addi %scan3A_848#1, %add3A_900 : i32
    %get3A_902 = arith.index_cast %add3A_901 : i32 to index
    %get3A_903 = tpu.vector_load %arg7[%get3A_902] {strides = array<i32>} : memref<2048xi32, #tpu.memory_space<vmem>>, vector<16xi32>,
    %reduce_sum3A_904 = arith.constant true
    %reduce_sum3A_905 = vector.broadcast %reduce_sum3A_904 : i1 to vector<16xi1>
    %reduce_sum3A_906 = tpu.scan <sum>, %get3A_903 masked %reduce_sum3A_905 : vector<16xi32>, vector<16xi1> -> vector<16xi32>
    %reduce_sum3A_907 = vector.extract %reduce_sum3A_906[15] : i32 from vector<16xi32>
    %eq3A_908 = arith.constant 0 : i32
    %eq3A_909 = arith.cmpi eq, %select_n3A_899, %eq3A_908 : i32
    %add3A_910 = arith.addi %select_n3A_897, %reduce_sum3A_907 : i32
    %ge3A_911 = arith.cmpi sge, %add3A_910, %sub3A_833 : i32
    %and3A_912 = arith.andi %eq3A_909, %ge3A_911 : i1
    %eq3A_913 = arith.constant 0 : i32
    %eq3A_914 = arith.cmpi eq, %select_n3A_899, %eq3A_913 : i32
    %not3A_915 = arith.constant true
    %not3A_916 = arith.xori %and3A_912, %not3A_915 : i1
    %and3A_917 = arith.andi %eq3A_914, %not3A_916 : i1
    %select_n3A_918 = arith.select %and3A_912, %add3A_901, %select_n3A_895 : i32
    %add3A_919 = arith.addi %select_n3A_897, %reduce_sum3A_907 : i32
    %select_n3A_920 = arith.select %and3A_917, %add3A_919, %select_n3A_897 : i32
    %jit3A_921 = arith.constant 1 : i32
    %select_n3A_922 = arith.select %and3A_912, %jit3A_921, %select_n3A_899 : i32
    %add3A_923 = arith.constant 0 : i32
    %add3A_924 = arith.addi %scan3A_848#1, %add3A_923 : i32
    %get3A_925 = arith.index_cast %add3A_924 : i32 to index
    %get3A_926 = tpu.vector_load %arg7[%get3A_925] {strides = array<i32>} : memref<2048xi32, #tpu.memory_space<vmem>>, vector<16xi32>,
    %reduce_sum3A_927 = arith.constant true
    %reduce_sum3A_928 = vector.broadcast %reduce_sum3A_927 : i1 to vector<16xi1>
    %reduce_sum3A_929 = tpu.scan <sum>, %get3A_926 masked %reduce_sum3A_928 : vector<16xi32>, vector<16xi1> -> vector<16xi32>
    %reduce_sum3A_930 = vector.extract %reduce_sum3A_929[15] : i32 from vector<16xi32>
    %eq3A_931 = arith.constant 0 : i32
    %eq3A_932 = arith.cmpi eq, %select_n3A_922, %eq3A_931 : i32
    %add3A_933 = arith.addi %select_n3A_920, %reduce_sum3A_930 : i32
    %ge3A_934 = arith.cmpi sge, %add3A_933, %sub3A_833 : i32
    %and3A_935 = arith.andi %eq3A_932, %ge3A_934 : i1
    %eq3A_936 = arith.constant 0 : i32
    %eq3A_937 = arith.cmpi eq, %select_n3A_922, %eq3A_936 : i32
    %not3A_938 = arith.constant true
    %not3A_939 = arith.xori %and3A_935, %not3A_938 : i1
    %and3A_940 = arith.andi %eq3A_937, %not3A_939 : i1
    %select_n3A_941 = arith.select %and3A_935, %add3A_924, %select_n3A_918 : i32
    %add3A_942 = arith.addi %select_n3A_920, %reduce_sum3A_930 : i32
    %select_n3A_943 = arith.select %and3A_940, %add3A_942, %select_n3A_920 : i32
    %jit3A_944 = arith.constant 1 : i32
    %select_n3A_945 = arith.select %and3A_935, %jit3A_944, %select_n3A_922 : i32
    %iota3A_946 = tpu.iota {dimensions = array<i32: 0>} : vector<16xi32>
    %get3A_947 = arith.index_cast %select_n3A_941 : i32 to index
    %get3A_948 = tpu.vector_load %arg7[%get3A_947] {strides = array<i32>} : memref<2048xi32, #tpu.memory_space<vmem>>, vector<16xi32>,
    %rev3A_949 = arith.constant 15 : i32
    %rev3A_950 = vector.broadcast %rev3A_949 : i32 to vector<16xi32>
    %rev3A_951 = tpu.iota {dimensions = array<i32: 0>} : vector<16xi32>
    %rev3A_952 = arith.subi %rev3A_950, %rev3A_951 : vector<16xi32>
    %rev3A_953 = tpu.dynamic_gather %get3A_948[%rev3A_952] in [0] : vector<16xi32>, vector<16xi32> -> vector<16xi32>
    %cumsum3A_954 = arith.constant true
    %cumsum3A_955 = vector.broadcast %cumsum3A_954 : i1 to vector<16xi1>
    %cumsum3A_956 = tpu.scan <sum>, %rev3A_953 masked %cumsum3A_955 : vector<16xi32>, vector<16xi1> -> vector<16xi32>
    %add3A_957 = vector.broadcast %select_n3A_943 : i32 to vector<16xi32>
    %add3A_958 = arith.addi %add3A_957, %cumsum3A_956 : vector<16xi32>
    %ge3A_959 = vector.broadcast %sub3A_833 : i32 to vector<16xi32>
    %ge3A_960 = arith.cmpi sge, %add3A_958, %ge3A_959 : vector<16xi32>
    %convert_element_type3A_961 = arith.extui %ge3A_960 : vector<16xi1> to vector<16xi32>
    %reduce_sum3A_962 = arith.constant true
    %reduce_sum3A_963 = vector.broadcast %reduce_sum3A_962 : i1 to vector<16xi1>
    %reduce_sum3A_964 = tpu.scan <sum>, %convert_element_type3A_961 masked %reduce_sum3A_963 : vector<16xi32>, vector<16xi1> -> vector<16xi32>
    %reduce_sum3A_965 = vector.extract %reduce_sum3A_964[15] : i32 from vector<16xi32>
    %sub3A_966 = arith.constant 16 : i32
    %sub3A_967 = arith.subi %sub3A_966, %reduce_sum3A_965 : i32
    %add3A_968 = arith.constant 15 : i32
    %add3A_969 = arith.addi %select_n3A_941, %add3A_968 : i32
    %sub3A_970 = arith.subi %add3A_969, %sub3A_967 : i32
    %jit3A_971 = arith.constant 0 : i32
    %broadcast_in_dim3A_972 = vector.broadcast %jit3A_971 : i32 to vector<16xi32>
    %select_n3A_973 = arith.select %ge3A_960, %broadcast_in_dim3A_972, %rev3A_953 : vector<16xi1>, vector<16xi32>
    %reduce_sum3A_974 = arith.constant true
    %reduce_sum3A_975 = vector.broadcast %reduce_sum3A_974 : i1 to vector<16xi1>
    %reduce_sum3A_976 = tpu.scan <sum>, %select_n3A_973 masked %reduce_sum3A_975 : vector<16xi32>, vector<16xi1> -> vector<16xi32>
    %reduce_sum3A_977 = vector.extract %reduce_sum3A_976[15] : i32 from vector<16xi32>
    %add3A_978 = arith.addi %select_n3A_943, %reduce_sum3A_977 : i32
    %eq3A_979 = vector.broadcast %sub3A_967 : i32 to vector<16xi32>
    %eq3A_980 = arith.cmpi eq, %iota3A_946, %eq3A_979 : vector<16xi32>
    %jit3A_981 = arith.constant 0 : i32
    %broadcast_in_dim3A_982 = vector.broadcast %jit3A_981 : i32 to vector<16xi32>
    %select_n3A_983 = arith.select %eq3A_980, %rev3A_953, %broadcast_in_dim3A_982 : vector<16xi1>, vector<16xi32>
    %reduce_sum3A_984 = arith.constant true
    %reduce_sum3A_985 = vector.broadcast %reduce_sum3A_984 : i1 to vector<16xi1>
    %reduce_sum3A_986 = tpu.scan <sum>, %select_n3A_983 masked %reduce_sum3A_985 : vector<16xi32>, vector<16xi1> -> vector<16xi32>
    %reduce_sum3A_987 = vector.extract %reduce_sum3A_986[15] : i32 from vector<16xi32>
    %shift_left3A_988 = arith.constant 10 : i32
    %shift_left3A_989 = arith.shli %or3A_832, %shift_left3A_988 : i32
    %or3A_990 = arith.ori %shift_left3A_989, %sub3A_970 : i32
    %sub3A_991 = arith.subi %sub3A_833, %add3A_978 : i32
    %eq3A_992 = arith.cmpi eq, %reduce_sum3A_987, %sub3A_991 : i32
    %convert_element_type3A_993 = arith.extui %eq3A_992 : i1 to i32
    %cond3A_994 = arith.constant 1.000000e+00 : f32
    %cond3A_995 = arith.constant 0.000000e+00 : f32
    %cond3A_996 = arith.constant 0 : i32
    %cond3A_997 = arith.constant 0 : i32
    %cond3A_998 = arith.cmpi ne, %convert_element_type3A_993, %cond3A_997 : i32
    %cond3A_999 = scf.if %cond3A_998 -> (i32) {
      %parallel_loop3A_1018 = arith.constant 0 : i32
      %parallel_loop3A_1019 = arith.constant 32768 : i32
      %parallel_loop3A_1020 = arith.constant 16 : i32
      scf.for %parallel_loop3A_1021 = %parallel_loop3A_1018 to %parallel_loop3A_1019 step %parallel_loop3A_1020  : i32 {
        %parallel_loop3A_1022 = arith.index_cast %parallel_loop3A_1021 : i32 to index
        %parallel_loop3A_1023 = tpu.vector_load %arg6[%parallel_loop3A_1022] {strides = array<i32>} : memref<32768xi32, #tpu.memory_space<vmem>>, vector<16xi32>,
        %parallel_loop3A_1024 = vector.broadcast %or3A_990 : i32 to vector<16xi32>
        %parallel_loop3A_1025 = arith.cmpi sge, %parallel_loop3A_1023, %parallel_loop3A_1024 : vector<16xi32>
        %parallel_loop3A_1026 = vector.broadcast %cond3A_994 : f32 to vector<16xf32>
        %parallel_loop3A_1027 = vector.broadcast %cond3A_995 : f32 to vector<16xf32>
        %parallel_loop3A_1028 = arith.select %parallel_loop3A_1025, %parallel_loop3A_1026, %parallel_loop3A_1027 : vector<16xi1>, vector<16xf32>
        %parallel_loop3A_1029 = arith.index_cast %parallel_loop3A_1021 : i32 to index
        %parallel_loop3A_1030 = tpu.vector_load %arg5[%parallel_loop3A_1029] {strides = array<i32>} : memref<32768xf32, #tpu.memory_space<vmem>>, vector<16xf32>,
        tpu.vector_store %arg5[%parallel_loop3A_1029], %parallel_loop3A_1028 {strides = array<i32>} : memref<32768xf32, #tpu.memory_space<vmem>>, vector<16xf32>,
      } {sc.loop_unroll_factor = 8 : i64, sc.parallel_access}
      scf.yield %cond3A_996 : i32
    } else {
      %scan3A_1018 = arith.constant 0 : i32
      %scan3A_1019 = arith.constant 2048 : i32
      %scan3A_1020 = arith.addi %scan3A_1018, %scan3A_1019 : i32
      %scan3A_1021 = arith.constant 1 : i32
      %scan3A_1022 = scf.for %scan3A_1024 = %scan3A_1018 to %scan3A_1020 step %scan3A_1021 iter_args(%scan3A_1025 = %cond3A_996) -> (i32)  : i32 {
        %mul3A_1026 = arith.constant 16 : i32
        %mul3A_1027 = arith.muli %scan3A_1024, %mul3A_1026 : i32
        %get3A_1028 = arith.index_cast %mul3A_1027 : i32 to index
        %get3A_1029 = tpu.vector_load %arg6[%get3A_1028] {strides = array<i32>} : memref<32768xi32, #tpu.memory_space<vmem>>, vector<16xi32>,
        %eq3A_1030 = vector.broadcast %or3A_990 : i32 to vector<16xi32>
        %eq3A_1031 = arith.cmpi eq, %get3A_1029, %eq3A_1030 : vector<16xi32>
        %convert_element_type3A_1032 = arith.extui %eq3A_1031 : vector<16xi1> to vector<16xi32>
        %cumsum3A_1033 = arith.constant true
        %cumsum3A_1034 = vector.broadcast %cumsum3A_1033 : i1 to vector<16xi1>
        %cumsum3A_1035 = tpu.scan <sum>, %convert_element_type3A_1032 masked %cumsum3A_1034 : vector<16xi32>, vector<16xi1> -> vector<16xi32>
        %add3A_1036 = vector.broadcast %scan3A_1025 : i32 to vector<16xi32>
        %add3A_1037 = arith.addi %add3A_1036, %cumsum3A_1035 : vector<16xi32>
        %le3A = vector.broadcast %sub3A_991 : i32 to vector<16xi32>
        %le3A_1038 = arith.cmpi sle, %add3A_1037, %le3A : vector<16xi32>
        %and3A_1039 = arith.andi %eq3A_1031, %le3A_1038 : vector<16xi1>
        %gt3A = vector.broadcast %or3A_990 : i32 to vector<16xi32>
        %gt3A_1040 = arith.cmpi sgt, %get3A_1029, %gt3A : vector<16xi32>
        %or3A_1041 = arith.ori %gt3A_1040, %and3A_1039 : vector<16xi1>
        %broadcast_in_dim3A_1042 = vector.broadcast %cond3A_994 : f32 to vector<16xf32>
        %broadcast_in_dim3A_1043 = vector.broadcast %cond3A_995 : f32 to vector<16xf32>
        %select_n3A_1044 = arith.select %or3A_1041, %broadcast_in_dim3A_1042, %broadcast_in_dim3A_1043 : vector<16xi1>, vector<16xf32>
        %mul3A_1045 = arith.constant 16 : i32
        %mul3A_1046 = arith.muli %scan3A_1024, %mul3A_1045 : i32
        %swap3A = arith.index_cast %mul3A_1046 : i32 to index
        %swap3A_1047 = tpu.vector_load %arg5[%swap3A] {strides = array<i32>} : memref<32768xf32, #tpu.memory_space<vmem>>, vector<16xf32>,
        tpu.vector_store %arg5[%swap3A], %select_n3A_1044 {strides = array<i32>} : memref<32768xf32, #tpu.memory_space<vmem>>, vector<16xf32>,
        %reduce_sum3A_1048 = arith.constant true
        %reduce_sum3A_1049 = vector.broadcast %reduce_sum3A_1048 : i1 to vector<16xi1>
        %reduce_sum3A_1050 = tpu.scan <sum>, %convert_element_type3A_1032 masked %reduce_sum3A_1049 : vector<16xi32>, vector<16xi1> -> vector<16xi32>
        %reduce_sum3A_1051 = vector.extract %reduce_sum3A_1050[15] : i32 from vector<16xi32>
        %add3A_1052 = arith.addi %scan3A_1025, %reduce_sum3A_1051 : i32
        scf.yield %add3A_1052 : i32
      }
      %scan3A_1023 = arith.constant 2048 : i32
      scf.yield %scan3A_1022 : i32
    }
    %dma_wait3A_1000 = arith.constant 0 : i32
    %dma_wait3A_1001 = tpu.memref_slice %arg3[%mul3A_2, %dma_wait3A_1000] : memref<64x32768xf32, #tpu.memory_space<hbm>> -> memref<1x32768xf32, #tpu.memory_space<hbm>>
    %dma_wait3A_1002 = tpu.memref_squeeze %dma_wait3A_1001 : memref<1x32768xf32, #tpu.memory_space<hbm>> -> memref<32768xf32, #tpu.memory_space<hbm>>
    %dma_wait3A_1003 = arith.constant 0 : i32
    %dma_wait3A_1004 = tpu.memref_slice %arg3[%mul3A_2, %dma_wait3A_1003] : memref<64x32768xf32, #tpu.memory_space<hbm>> -> memref<1x32768xf32, #tpu.memory_space<hbm>>
    %dma_wait3A_1005 = tpu.memref_squeeze %dma_wait3A_1004 : memref<1x32768xf32, #tpu.memory_space<hbm>> -> memref<32768xf32, #tpu.memory_space<hbm>>
    tpu.wait_dma2 semaphore(%arg8 : memref<!tpu.dma_semaphore, #tpu.memory_space<semaphore_mem>>) src(%arg4 : memref<32768xf32, #tpu.memory_space<vmem>>) dst(%dma_wait3A_1005 : memref<32768xf32, #tpu.memory_space<hbm>>)
    %dma_start3A_1006 = arith.constant 0 : i32
    %dma_start3A_1007 = tpu.memref_slice %arg3[%add3A_4, %dma_start3A_1006] : memref<64x32768xf32, #tpu.memory_space<hbm>> -> memref<1x32768xf32, #tpu.memory_space<hbm>>
    %dma_start3A_1008 = tpu.memref_squeeze %dma_start3A_1007 : memref<1x32768xf32, #tpu.memory_space<hbm>> -> memref<32768xf32, #tpu.memory_space<hbm>>
    %dma_start3A_1009 = arith.constant 0 : i32
    %dma_start3A_1010 = tpu.memref_slice %arg3[%add3A_4, %dma_start3A_1009] : memref<64x32768xf32, #tpu.memory_space<hbm>> -> memref<1x32768xf32, #tpu.memory_space<hbm>>
    %dma_start3A_1011 = tpu.memref_squeeze %dma_start3A_1010 : memref<1x32768xf32, #tpu.memory_space<hbm>> -> memref<32768xf32, #tpu.memory_space<hbm>>
    tpu.enqueue_dma source(%arg5 : memref<32768xf32, #tpu.memory_space<vmem>>) target(%dma_start3A_1011 : memref<32768xf32, #tpu.memory_space<hbm>>) target_semaphore(%arg9 : memref<!tpu.dma_semaphore, #tpu.memory_space<semaphore_mem>>)
    %dma_wait3A_1012 = arith.constant 0 : i32
    %dma_wait3A_1013 = tpu.memref_slice %arg3[%add3A_4, %dma_wait3A_1012] : memref<64x32768xf32, #tpu.memory_space<hbm>> -> memref<1x32768xf32, #tpu.memory_space<hbm>>
    %dma_wait3A_1014 = tpu.memref_squeeze %dma_wait3A_1013 : memref<1x32768xf32, #tpu.memory_space<hbm>> -> memref<32768xf32, #tpu.memory_space<hbm>>
    %dma_wait3A_1015 = arith.constant 0 : i32
    %dma_wait3A_1016 = tpu.memref_slice %arg3[%add3A_4, %dma_wait3A_1015] : memref<64x32768xf32, #tpu.memory_space<hbm>> -> memref<1x32768xf32, #tpu.memory_space<hbm>>
    %dma_wait3A_1017 = tpu.memref_squeeze %dma_wait3A_1016 : memref<1x32768xf32, #tpu.memory_space<hbm>> -> memref<32768xf32, #tpu.memory_space<hbm>>
    tpu.wait_dma2 semaphore(%arg9 : memref<!tpu.dma_semaphore, #tpu.memory_space<semaphore_mem>>) src(%arg5 : memref<32768xf32, #tpu.memory_space<vmem>>) dst(%dma_wait3A_1017 : memref<32768xf32, #tpu.memory_space<hbm>>)
    return
  }
}

</mosaic_0001>

<sc_bundles>
// kernel: kernel.3.cloned.1.call-start
scs
__scs_entry_jumppad:
0x0: {  	(pc) =	sbr.rel $0x88, $3  }
0x1: {  	(tag) =	ssettag $0x0;
	lr =	simm.s32 $0x1  }
0x2: {  	[smem:$0x3FA0] =	sst lr;
	_ =	strace $0xD0000000  }
0x3: {  	_ = 	snop  }
0x4: {  	_ = 	snop  }
0x5: {  	_ = 	snop  }
0x6: {  	_ = 	snop  }
0x7: {  	_ = 	snop  }
__scs_overlays_trampoline_lowered:
0x8: {  	[smem:$0x3FAF] =	sst s0  }
0x9: {  	[smem:$0x3FB0] =	sst s1  }
0xa: {  	[smem:$0x3FB1] =	sst s2  }
0xb: {  	[smem:$0x3FB2] =	sst s3  }
0xc: {  	[smem:$0x3FB3] =	sst s4  }
0xd: {  	[smem:$0x3FB4] =	sst s5  }
0xe: {  	[smem:$0x3FB5] =	sst s6  }
0xf: {  	[smem:$0x3FB6] =	sst s7  }
0x10: {  	[smem:$0x3FB7] =	sst s8  }
0x11: {  	[smem:$0x3FB8] =	sst s9;
	s0 =	simm.s32 @!p0 $0x0  }
0x12: {  	s1 =	sld [smem:$0x3F9E];
	s0 =	simm.s32 @p0 $0x1  }
0x13: {  	[smem:$0x3FB9] =	sst s0;
	s0 =	simm.s32 @!p1 $0x0  }
0x14: {  	s2 =	sld [smem:$0x3F9D];
	s0 =	simm.s32 @p1 $0x1  }
0x15: {  	[smem:$0x3FBA] =	sst s0;
	s0 =	simm.s32 @!p2 $0x0  }
0x16: {  	s3 =	sld [smem:$0x3FDB];
	s0 =	simm.s32 @p2 $0x1  }
0x17: {  	s4 =	simm.s32 $0x1BF5;
	[smem:$0x3FBC] =	sst s0  }
0x18: {  	s0 =	sld [smem:$0x3F9F];
	_ =	swait.ge [sflag:s4], $0x0  }
0x19: {  	s7 =	sld [smem:$0x3FA0]  }
0x1a: {  	s8 =	sadd.s32 $0xFFFFE003, lr  }
0x1b: {  	s9 =	sadd.s32 $0xFFFFFEF7, lr;
	s5 =	simm.s32 $0xFFFFFFFF;
	p2 =	slt.u32 s8, $0xFFFFF086  }
0x1c: {  	p1 =	slt.u32 s9, $0xF7A;
	s5 =	simm.s32 @!p2 $0x0  }
0x1d: {  	s5 =	simm.s32 @p1 $0x1;
	p0 =	seq.s32 s7, s2  }
0x1e: {  	s7 =	smul.u32 @!p0 $0xF7A, s2;
	p2 =	seq.s32 @!p0 s5, $0x0  }
0x1f: {  	s9 =	smul.u32 $0xF7A, s1;
	s8 =	simm.s32 @!p0 $0x1BF5;
	p2 =	por !p2, p0  }
0x20: {  	[sflag:s8] =	ssyncset.s32 @!p0 $0xFFFFF086;
	s6 =	sadd.s32 @!p0 s3, s7;
	s7 =	simm.s32 @!p0 $0x108  }
0x21: {  	s3 =	sadd.s32 s3, s9;
	s6 =	sadd.s32 @!p0 $0x88, s6;
	s7 =	simm.s32 @p2 $0x1082  }
0x22: {  	[simem:s7], [sflag:s8] =	dma.local @!p0 [hbm:s6], $0xF7A  }
0x23: {  	s9 =	sor.u32 $0xD0000000, s2;
	s6 =	simm.s32 $0x108;
	_ =	swait.ge @!p0 [sflag:s8], $0x0  }
0x24: {  	s3 =	sadd.s32 $0x88, s3;
	s6 =	simm.s32 @!p1 $0x1082;
	[sflag:s4] =	ssyncset.s32 $0xFFFFF086  }
0x25: {  	[simem:s6], [sflag:s4] =	dma.local [hbm:s3], $0xF7A  }
0x26: {  	[smem:$0x3FA0] =	sst s1;
	(tag) =	ssettag s2;
	_ =	strace s9  }
0x27: {  	s1 =	sld [smem:$0x3FB0]  }
0x28: {  	s2 =	sld [smem:$0x3FB1]  }
0x29: {  	s4 =	sld [smem:$0x3FB3]  }
0x2a: {  	p0 =	seq.s32 s5, $0x0;
	s5 =	sld [smem:$0x3FB4]  }
0x2b: {  	s6 =	sld [smem:$0x3FB5]  }
0x2c: {  	s7 =	sld [smem:$0x3FB6]  }
0x2d: {  	s3 =	simm.s32 $0x108;
	s8 =	sld [smem:$0x3FB7]  }
0x2e: {  	s3 =	simm.s32 @!p0 $0x1082;
	s9 =	sld [smem:$0x3FB8]  }
0x2f: {  	lr =	sadd.s32 s0, s3;
	s0 =	sld [smem:$0x3FAF]  }
0x30: {  	s3 =	sld [smem:$0x3FB2]  }
0x31: {  	[smem:$0x3FBB] =	sst s10  }
0x32: {  	s10 =	sld [smem:$0x3FB9];
	_ =	sdelay $0x3  }
0x33: {  	p0 =	seq.s32 s10, $0x1;
	s10 =	sld [smem:$0x3FBB];
	_ =	sdelay $0x3  }
0x34: {  	[smem:$0x3FBB] =	sst s10  }
0x35: {  	s10 =	sld [smem:$0x3FBA];
	_ =	sdelay $0x3  }
0x36: {  	p1 =	seq.s32 s10, $0x1;
	s10 =	sld [smem:$0x3FBB];
	_ =	sdelay $0x3  }
0x37: {  	[smem:$0x3FBB] =	sst s10  }
0x38: {  	s10 =	sld [smem:$0x3FBC]  }
0x39: {  	_ = 	snop;
	(pc) =	sbr.ind lr, $3  }
0x3a: {  	_ = 	snop  }
0x3b: {  	_ = 	snop  }
0x3c: {  	p2 =	seq.s32 s10, $0x1;
	s10 =	sld [smem:$0x3FBB]  }
0x3d: {  	_ =	shalt  }
0x3e: {  	_ =	shalt  }
0x3f: {  	_ =	shalt  }
0x40: {  	_ =	shalt  }
0x41: {  	_ =	shalt  }
0x42: {  	_ =	shalt  }
0x43: {  	_ =	shalt  }
0x44: {  	_ =	shalt  }
0x45: {  	_ =	shalt  }
0x46: {  	_ =	shalt  }
0x47: {  	_ =	shalt  }
0x48: {  	_ =	shalt  }
0x49: {  	_ =	shalt  }
0x4a: {  	_ =	shalt  }
0x4b: {  	_ =	shalt  }
0x4c: {  	_ =	shalt  }
0x4d: {  	_ =	shalt  }
0x4e: {  	_ =	shalt  }
0x4f: {  	_ =	shalt  }
0x50: {  	_ =	shalt  }
0x51: {  	_ =	shalt  }
0x52: {  	_ =	shalt  }
0x53: {  	_ =	shalt  }
0x54: {  	_ =	shalt  }
0x55: {  	_ =	shalt  }
0x56: {  	_ =	shalt  }
0x57: {  	_ =	shalt  }
0x58: {  	_ =	shalt  }
0x59: {  	_ =	shalt  }
0x5a: {  	_ =	shalt  }
0x5b: {  	_ =	shalt  }
0x5c: {  	_ =	shalt  }
0x5d: {  	_ =	shalt  }
0x5e: {  	_ =	shalt  }
0x5f: {  	_ =	shalt  }
0x60: {  	_ =	shalt  }
0x61: {  	_ =	shalt  }
0x62: {  	_ =	shalt  }
0x63: {  	_ =	shalt  }
0x64: {  	_ =	shalt  }
0x65: {  	_ =	shalt  }
0x66: {  	_ =	shalt  }
0x67: {  	_ =	shalt  }
0x68: {  	_ =	shalt  }
0x69: {  	_ =	shalt  }
0x6a: {  	_ =	shalt  }
0x6b: {  	_ =	shalt  }
0x6c: {  	_ =	shalt  }
0x6d: {  	_ =	shalt  }
0x6e: {  	_ =	shalt  }
0x6f: {  	_ =	shalt  }
0x70: {  	_ =	shalt  }
0x71: {  	_ =	shalt  }
0x72: {  	_ =	shalt  }
0x73: {  	_ =	shalt  }
0x74: {  	_ =	shalt  }
0x75: {  	_ =	shalt  }
0x76: {  	_ =	shalt  }
0x77: {  	_ =	shalt  }
0x78: {  	_ =	shalt  }
0x79: {  	_ =	shalt  }
0x7a: {  	_ =	shalt  }
0x7b: {  	_ =	shalt  }
0x7c: {  	_ =	shalt  }
0x7d: {  	_ =	shalt  }
0x7e: {  	_ =	shalt  }
0x7f: {  	_ =	shalt  }
0x80: {  	_ =	shalt  }
0x81: {  	_ =	shalt  }
0x82: {  	_ =	shalt  }
0x83: {  	_ =	shalt  }
0x84: {  	_ =	shalt  }
0x85: {  	_ =	shalt  }
0x86: {  	_ =	shalt  }
0x87: {  	_ =	shalt  }
.Lfunc_end0:
.L_simem_size_0:
called_computation_lowered:
.L_overlay_start_0:
0x88: {  	s2 =	sld [smem:$0x3FD9]  }
0x89: {  	s3 =	sld [smem:$0x3FFE];
	_ =	sdelay $0x1  }
0x8a: {  	s1 =	srdreg.scid  }
0x8b: {  	s0 =	sand.u32 $0x1, s1  }
0x8c: {  	s18 =	sshll.u32 s0, $0xA;
	s2 =	sadd.s32 s3, s2  }
0x8d: {  	s2 =	sadd.s32 s2, s18  }
0x8e: {  	[smem:$0x3FC7] =	sst s2  }
0x8f: {  	_ = 	snop  }
0x90: {  	s2 =	sld [smem:$0x3FC9]  }
0x91: {  	s19 =	sld [smem:$0x3FD0];
	(tm) =	ssettm $0x1  }
0x92: {  	s4 =	sld [smem:$0x3FFB];
	_ =	sdelay $0x3  }
0x93: {  	_ =	strace s4  }
0x94: {  	s4 =	sld [smem:$0x3FFC];
	_ =	sdelay $0x3  }
0x95: {  	_ =	strace s4  }
0x96: {  	s4 =	sld [smem:$0x3FFD];
	_ =	sdelay $0x3  }
0x97: {  	_ =	strace s4  }
0x98: {  	_ =	strace $0x8FFFFFFF  }
0x99: {  	s20 =	sld [smem:$0x3FDB];
	_ =	sdelay $0x1  }
0x9a: {  	s5 =	simm.s32 $_scs_section_size  }
0x9b: {  	s6 =	simm.s32 $_size__tile_overlayer_lowered;
	s7 =	simm.s32 $_tile_overlayer_lowered  }
0x9c: {  	s23 =	simm.s32 $0x1BFF;
	s22 =	sshll.u32 s7, $0x1;
	s4 =	sadd.s32 s5, s20  }
0x9d: {  	s8 =	simm.s32 $0x0;
	s21 =	sshll.u32 s6, $0x1;
	s6 =	sadd.s32 s22, s4  }
0x9e: {  	[timem:s8], [sflag:s23] =	dma.local [hbm:s6], s21  }
0x9f: {  	_ =	swait.ge [sflag:s23], s21  }
0xa0: {  	s5 =	ssub.s32 $0x0, s21;
	[sflag:s23] =	ssyncset.done $0x0  }
0xa1: {  	[sflag:s23] =	ssyncadd.s32 s5;
	_ =	sdelay $0x1  }
0xa2: {  	s24 =	simm.s32 $0x1B8B  }
0xa3: {  	_ =	swait.ge [sflag:s24], $0x1  }
0xa4: {  	[sflag:s24] =	ssyncset.done $0x0  }
0xa5: {  	s25 =	simm.s32 $0x1B8E;
	[sflag:s24] =	ssyncadd.s32 $0xFFFFFFFF  }
0xa6: {  	s26 =	simm.s32 $execute0_lowered;
	[smem:$0x3FD2] =	sst s25  }
0xa7: {  	s5 =	sshll.u32 s26, $0x1;
	_ =	strace $0x80000046;
	[dreg:$0x1] =	wrdreg $0xFFFFFFFF  }
0xa8: {  	s28 =	simm.s32 $_size_execute0_lowered;
	s4 =	sadd.s32 s4, s5;
	[dreg:$0x0] =	wrdreg $0x0  }
0xa9: {  	s5 =	sshll.u32 s28, $0x1;
	[dreg:$0x2] =	wrdreg s4  }
0xaa: {  	[dreg:$0x3] =	wrdreg s5  }
0xab: {  	[dreg:$0x4] =	wrdreg $0xC0  }
0xac: {  	_ =	task [dreg:s8], $0x5FFFF  }
0xad: {  	[dreg:$0x1] =	wrdreg $0xFFFFFFFF  }
0xae: {  	[dreg:$0x0] =	wrdreg $0x60  }
0xaf: {  	[dreg:$0x2] =	wrdreg s2  }
0xb0: {  	[dreg:$0x3] =	wrdreg s19  }
0xb1: {  	[dreg:$0x4] =	wrdreg $0x9  }
0xb2: {  	_ =	task.clear_ibuf [dreg:s8], $0x5FFFF;
	_ =	strace $0x90000046  }
0xb3: {  	s29 =	simm.s32 $0x9;
	_ =	strace $0x80000048  }
0xb4: {  	_ =	swait.ge [sflag:s29], $0x1  }
0xb5: {  	[sflag:s29] =	ssyncadd.s32 $0xFFFFFFFF  }
0xb6: {  	_ =	strace $0x90000048  }
0xb7: {  	_ =	sfence  }
0xb8: {  	s30 =	sld [smem:$0x0];
	_ =	sdelay $0x2  }
0xb9: {  	s31 =	sshll.u32 s1, $0xD;
	s1 =	sshrl.u32 s1, $0x2  }
0xba: {  	s3 =	sand.u32 $0x4000, s31;
	s1 =	sadd.s32 s1, s30  }
0xbb: {  	s0 =	sor.u32 s3, s0;
	s1 =	sshll.u32 s1, $0x11  }
0xbc: {  	s0 =	sor.u32 s1, s0  }
0xbd: {  	s0 =	sadd.s32 $0x8F2B, s0  }
0xbe: {  	[sflag:s0] =	ssyncadd.remote.s32 $0x1  }
0xbf: {  	_ =	sfence.sel $0xFFFF  }
0xc0: {  	[dreg:$0x0] =	wrdreg $0xFFFFFFFF;
	(pc) =	sbr.abs _section_cstart, $3  }
0xc1: {  	[dreg:$0x1] =	wrdreg $0xFFFFFFFF  }
0xc2: {  	_ =	task.clear_ibuf [dreg:s8], $0x2FFFF;
	_ =	strace $0x9FFFFFFF  }
0xc3: {  	(tm) =	ssettm $0x7FFFFFFF  }
tec
execute0_lowered:
.L_overlay_start_1:
0x0: {  	(tag) =	ssettag $0x1  }
0x1: {  	s4 =	rddreg [dreg:$0x0]  }
0x2: {  	s6 =	rddreg [dreg:$0x1]  }
0x3: {  	s3 =	srdreg.scid;
	s1 =	stileid.u32;
	s2 =	simm.s32 $0x0  }
0x4: {  	s9 =	simm.s32 $0x400;
	s10 =	simm.s32 $0x1;
	s11 =	simm.s32 $0x8000  }
0x5: {  	s12 =	simm.s32 $0x18000;
	s13 =	simm.s32 $0x2;
	s14 =	simm.s32 $0x0  }
0x6: {  	s3 =	sand.u32 $0x1, s3;
	s5 =	sshll.u32 s1, $0x6;
	s8 =	sshll.u32 s1, $0xE  }
0x7: {  	s7 =	sshll.u32 s3, $0x5;
	s5 =	sand.u32 $0x40, s5;
	s3 =	ssub.s32 $0x2, s3  }
.Ltmp0:
0x8: {  	s8 =	sand.u32 $0x38000, s8;
	s5 =	sor.u32 s7, s5;
	(pc) =	sbr.rel .LBB2_1-.Ltmp0, $4  }
0x9: {  	v0 =	vlaneseq.u32;
	[smem:$0x7FF] =	sst s2;
	s31 =	sshrl.u32 s3, $0x1;
	s5 =	sor.u32 s8, s5  }
0xa: {  	v3 =	vmul.u32 $0xFFFFFFFF, v0;
	_ =	strace $0x80000047;
	s7 =	ssub.s32 s3, s31;
	s8 =	sor.u32 $0x10, s5  }
0xb: {  	v1 =	vimm.s32 $0x0;
	v2 =	vimm.s32 $0x1;
	s3 =	sadd.s32 s4, s5;
	s5 =	sadd.s32 s6, s5;
	s7 =	smax.u32 s7, $0x1  }
0xc: {  	v4 =	vimm.f32 $1.000000000e+00;
	v5 =	vimm.f32 $0.0e+00;
	v3 =	vadd.s32 $0xF, v3;
	s4 =	sadd.s32 s4, s8;
	s6 =	sadd.s32 s6, s8;
	s8 =	simm.s32 $0x80  }
.LBB2_50:
0xd: {  	vm7 =	veq.s32 v10, v6  }
0xe: {  	v12, _, _ =	vpop (xrf0);
	v11 =	vsel vm7, $0x1, v1  }
0xf: {  	(v2sf) =	vpush v12, $0xF;
	(xrf0) =	vadd.scan.msk.s32 $0xffff, v11;
	_ =	sdelay $0x5  }
0x10: {  	v11, _, _ =	vpop (xrf0)  }
0x11: {  	s0 =	spop (v2sf);
	vm2 =	vmor vm2, vm8;
	(v2sf) =	vpush v11, $0xF  }
0x12: {  	vm12 =	vgt.s32 v10, v6;
	vm1 =	vmmov vm1;
	vm5 =	vmmov vm5  }
0x13: {  	vm0 =	vmmov vm0;
	vm13 =	vmmov vm4;
	vm3 =	vmmov vm3  }
0x14: {  	v6 =	vsel vm2, $0x3F800000, v5;
	vm14 =	vmmov vm12;
	vm1 =	vmmov vm1  }
0x15: {  	s0 =	sadd.s32 s20, s0;
	vm15 =	vmmov vm7;
	vm0 =	vmmov vm0;
	vm2 =	vmmov vm13  }
0x16: {  	s28 =	spop (v2sf);
	v9 =	vadd.s32 s0, v9;
	vm4 =	vmmov vm14;
	vm1 =	vmmov vm1  }
0x17: {  	s0 =	sadd.s32 s0, s28;
	vm10 =	vmmov vm15;
	vm2 =	vmmov vm2;
	vm9 =	vle.s32 v9, v7  }
0x18: {  	v8 =	vadd.s32 s0, v8;
	vm12 =	vmmov vm4;
	vm6 =	vmand vm6, vm9;
	s29 =	spop (v2sf)  }
0x19: {  	vm13 =	vmmov vm10;
	vm9 =	vle.s32 v8, v7;
	vm5 =	vmor vm5, vm6;
	s0 =	sadd.s32 s0, s29;
	s30 =	spop (v2sf)  }
0x1a: {  	vm3 =	vmand vm3, vm9;
	v60 =	vsel vm5, $0x3F800000, v5;
	v61 =	vadd.s32 s0, v12;
	s0 =	sadd.s32 s0, s30  }
0x1b: {  	vm0 =	vmor vm0, vm3;
	vm11 =	vle.s32 v61, v7;
	v63 =	vadd.s32 s0, v11  }
0x1c: {  	[tilespmem:s17+$0x8000] =	vst v6;
	v62 =	vsel vm0, $0x3F800000, v5;
	vm1 =	vmand vm1, vm11;
	vm14 =	vle.s32 v63, v7  }
0x1d: {  	[tilespmem:s15+$0x8000] =	vst v60;
	vm0 =	vmmov vm12;
	vm1 =	vmor vm2, vm1;
	vm15 =	vmand vm13, vm14  }
0x1e: {  	[tilespmem:s18+$0x8000] =	vst v62;
	v6 =	vsel vm1, $0x3F800000, v5;
	vm0 =	vmor vm0, vm15  }
0x1f: {  	[tilespmem:s16+$0x8000] =	vst v6;
	v6 =	vsel vm0, $0x3F800000, v5  }
0x20: {  	[tilespmem:s19+$0x8000] =	vst v6;
	s31 =	spop (v2sf)  }
.LBB2_51:
0x21: {  	_ =	swait.ge [sflag:s10], $0x8000;
	s14 =	sadd.s32 $0x1, s14  }
0x22: {  	[sflag:s10] =	ssyncset.done $0x0;
	p0 =	sne.s32 s14, s7  }
.Ltmp1:
0x23: {  	[sflag:s10] =	ssyncadd.s32 $0xFFFF8000;
	(pc) =	sbr.rel @!p0 .LBB2_52-.Ltmp1, $4  }
0x24: {  	[hbm4b:s6+s8] =	stream.strided.scatter [tilespmem:s11], [sflag:$0x2], $0x8000, s9, s8, $0x38;
	[tilespmem:$0x18800] =	vst v63  }
0x25: {  	_ =	swait.ge [sflag:s13], $0x8000  }
0x26: {  	[sflag:s13] =	ssyncset.done $0x0  }
0x27: {  	[sflag:s13] =	ssyncadd.s32 $0xFFFF8000  }
.LBB2_1:
0x28: {  	[tilespmem:s2], [sflag:$0x1] =	stream.strided.gather [hbm4b:s3+s8], $0x8000, s9, s8, $0x38;
	[tilespmem:$0x18800] =	vst v63  }
0x29: {  	_ =	swait.ge [sflag:s10], $0x8000  }
0x2a: {  	[sflag:s10] =	ssyncset.done $0x0  }
0x2b: {  	s15 =	simm.s32 $0x18040;
	[sflag:s10] =	ssyncadd.s32 $0xFFFF8000  }
0x2c: {  	[tilespmem:s11], [sflag:$0x2] =	stream.strided.gather [hbm4b:s4+s8], $0x8000, s9, s8, $0x38;
	[tilespmem:$0x18800] =	vst v63  }
0x2d: {  	[tilespmem:s15+$0xFFFFFFC0] =	vst v1  }
0x2e: {  	[tilespmem:s15+$0x30] =	vst v1  }
0x2f: {  	[tilespmem:s15+$0x20] =	vst v1  }
0x30: {  	[tilespmem:s15+$0x10] =	vst v1  }
0x31: {  	[tilespmem:s15+$0x0] =	vst v1  }
0x32: {  	[tilespmem:s15+$0xFFFFFFF0] =	vst v1  }
0x33: {  	s18 =	simm.s32 $0x0;
	s17 =	simm.s32 $0x10040;
	[tilespmem:s15+$0xFFFFFFE0] =	vst v1  }
.LBB2_2:
0x34: {  	s18 =	sadd.s32 $0x80, s18;
	[tilespmem:s15+$0xFFFFFFD0] =	vst v1;
	s15 =	sadd.s32 $0x80, s15;
	s16 =	simm.s32 $0x40  }
0x35: {  	[tilespmem:s15+$0xFFFFFFC0] =	vst v1;
	p0 =	slt.u32 s18, $0x780  }
0x36: {  	[tilespmem:s15+$0x30] =	vst v1  }
.Ltmp2:
0x37: {  	[tilespmem:s15+$0x20] =	vst v1;
	(pc) =	sbr.rel @p0 .LBB2_2-.Ltmp2, $4  }
0x38: {  	[tilespmem:s15+$0x10] =	vst v1  }
0x39: {  	[tilespmem:s15+$0x0] =	vst v1  }
0x3a: {  	[tilespmem:s15+$0xFFFFFFF0] =	vst v1  }
0x3b: {  	[tilespmem:s15+$0xFFFFFFE0] =	vst v1  }
0x3c: {  	[tilespmem:s15+$0xFFFFFFD0] =	vst v1  }
0x3d: {  	v6 =	vld [tilespmem:s16+$0x30]  }
0x3e: {  	v7 =	vld [tilespmem:s16+$0xFFFFFFD0]  }
0x3f: {  	v8 =	vld [tilespmem:s16+$0xFFFFFFE0]  }
0x40: {  	v10 =	vld [tilespmem:s16+$0x0]  }
0x41: {  	v11 =	vld [tilespmem:s16+$0x10]  }
0x42: {  	v14 =	vld [tilespmem:s16+$0x20]  }
0x43: {  	v15 =	vld [tilespmem:s16+$0xFFFFFFC0]  }
0x44: {  	v9 =	vld [tilespmem:s16+$0xFFFFFFF0]  }
0x45: {  	v12 =	vshra.s32 v6, $0x1F  }
0x46: {  	v13 =	vshra.s32 v7, $0x1F;
	vm0 =	veq.s32 v7, $0x80000000;
	v16 =	vshra.s32 v8, $0x1F  }
0x47: {  	vm1 =	veq.s32 v6, $0x80000000;
	v17 =	vshra.s32 v10, $0x1F;
	v19 =	vshra.s32 v11, $0x1F  }
0x48: {  	v20 =	vshra.s32 v14, $0x1F;
	v21 =	vshra.s32 v15, $0x1F;
	vm2 =	veq.s32 v15, $0x80000000  }
0x49: {  	vm3 =	veq.s32 v8, $0x80000000;
	vm4 =	veq.s32 v9, $0x80000000;
	v12 =	vand.u32 $0x7FFFFFFF, v12  }
0x4a: {  	vm5 =	veq.s32 v10, $0x80000000;
	v16 =	vand.u32 $0x7FFFFFFF, v16;
	v12 =	vxor.u32 v6, v12  }
0x4b: {  	v17 =	vand.u32 $0x7FFFFFFF, v17;
	v19 =	vand.u32 $0x7FFFFFFF, v19;
	v12 =	vsel vm1, $0x0, v12  }
0x4c: {  	v6 =	vand.u32 $0x7FFFFFFF, v13;
	v13 =	vshra.s32 v9, $0x1F;
	v18 =	vshra.s32 v12, $0x15  }
0x4d: {  	v16 =	vxor.u32 v8, v16;
	v17 =	vxor.u32 v10, v17;
	v18 =	vadd.s32 $0x400, v18  }
0x4e: {  	v13 =	vand.u32 $0x7FFFFFFF, v13;
	v22 =	vxor.u32 v7, v6;
	v7 =	vand.u32 $0x7FFFFFFF, v20  }
0x4f: {  	v6 =	vand.u32 $0x7FFFFFFF, v21;
	vm1 =	veq.s32 v11, $0x80000000;
	v8 =	vsel vm5, $0x0, v17  }
0x50: {  	v13 =	vxor.u32 v9, v13;
	v63 =	vxor.u32 v15, v6;
	[tilespmem:s17+$0x30] =	vst v12;
	v9 =	vsel vm0, $0x0, v22  }
0x51: {  	s19 =	simm.s32 $0x0;
	v6 =	vxor.u32 v11, v19;
	v7 =	vxor.u32 v14, v7;
	vm0 =	veq.s32 v14, $0x80000000;
	[tilespmem:s17+$0xFFFFFFD0] =	vst v9  }
0x52: {  	s18 =	simm.s32 $0x187F0;
	s20 =	simm.s32 $0xC0;
	s16 =	simm.s32 $0x7C0;
	v12 =	vsel vm3, $0x0, v16;
	v11 =	vsel vm2, $0x0, v63;
	v10 =	vsel vm4, $0x0, v13;
	[tilespmem:v18+s12+$0x0] =	vst.idx.add.s32.msk $0xffff, v2  }
.LBB2_4:
0x53: {  	v13 =	vld [tilespmem:s20+$0x30];
	s19 =	sadd.s32 $0x80, s19;
	v14 =	vshra.s32 v11, $0x15;
	[tilespmem:s17+$0xFFFFFFE0] =	vst v12;
	v6 =	vsel vm1, $0x0, v6;
	v7 =	vsel vm0, $0x0, v7  }
0x54: {  	v9 =	vshra.s32 v9, $0x15;
	v15 =	vld [tilespmem:s20+$0xFFFFFFD0];
	p0 =	slt.u32 s19, $0x7F80;
	[tilespmem:s17+$0xFFFFFFC0] =	vst v11;
	v11 =	vshra.s32 v12, $0x15;
	v12 =	vshra.s32 v10, $0x15  }
0x55: {  	v17 =	vshra.s32 v6, $0x15;
	v18 =	vshra.s32 v7, $0x15;
	v16 =	vld [tilespmem:s20+$0xFFFFFFE0];
	[tilespmem:s17+$0xFFFFFFF0] =	vst v10;
	v10 =	vshra.s32 v8, $0x15  }
0x56: {  	v14 =	vadd.s32 $0x400, v14;
	v9 =	vadd.s32 $0x400, v9;
	v11 =	vadd.s32 $0x400, v11;
	v19 =	vld [tilespmem:s20+$0xFFFFFFF0];
	[tilespmem:s17+$0x0] =	vst v8  }
0x57: {  	v12 =	vadd.s32 $0x400, v12;
	v10 =	vadd.s32 $0x400, v10;
	v8 =	vld [tilespmem:s20+$0x0];
	[tilespmem:s17+$0x10] =	vst v6;
	v6 =	vadd.s32 $0x400, v17  }
0x58: {  	v18 =	vadd.s32 $0x400, v18;
	v17 =	vld [tilespmem:s20+$0x10];
	v20 =	vshra.s32 v13, $0x1F;
	[tilespmem:s17+$0x20] =	vst v7  }
0x59: {  	v7 =	vshra.s32 v15, $0x1F;
	vm0 =	veq.s32 v15, $0x80000000;
	v21 =	vld [tilespmem:s20+$0x20];
	v20 =	vand.u32 $0x7FFFFFFF, v20  }
0x5a: {  	vm1 =	veq.s32 v13, $0x80000000;
	v22 =	vld [tilespmem:s20+$0xFFFFFFC0];
	v23 =	vshra.s32 v16, $0x1F;
	v20 =	vxor.u32 v13, v20  }
0x5b: {  	v7 =	vand.u32 $0x7FFFFFFF, v7;
	v13 =	vshra.s32 v19, $0x1F;
	v20 =	vsel vm1, $0x0, v20;
	[tilespmem:v14+s12+$0x0] =	vst.idx.add.s32.msk $0xffff, v2  }
0x5c: {  	v14 =	vand.u32 $0x7FFFFFFF, v23;
	v23 =	vshra.s32 v8, $0x1F;
	v24 =	vshra.s32 v20, $0x15;
	[tilespmem:v11+s12+$0x0] =	vst.idx.add.s32.msk $0xffff, v2  }
0x5d: {  	v11 =	vand.u32 $0x7FFFFFFF, v13;
	v13 =	vshra.s32 v17, $0x1F;
	v24 =	vadd.s32 $0x400, v24;
	[tilespmem:v10+s12+$0x0] =	vst.idx.add.s32.msk $0xffff, v2  }
0x5e: {  	v10 =	vand.u32 $0x7FFFFFFF, v23;
	v13 =	vand.u32 $0x7FFFFFFF, v13;
	v23 =	vshra.s32 v21, $0x1F;
	[tilespmem:v9+s12+$0x0] =	vst.idx.add.s32.msk $0xffff, v2  }
0x5f: {  	v15 =	vxor.u32 v15, v7;
	v9 =	vshra.s32 v22, $0x1F;
	v7 =	vand.u32 $0x7FFFFFFF, v23;
	[tilespmem:v12+s12+$0x0] =	vst.idx.add.s32.msk $0xffff, v2  }
0x60: {  	s17 =	sadd.s32 $0x80, s17;
	v12 =	vxor.u32 v16, v14;
	v14 =	vxor.u32 v19, v11;
	v9 =	vand.u32 $0x7FFFFFFF, v9;
	[tilespmem:v6+s12+$0x0] =	vst.idx.add.s32.msk $0xffff, v2  }
.Ltmp3:
0x61: {  	v23 =	vxor.u32 v8, v10;
	v6 =	vxor.u32 v17, v13;
	v9 =	vxor.u32 v22, v9;
	[tilespmem:s17+$0x30] =	vst v20;
	(pc) =	sbr.rel @p0 .LBB2_4-.Ltmp3, $4  }
0x62: {  	s15 =	simm.s32 $0x0;
	vm3 =	veq.s32 v16, $0x80000000;
	vm2 =	veq.s32 v22, $0x80000000;
	v7 =	vxor.u32 v21, v7;
	[tilespmem:v24+s12+$0x0] =	vst.idx.add.s32.msk $0xffff, v2  }
0x63: {  	vm4 =	veq.s32 v19, $0x80000000;
	vm5 =	veq.s32 v8, $0x80000000;
	vm1 =	veq.s32 v17, $0x80000000;
	[tilespmem:v18+s12+$0x0] =	vst.idx.add.s32.msk $0xffff, v2  }
0x64: {  	v11 =	vsel vm2, $0x0, v9;
	v9 =	vsel vm0, $0x0, v15;
	vm0 =	veq.s32 v21, $0x80000000  }
0x65: {  	s20 =	sadd.s32 $0x80, s20;
	v12 =	vsel vm3, $0x0, v12;
	v10 =	vsel vm4, $0x0, v14;
	v8 =	vsel vm5, $0x0, v23;
	[tilespmem:s17+$0xFFFFFFD0] =	vst v9  }
0x66: {  	v13 =	vshra.s32 v11, $0x15;
	[tilespmem:s17+$0xFFFFFFE0] =	vst v12  }
0x67: {  	[tilespmem:s17+$0xFFFFFFC0] =	vst v11;
	v11 =	vshra.s32 v12, $0x15;
	v61 =	vadd.s32 $0x400, v13  }
0x68: {  	[tilespmem:s17+$0xFFFFFFF0] =	vst v10;
	v62 =	vshra.s32 v8, $0x15;
	v11 =	vadd.s32 $0x400, v11  }
0x69: {  	v6 =	vsel vm1, $0x0, v6;
	v9 =	vshra.s32 v9, $0x15;
	[tilespmem:s17+$0x0] =	vst v8;
	v8 =	vadd.s32 $0x400, v62  }
0x6a: {  	v7 =	vsel vm0, $0x0, v7;
	v10 =	vshra.s32 v10, $0x15;
	v9 =	vadd.s32 $0x400, v9;
	[tilespmem:s17+$0x10] =	vst v6  }
0x6b: {  	v6 =	vshra.s32 v6, $0x15;
	v10 =	vadd.s32 $0x400, v10;
	[tilespmem:s17+$0x20] =	vst v7  }
0x6c: {  	v7 =	vshra.s32 v7, $0x15;
	v6 =	vadd.s32 $0x400, v6;
	[tilespmem:v61+s12+$0x0] =	vst.idx.add.s32.msk $0xffff, v2  }
0x6d: {  	v7 =	vadd.s32 $0x400, v7;
	[tilespmem:v11+s12+$0x0] =	vst.idx.add.s32.msk $0xffff, v2  }
0x6e: {  	[tilespmem:v8+s12+$0x0] =	vst.idx.add.s32.msk $0xffff, v2  }
0x6f: {  	[tilespmem:v9+s12+$0x0] =	vst.idx.add.s32.msk $0xffff, v2  }
0x70: {  	[tilespmem:v10+s12+$0x0] =	vst.idx.add.s32.msk $0xffff, v2  }
0x71: {  	[tilespmem:v6+s12+$0x0] =	vst.idx.add.s32.msk $0xffff, v2  }
0x72: {  	[tilespmem:v7+s12+$0x0] =	vst.idx.add.s32.msk $0xffff, v2  }
0x73: {  	v6 =	vld [tilespmem:s18+$0xFFFFFFD0]  }
0x74: {  	v7 =	vld [tilespmem:s18+$0xFFFFFFE0]  }
0x75: {  	v8 =	vld [tilespmem:s18+$0xFFFFFFF0]  }
0x76: {  	v9 =	vld [tilespmem:s18+$0x0];
	_ =	sdelay $0x2  }
0x77: {  	v6 =	vadd.s32 v6, v7  }
0x78: {  	v6 =	vadd.s32 v8, v6  }
0x79: {  	v6 =	vadd.s32 v9, v6  }
0x7a: {  	(xrf0) =	vadd.scan.msk.s32 $0xffff, v6;
	_ =	sdelay $0x4  }
0x7b: {  	s26 =	simm.s32 $0x187B0  }
0x7c: {  	v7 =	vld [tilespmem:s26+$0xFFFFFFE0];
	v8, _, _ =	vpop (xrf0)  }
0x7d: {  	v6 =	vld [tilespmem:s26+$0xFFFFFFD0];
	(v2sf) =	vpush v8, $0xF  }
0x7e: {  	v9 =	vld [tilespmem:s26+$0xFFFFFFF0]  }
0x7f: {  	v8 =	vld [tilespmem:s26+$0x0]  }
0x80: {  	s28 =	simm.s32 $0x18770  }
0x81: {  	v10 =	vld [tilespmem:s28+$0xFFFFFFD0]  }
0x82: {  	v11 =	vld [tilespmem:s28+$0xFFFFFFE0];
	v6 =	vadd.s32 v6, v7  }
0x83: {  	v12 =	vld [tilespmem:s28+$0xFFFFFFF0];
	v6 =	vadd.s32 v9, v6  }
0x84: {  	v63 =	vld [tilespmem:s28+$0x0];
	v6 =	vadd.s32 v8, v6  }
0x85: {  	(xrf0) =	vadd.scan.msk.s32 $0xffff, v6;
	_ =	sdelay $0x1  }
0x86: {  	v7 =	vadd.s32 v10, v11  }
0x87: {  	v7 =	vadd.s32 v12, v7  }
0x88: {  	s29 =	simm.s32 $0x18730;
	v6 =	vadd.s32 v63, v7  }
0x89: {  	v14 =	vld [tilespmem:s29+$0xFFFFFFD0];
	(xrf0) =	vadd.scan.msk.s32 $0xffff, v6  }
0x8a: {  	v15 =	vld [tilespmem:s29+$0xFFFFFFE0];
	v10, _, _ =	vpop (xrf0)  }
0x8b: {  	v16 =	vld [tilespmem:s29+$0xFFFFFFF0];
	s31 =	spop (v2sf);
	(v2sf) =	vpush v10, $0xF  }
0x8c: {  	v17 =	vld [tilespmem:s29+$0x0];
	_ =	sdelay $0x2  }
0x8d: {  	s30 =	simm.s32 $0x186F0;
	v8 =	vadd.s32 v14, v15;
	v11, _, _ =	vpop (xrf0)  }
0x8e: {  	v7 =	vld [tilespmem:s30+$0xFFFFFFD0];
	v8 =	vadd.s32 v16, v8;
	(v2sf) =	vpush v11, $0xF  }
0x8f: {  	v6 =	vld [tilespmem:s30+$0xFFFFFFE0];
	v8 =	vadd.s32 v17, v8  }
0x90: {  	v9 =	vld [tilespmem:s30+$0xFFFFFFF0];
	(xrf0) =	vadd.scan.msk.s32 $0xffff, v8  }
0x91: {  	s19 =	simm.s32 $0x780;
	s20 =	simm.s32 $0x740;
	v8 =	vld [tilespmem:s30+$0x0]  }
0x92: {  	p0 =	por $0x1, $0x1;
	s21 =	simm.s32 $0x700;
	s18 =	sadd.s32 $0x0, s31  }
0x93: {  	s22 =	simm.s32 $0x6C0;
	s23 =	simm.s32 $0x680;
	p1 =	sgt.s32 s18, $0xFF  }
0x94: {  	s25 =	simm.s32 $0x186B0;
	s24 =	simm.s32 $0x0;
	v7 =	vadd.s32 v7, v6;
	p0 =	por !p0, !p1  }
0x95: {  	s17 =	simm.s32 $0x0;
	s26 =	simm.s32 $0x640;
	v6 =	vld [tilespmem:s25+$0xFFFFFFD0];
	v9 =	vadd.s32 v9, v7;
	p0 =	por !p0, !p0  }
0x96: {  	v7 =	vld [tilespmem:s25+$0xFFFFFFE0];
	v9 =	vadd.s32 v8, v9;
	v8, _, _ =	vpop (xrf0);
	s17 =	smov.u32 @p0 s16;
	s24 =	simm.s32 @p0 $0x1;
	s16 =	simm.s32 $0x0  }
.LBB2_6:
0x97: {  	p1 =	sne.s32 s26, $0x0;
	v10 =	vld [tilespmem:s25+$0xFFFFFFF0];
	(xrf0) =	vadd.scan.msk.s32 $0xffff, v9;
	(v2sf) =	vpush v8, $0xF;
	s15 =	smov.u32 @p0 s16;
	s16 =	smov.u32 s18  }
0x98: {  	s29 =	smov.u32 s19;
	s19 =	smov.u32 s20;
	v8 =	vld [tilespmem:s25+$0x0];
	s28 =	spop (v2sf)  }
.Ltmp4:
0x99: {  	s20 =	smov.u32 s21;
	s18 =	sadd.s32 s18, s28;
	(pc) =	sbr.rel @p1 .LBB2_6-.Ltmp4, $4  }
0x9a: {  	p0 =	seq.s32 s24, $0x0;
	s21 =	smov.u32 s22;
	p2 =	sgt.s32 s18, $0xFF  }
0x9b: {  	s22 =	smov.u32 s23;
	s25 =	sadd.s32 $0xFFFFFFC0, s25;
	v7 =	vadd.s32 v6, v7;
	p0 =	por !p0, !p2  }
0x9c: {  	s23 =	smov.u32 s26;
	v6 =	vld [tilespmem:s25+$0xFFFFFFD0];
	v9 =	vadd.s32 v10, v7;
	p0 =	por !p0, !p0  }
0x9d: {  	s26 =	sadd.s32 $0xFFFFFFC0, s26;
	v7 =	vld [tilespmem:s25+$0xFFFFFFE0];
	v9 =	vadd.s32 v8, v9;
	v8, _, _ =	vpop (xrf0);
	s17 =	smov.u32 @p0 s29;
	s24 =	simm.s32 @p0 $0x1  }
0x9e: {  	v10 =	vld [tilespmem:s25+$0xFFFFFFF0]  }
0x9f: {  	v11 =	vld [tilespmem:s25+$0x0];
	_ =	sdelay $0x1  }
0xa0: {  	(xrf0) =	vadd.scan.msk.s32 $0xffff, v9  }
0xa1: {  	v6 =	vadd.s32 v6, v7  }
0xa2: {  	v6 =	vadd.s32 v10, v6  }
0xa3: {  	(v2sf) =	vpush v8, $0xF;
	v6 =	vadd.s32 v11, v6  }
0xa4: {  	(xrf0) =	vadd.scan.msk.s32 $0xffff, v6;
	_ =	sdelay $0x1  }
0xa5: {  	v6, _, _ =	vpop (xrf0)  }
0xa6: {  	(v2sf) =	vpush v6, $0xF;
	_ =	sdelay $0x2  }
0xa7: {  	s31 =	spop (v2sf);
	v6, _, _ =	vpop (xrf0)  }
0xa8: {  	s25 =	sadd.s32 s18, s31;
	(v2sf) =	vpush v6, $0xF  }
0xa9: {  	p1 =	seq.s32 s24, $0x0;
	p2 =	sgt.s32 s25, $0xFF  }
0xaa: {  	p1 =	por !p1, !p2  }
0xab: {  	p1 =	por !p1, !p1;
	s26 =	spop (v2sf)  }
0xac: {  	s24 =	simm.s32 @p1 $0x1;
	s26 =	sadd.s32 s25, s26  }
0xad: {  	p4 =	seq.s32 s24, $0x0;
	p3 =	sgt.s32 s26, $0xFF  }
0xae: {  	p2 =	por !p4, !p3  }
0xaf: {  	p2 =	por !p2, !p2;
	s28 =	spop (v2sf)  }
0xb0: {  	s24 =	simm.s32 @p2 $0x1;
	s28 =	sadd.s32 s26, s28  }
0xb1: {  	p5 =	seq.s32 s24, $0x0;
	p4 =	sgt.s32 s28, $0xFF  }
0xb2: {  	p3 =	por !p5, !p4  }
0xb3: {  	p3 =	por !p3, !p3;
	s29 =	spop (v2sf)  }
0xb4: {  	s24 =	simm.s32 @p3 $0x1;
	s29 =	sadd.s32 s28, s29  }
0xb5: {  	p6 =	seq.s32 s24, $0x0;
	p5 =	sgt.s32 s29, $0xFF  }
0xb6: {  	p4 =	por !p6, !p5  }
0xb7: {  	p4 =	por !p4, !p4;
	s30 =	spop (v2sf)  }
0xb8: {  	s17 =	smov.u32 @p1 s19;
	s24 =	simm.s32 @p4 $0x1;
	s0 =	sadd.s32 s29, s30  }
0xb9: {  	s17 =	smov.u32 @p2 s20;
	p5 =	seq.s32 s24, $0x0;
	p6 =	sgt.s32 s0, $0xFF  }
0xba: {  	s17 =	smov.u32 @p3 s21;
	p5 =	por !p5, !p6  }
0xbb: {  	s17 =	smov.u32 @p4 s22;
	p5 =	por !p5, !p5  }
0xbc: {  	s17 =	smov.u32 @p5 s23  }
0xbd: {  	v6 =	vld [tilespmem:s17+$0x18030];
	_ =	sdelay $0x2  }
0xbe: {  	v7 =	vld [tilespmem:s17+$0x18020];
	_ =	sdelay $0x1  }
0xbf: {  	(xrf0) =	vadd.scan.msk.s32 $0xffff, v6;
	_ =	sdelay $0x1  }
0xc0: {  	v6 =	vld [tilespmem:s17+$0x18010]  }
0xc1: {  	(xrf0) =	vadd.scan.msk.s32 $0xffff, v7;
	_ =	sdelay $0x2  }
0xc2: {  	v7, _, _ =	vpop (xrf0)  }
0xc3: {  	(xrf0) =	vadd.scan.msk.s32 $0xffff, v6;
	v6 =	vld [tilespmem:s17+$0x18000];
	(v2sf) =	vpush v7, $0xF;
	_ =	sdelay $0x1  }
0xc4: {  	v7, _, _ =	vpop (xrf0)  }
0xc5: {  	(v2sf) =	vpush v7, $0xF;
	_ =	sdelay $0x1  }
0xc6: {  	(xrf0) =	vadd.scan.msk.s32 $0xffff, v6  }
0xc7: {  	v6, _, _ =	vpop (xrf0)  }
0xc8: {  	(v2sf) =	vpush v6, $0xF;
	_ =	sdelay $0x2  }
0xc9: {  	s15 =	smov.u32 @p0 s16  }
0xca: {  	s15 =	smov.u32 @p1 s18;
	v6, _, _ =	vpop (xrf0)  }
0xcb: {  	s15 =	smov.u32 @p2 s25;
	(v2sf) =	vpush v6, $0xF  }
0xcc: {  	s15 =	smov.u32 @p3 s26  }
0xcd: {  	s15 =	smov.u32 @p4 s28  }
0xce: {  	s15 =	smov.u32 @p5 s29;
	s28 =	spop (v2sf)  }
0xcf: {  	s18 =	sadd.s32 s15, s28  }
0xd0: {  	p1 =	sgt.s32 s18, $0xFF;
	s16 =	smov.u32 s18  }
0xd1: {  	s29 =	spop (v2sf);
	s16 =	smov.u32 @p1 s15  }
0xd2: {  	s16 =	sadd.s32 s29, s16  }
0xd3: {  	p3 =	sgt.s32 s16, $0xFF  }
0xd4: {  	s16 =	smov.u32 @p3 s18  }
0xd5: {  	s30 =	spop (v2sf);
	s16 =	smov.u32 @p1 s15  }
0xd6: {  	p2 =	por p1, p3;
	s15 =	sadd.s32 s30, s16  }
0xd7: {  	p5 =	por !p2, !p2;
	p4 =	slt.s32 s15, $0x100  }
0xd8: {  	p0 =	por !p4, !p5  }
0xd9: {  	p0 =	por !p0, !p0  }
0xda: {  	s19 =	sadd.s32 $0x20, s17;
	s31 =	spop (v2sf);
	s16 =	smov.u32 @p0 s15  }
0xdb: {  	s20 =	sadd.s32 $0x30, s17;
	s19 =	simm.s32 @!p3 $0x0;
	s18 =	sadd.s32 s31, s16  }
0xdc: {  	s19 =	smov.u32 @p1 s20;
	s15 =	sadd.s32 $0x10, s17;
	p6 =	sgt.s32 s18, $0xFF  }
0xdd: {  	s15 =	smov.u32 @p4 s19;
	p1 =	por !p0, !p6  }
0xde: {  	s15 =	smov.u32 @p2 s19;
	p1 =	por !p1, !p1  }
0xdf: {  	s15 =	smov.u32 @p1 s17;
	s17 =	simm.s32 $0x18040  }
0xe0: {  	v6 =	vld [tilespmem:s15+$0x18000];
	[tilespmem:s17+$0xFFFFFFC0] =	vst v1  }
0xe1: {  	[tilespmem:s17+$0x30] =	vst v1  }
0xe2: {  	[tilespmem:s17+$0x20] =	vst v1  }
0xe3: {  	[tilespmem:s17+$0x10] =	vst v1  }
0xe4: {  	[tilespmem:s17+$0x0] =	vst v1  }
0xe5: {  	[tilespmem:s17+$0xFFFFFFF0] =	vst v1  }
0xe6: {  	s19 =	simm.s32 $0x0;
	[tilespmem:s17+$0xFFFFFFE0] =	vst v1;
	v6 =	vperm.xlane v6, v3  }
.LBB2_8:
0xe7: {  	s19 =	sadd.s32 $0x80, s19;
	[tilespmem:s17+$0xFFFFFFD0] =	vst v1;
	s17 =	sadd.s32 $0x80, s17  }
0xe8: {  	[tilespmem:s17+$0xFFFFFFC0] =	vst v1;
	p2 =	slt.u32 s19, $0x780  }
0xe9: {  	[tilespmem:s17+$0x30] =	vst v1  }
.Ltmp5:
0xea: {  	[tilespmem:s17+$0x20] =	vst v1;
	(pc) =	sbr.rel @p2 .LBB2_8-.Ltmp5, $4  }
0xeb: {  	[tilespmem:s17+$0x10] =	vst v1  }
0xec: {  	[tilespmem:s17+$0x0] =	vst v1  }
0xed: {  	[tilespmem:s17+$0xFFFFFFF0] =	vst v1  }
0xee: {  	[tilespmem:s17+$0xFFFFFFE0] =	vst v1  }
0xef: {  	(xrf0) =	vadd.scan.msk.s32 $0xffff, v6;
	_ =	sdelay $0x3  }
0xf0: {  	p2 =	por !p1, !p1  }
0xf1: {  	p2 =	por @!p0 p1, p1  }
0xf2: {  	s16 =	smov.u32 @p2 s18;
	v7, _, _ =	vpop (xrf0)  }
0xf3: {  	v7 =	vadd.s32 s16, v7  }
0xf4: {  	vm0 =	vgt.s32 v7, $0xFF  }
0xf5: {  	v7 =	vsel vm0, $0x1, v1  }
0xf6: {  	(xrf0) =	vadd.scan.msk.s32 $0xffff, v7;
	_ =	sdelay $0x5  }
0xf7: {  	v7, _, _ =	vpop (xrf0)  }
0xf8: {  	(v2sf) =	vpush v7, $0xF;
	_ =	sdelay $0xb  }
0xf9: {  	[tilespmem:s17+$0xFFFFFFD0] =	vst v1;
	s31 =	simm.s32 $0x10040  }
0xfa: {  	v8 =	vld [tilespmem:s31+$0xFFFFFFC0]  }
0xfb: {  	v10 =	vld [tilespmem:s31+$0xFFFFFFE0]  }
0xfc: {  	s30 =	spop (v2sf)  }
0xfd: {  	s15 =	sadd.s32 s30, s15  }
0xfe: {  	v12 =	vld [tilespmem:s31+$0xFFFFFFF0];
	s15 =	sadd.s32 $0xFFFFFBFF, s15  }
0xff: {  	v14 =	vld [tilespmem:s31+$0x20];
	v9 =	vshra.s32 v8, $0x15;
	v7 =	vmov s15  }
0x100: {  	v8 =	vshrl.u32 v8, $0xA;
	v11 =	vshra.s32 v10, $0x15;
	vm4 =	veq.s32 v9, v7  }
0x101: {  	v15 =	vld [tilespmem:s31+$0x30];
	v10 =	vshrl.u32 v10, $0xA;
	v16 =	vand.u32 $0x7FF, v8;
	vm3 =	veq.s32 v11, v7  }
0x102: {  	v8 =	vld [tilespmem:s31+$0xFFFFFFD0];
	v11 =	vand.u32 $0x7FF, v10;
	_ =	sdelay $0x1  }
0x103: {  	v17 =	vshra.s32 v14, $0x15;
	v9 =	vshrl.u32 v12, $0xA;
	v10 =	vshra.s32 v12, $0x15;
	v12 =	vld [tilespmem:s31+$0x10]  }
0x104: {  	v13 =	vld [tilespmem:s31+$0x0];
	vm2 =	veq.s32 v17, v7;
	vm1 =	veq.s32 v10, v7;
	v10 =	vshrl.u32 v14, $0xA  }
0x105: {  	s17 =	simm.s32 $0x0;
	s18 =	simm.s32 $0x100C0;
	v14 =	vshrl.u32 v15, $0xA;
	v15 =	vshra.s32 v15, $0x15;
	v10 =	vand.u32 $0x7FF, v10;
	[tilespmem:v16+s12+$0x0] =	vst.idx.add.s32.msk vm4, v2  }
.LBB2_10:
0x106: {  	s17 =	sadd.s32 $0x80, s17;
	v16 =	vshra.s32 v8, $0x15;
	[tilespmem:v11+s12+$0x0] =	vst.idx.add.s32.msk vm3, v2;
	vm4 =	veq.s32 v15, v7  }
0x107: {  	v8 =	vshrl.u32 v8, $0xA;
	v11 =	vand.u32 $0x7FF, v9;
	v15 =	vld [tilespmem:s18+$0xFFFFFFF0];
	p0 =	slt.u32 s17, $0x7F80;
	vm5 =	veq.s32 v16, v7  }
0x108: {  	v14 =	vand.u32 $0x7FF, v14;
	v17 =	vand.u32 $0x7FF, v8;
	v16 =	vld [tilespmem:s18+$0xFFFFFFE0];
	v8 =	vshra.s32 v12, $0x15  }
0x109: {  	v12 =	vshrl.u32 v12, $0xA;
	v18 =	vld [tilespmem:s18+$0xFFFFFFC0];
	v9 =	vshra.s32 v13, $0x15;
	vm6 =	veq.s32 v8, v7  }
0x10a: {  	v8 =	vshrl.u32 v13, $0xA;
	v12 =	vand.u32 $0x7FF, v12;
	v19 =	vld [tilespmem:s18+$0x30];
	vm7 =	veq.s32 v9, v7  }
0x10b: {  	v13 =	vand.u32 $0x7FF, v8;
	v20 =	vld [tilespmem:s18+$0x20]  }
0x10c: {  	v8 =	vld [tilespmem:s18+$0xFFFFFFD0];
	v9 =	vshrl.u32 v15, $0xA  }
0x10d: {  	[tilespmem:v11+s12+$0x0] =	vst.idx.add.s32.msk vm1, v2  }
0x10e: {  	v21 =	vshrl.u32 v16, $0xA;
	v16 =	vshra.s32 v16, $0x15;
	v11 =	vshra.s32 v18, $0x15;
	[tilespmem:v10+s12+$0x0] =	vst.idx.add.s32.msk vm2, v2  }
0x10f: {  	v10 =	vshrl.u32 v18, $0xA;
	vm3 =	veq.s32 v16, v7;
	vm8 =	veq.s32 v11, v7;
	[tilespmem:v12+s12+$0x0] =	vst.idx.add.s32.msk vm6, v2  }
0x110: {  	v10 =	vand.u32 $0x7FF, v10;
	v11 =	vand.u32 $0x7FF, v21;
	[tilespmem:v13+s12+$0x0] =	vst.idx.add.s32.msk vm7, v2  }
.Ltmp6:
0x111: {  	v12 =	vshra.s32 v15, $0x15;
	[tilespmem:v14+s12+$0x0] =	vst.idx.add.s32.msk vm4, v2;
	(pc) =	sbr.rel @p0 .LBB2_10-.Ltmp6, $4  }
0x112: {  	vm1 =	veq.s32 v12, v7;
	[tilespmem:v17+s12+$0x0] =	vst.idx.add.s32.msk vm5, v2  }
0x113: {  	v14 =	vshra.s32 v20, $0x15;
	v12 =	vld [tilespmem:s18+$0x10]  }
0x114: {  	v15 =	vshrl.u32 v20, $0xA;
	vm2 =	veq.s32 v14, v7;
	v13 =	vld [tilespmem:s18+$0x0]  }
0x115: {  	v14 =	vshrl.u32 v19, $0xA;
	s18 =	sadd.s32 $0x80, s18;
	[tilespmem:v10+s12+$0x0] =	vst.idx.add.s32.msk vm8, v2;
	v10 =	vand.u32 $0x7FF, v15;
	v15 =	vshra.s32 v19, $0x15  }
0x116: {  	_ = 	snop  }
0x117: {  	v9 =	vand.u32 $0x7FF, v9;
	v59 =	vshra.s32 v8, $0x15  }
0x118: {  	v8 =	vshrl.u32 v8, $0xA;
	vm15 =	veq.s32 v59, v7;
	v16 =	vshra.s32 v12, $0x15  }
0x119: {  	v8 =	vand.u32 $0x7FF, v8;
	v57 =	vshrl.u32 v12, $0xA;
	vm4 =	veq.s32 v16, v7  }
0x11a: {  	vm6 =	veq.s32 v15, v7;
	v17 =	vshra.s32 v13, $0x15;
	v12 =	vand.u32 $0x7FF, v57  }
0x11b: {  	[tilespmem:v11+s12+$0x0] =	vst.idx.add.s32.msk vm3, v2;
	v58 =	vshrl.u32 v13, $0xA;
	vm5 =	veq.s32 v17, v7;
	v7 =	vand.u32 $0x7FF, v14  }
0x11c: {  	[tilespmem:v10+s12+$0x0] =	vst.idx.add.s32.msk vm2, v2;
	v13 =	vand.u32 $0x7FF, v58  }
0x11d: {  	[tilespmem:v9+s12+$0x0] =	vst.idx.add.s32.msk vm1, v2  }
0x11e: {  	[tilespmem:v8+s12+$0x0] =	vst.idx.add.s32.msk vm15, v2  }
0x11f: {  	[tilespmem:v12+s12+$0x0] =	vst.idx.add.s32.msk vm4, v2  }
0x120: {  	[tilespmem:v7+s12+$0x0] =	vst.idx.add.s32.msk vm6, v2  }
0x121: {  	s17 =	simm.s32 $0x187F0;
	[tilespmem:v13+s12+$0x0] =	vst.idx.add.s32.msk vm5, v2  }
0x122: {  	v7 =	vld [tilespmem:s17+$0xFFFFFFD0]  }
0x123: {  	v8 =	vld [tilespmem:s17+$0xFFFFFFE0]  }
0x124: {  	v9 =	vld [tilespmem:s17+$0xFFFFFFF0]  }
0x125: {  	v10 =	vld [tilespmem:s17+$0x0];
	_ =	sdelay $0x2  }
0x126: {  	v6 =	vsel vm0, $0x0, v6;
	v7 =	vadd.s32 v7, v8  }
0x127: {  	(xrf0) =	vadd.scan.msk.s32 $0xffff, v6;
	v6 =	vadd.s32 v9, v7  }
0x128: {  	v6 =	vadd.s32 v10, v6  }
0x129: {  	(xrf0) =	vadd.scan.msk.s32 $0xffff, v6;
	_ =	sdelay $0x2  }
0x12a: {  	s25 =	simm.s32 $0x187B0  }
0x12b: {  	v7 =	vld [tilespmem:s25+$0xFFFFFFE0];
	v6, _, _ =	vpop (xrf0)  }
0x12c: {  	(v2sf) =	vpush v6, $0xF;
	v6 =	vld [tilespmem:s25+$0xFFFFFFD0]  }
0x12d: {  	v9 =	vld [tilespmem:s25+$0xFFFFFFF0];
	v8, _, _ =	vpop (xrf0)  }
0x12e: {  	(v2sf) =	vpush v8, $0xF;
	v8 =	vld [tilespmem:s25+$0x0]  }
0x12f: {  	s26 =	simm.s32 $0x18770  }
0x130: {  	v11 =	vld [tilespmem:s26+$0xFFFFFFE0]  }
0x131: {  	v10 =	vld [tilespmem:s26+$0xFFFFFFD0];
	v6 =	vadd.s32 v6, v7  }
0x132: {  	v12 =	vld [tilespmem:s26+$0xFFFFFFF0];
	v6 =	vadd.s32 v9, v6  }
0x133: {  	v13 =	vld [tilespmem:s26+$0x0];
	v6 =	vadd.s32 v8, v6  }
0x134: {  	(xrf0) =	vadd.scan.msk.s32 $0xffff, v6;
	_ =	sdelay $0x1  }
0x135: {  	v7 =	vadd.s32 v10, v11  }
0x136: {  	v7 =	vadd.s32 v12, v7  }
0x137: {  	s30 =	simm.s32 $0x18730;
	v6 =	vadd.s32 v13, v7  }
0x138: {  	v60 =	vld [tilespmem:s30+$0xFFFFFFD0];
	(xrf0) =	vadd.scan.msk.s32 $0xffff, v6  }
0x139: {  	v61 =	vld [tilespmem:s30+$0xFFFFFFE0];
	v10, _, _ =	vpop (xrf0)  }
0x13a: {  	v62 =	vld [tilespmem:s30+$0xFFFFFFF0];
	s18 =	spop (v2sf);
	(v2sf) =	vpush v10, $0xF  }
0x13b: {  	v63 =	vld [tilespmem:s30+$0x0];
	_ =	sdelay $0x2  }
0x13c: {  	s31 =	simm.s32 $0x186F0;
	v8 =	vadd.s32 v60, v61;
	v11, _, _ =	vpop (xrf0)  }
0x13d: {  	v7 =	vld [tilespmem:s31+$0xFFFFFFD0];
	v8 =	vadd.s32 v62, v8;
	s19 =	spop (v2sf);
	(v2sf) =	vpush v11, $0xF  }
0x13e: {  	v6 =	vld [tilespmem:s31+$0xFFFFFFE0];
	v8 =	vadd.s32 v63, v8  }
0x13f: {  	s21 =	simm.s32 $0x7C0;
	s20 =	simm.s32 $0x780;
	s22 =	simm.s32 $0x740;
	v9 =	vld [tilespmem:s31+$0xFFFFFFF0];
	(xrf0) =	vadd.scan.msk.s32 $0xffff, v8  }
0x140: {  	p0 =	por $0x1, $0x1;
	s23 =	simm.s32 $0x700;
	v8 =	vld [tilespmem:s31+$0x0];
	s16 =	sadd.s32 s18, s16  }
0x141: {  	s24 =	simm.s32 $0x6C0;
	s16 =	ssub.s32 $0x100, s16;
	s17 =	sadd.s32 $0x0, s19  }
0x142: {  	s28 =	simm.s32 $0x186B0;
	s29 =	simm.s32 $0x640;
	p1 =	sge.s32 s17, s16  }
0x143: {  	s26 =	simm.s32 $0x0;
	s25 =	simm.s32 $0x680;
	v7 =	vadd.s32 v7, v6;
	p0 =	por !p0, !p1  }
0x144: {  	s18 =	simm.s32 $0x0;
	v6 =	vld [tilespmem:s28+$0xFFFFFFD0];
	v9 =	vadd.s32 v9, v7;
	s19 =	simm.s32 $0x0;
	p0 =	por !p0, !p0  }
0x145: {  	v7 =	vld [tilespmem:s28+$0xFFFFFFE0];
	v9 =	vadd.s32 v8, v9;
	v8, _, _ =	vpop (xrf0);
	s19 =	smov.u32 @p0 s21;
	s26 =	simm.s32 @p0 $0x1;
	s21 =	simm.s32 $0x0  }
.LBB2_12:
0x146: {  	p1 =	sne.s32 s29, $0x0;
	v10 =	vld [tilespmem:s28+$0xFFFFFFF0];
	(xrf0) =	vadd.scan.msk.s32 $0xffff, v9;
	(v2sf) =	vpush v8, $0xF;
	s18 =	smov.u32 @p0 s21;
	s21 =	smov.u32 s17  }
0x147: {  	s31 =	smov.u32 s20;
	s20 =	smov.u32 s22;
	v8 =	vld [tilespmem:s28+$0x0];
	s30 =	spop (v2sf)  }
.Ltmp7:
0x148: {  	s22 =	smov.u32 s23;
	s17 =	sadd.s32 s17, s30;
	(pc) =	sbr.rel @p1 .LBB2_12-.Ltmp7, $4  }
0x149: {  	p0 =	seq.s32 s26, $0x0;
	s23 =	smov.u32 s24;
	p2 =	sge.s32 s17, s16  }
0x14a: {  	s24 =	smov.u32 s25;
	s28 =	sadd.s32 $0xFFFFFFC0, s28;
	v7 =	vadd.s32 v6, v7;
	p0 =	por !p0, !p2  }
0x14b: {  	s25 =	smov.u32 s29;
	v6 =	vld [tilespmem:s28+$0xFFFFFFD0];
	v9 =	vadd.s32 v10, v7;
	p0 =	por !p0, !p0  }
0x14c: {  	s29 =	sadd.s32 $0xFFFFFFC0, s29;
	v7 =	vld [tilespmem:s28+$0xFFFFFFE0];
	v9 =	vadd.s32 v8, v9;
	v8, _, _ =	vpop (xrf0);
	s19 =	smov.u32 @p0 s31;
	s26 =	simm.s32 @p0 $0x1  }
0x14d: {  	v10 =	vld [tilespmem:s28+$0xFFFFFFF0]  }
0x14e: {  	v11 =	vld [tilespmem:s28+$0x0];
	_ =	sdelay $0x1  }
0x14f: {  	(xrf0) =	vadd.scan.msk.s32 $0xffff, v9  }
0x150: {  	v6 =	vadd.s32 v6, v7  }
0x151: {  	v6 =	vadd.s32 v10, v6  }
0x152: {  	(v2sf) =	vpush v8, $0xF;
	v6 =	vadd.s32 v11, v6  }
0x153: {  	(xrf0) =	vadd.scan.msk.s32 $0xffff, v6;
	_ =	sdelay $0x1  }
0x154: {  	v6, _, _ =	vpop (xrf0)  }
0x155: {  	(v2sf) =	vpush v6, $0xF;
	_ =	sdelay $0x2  }
0x156: {  	s0 =	spop (v2sf);
	v6, _, _ =	vpop (xrf0)  }
0x157: {  	s28 =	sadd.s32 s17, s0;
	(v2sf) =	vpush v6, $0xF  }
0x158: {  	p1 =	seq.s32 s26, $0x0;
	p2 =	sge.s32 s28, s16  }
0x159: {  	p1 =	por !p1, !p2  }
0x15a: {  	p1 =	por !p1, !p1;
	s29 =	spop (v2sf)  }
0x15b: {  	s26 =	simm.s32 @p1 $0x1;
	s29 =	sadd.s32 s28, s29  }
0x15c: {  	p4 =	seq.s32 s26, $0x0;
	p3 =	sge.s32 s29, s16  }
0x15d: {  	p2 =	por !p4, !p3  }
0x15e: {  	p2 =	por !p2, !p2;
	s30 =	spop (v2sf)  }
0x15f: {  	s26 =	simm.s32 @p2 $0x1;
	s30 =	sadd.s32 s29, s30  }
0x160: {  	p5 =	seq.s32 s26, $0x0;
	p4 =	sge.s32 s30, s16  }
0x161: {  	p3 =	por !p5, !p4  }
0x162: {  	p3 =	por !p3, !p3;
	s31 =	spop (v2sf)  }
0x163: {  	s26 =	simm.s32 @p3 $0x1;
	s31 =	sadd.s32 s30, s31  }
0x164: {  	p6 =	seq.s32 s26, $0x0;
	p5 =	sge.s32 s31, s16  }
0x165: {  	p4 =	por !p6, !p5  }
0x166: {  	p4 =	por !p4, !p4;
	s0 =	spop (v2sf)  }
0x167: {  	s19 =	smov.u32 @p1 s20;
	s26 =	simm.s32 @p4 $0x1;
	s0 =	sadd.s32 s31, s0  }
0x168: {  	s19 =	smov.u32 @p2 s22;
	p5 =	seq.s32 s26, $0x0;
	p6 =	sge.s32 s0, s16  }
0x169: {  	s19 =	smov.u32 @p3 s23;
	p5 =	por !p5, !p6  }
0x16a: {  	s19 =	smov.u32 @p4 s24;
	p5 =	por !p5, !p5  }
0x16b: {  	s19 =	smov.u32 @p5 s25  }
0x16c: {  	v6 =	vld [tilespmem:s19+$0x18030];
	_ =	sdelay $0x2  }
0x16d: {  	v7 =	vld [tilespmem:s19+$0x18020];
	_ =	sdelay $0x1  }
0x16e: {  	(xrf0) =	vadd.scan.msk.s32 $0xffff, v6;
	_ =	sdelay $0x1  }
0x16f: {  	v6 =	vld [tilespmem:s19+$0x18010]  }
0x170: {  	(xrf0) =	vadd.scan.msk.s32 $0xffff, v7;
	_ =	sdelay $0x2  }
0x171: {  	v7, _, _ =	vpop (xrf0)  }
0x172: {  	(xrf0) =	vadd.scan.msk.s32 $0xffff, v6;
	v6 =	vld [tilespmem:s19+$0x18000];
	(v2sf) =	vpush v7, $0xF;
	_ =	sdelay $0x1  }
0x173: {  	v7, _, _ =	vpop (xrf0)  }
0x174: {  	(v2sf) =	vpush v7, $0xF;
	_ =	sdelay $0x1  }
0x175: {  	(xrf0) =	vadd.scan.msk.s32 $0xffff, v6  }
0x176: {  	v6, _, _ =	vpop (xrf0)  }
0x177: {  	(v2sf) =	vpush v6, $0xF;
	_ =	sdelay $0x2  }
0x178: {  	s18 =	smov.u32 @p0 s21  }
0x179: {  	s18 =	smov.u32 @p1 s17;
	v6, _, _ =	vpop (xrf0)  }
0x17a: {  	s18 =	smov.u32 @p2 s28;
	(v2sf) =	vpush v6, $0xF  }
0x17b: {  	s18 =	smov.u32 @p3 s29  }
0x17c: {  	s18 =	smov.u32 @p4 s30  }
0x17d: {  	s18 =	smov.u32 @p5 s31;
	s28 =	spop (v2sf)  }
0x17e: {  	s0 =	sadd.s32 s18, s28  }
0x17f: {  	p1 =	sge.s32 s0, s16;
	s17 =	smov.u32 s0  }
0x180: {  	s29 =	spop (v2sf);
	s17 =	smov.u32 @p1 s18  }
0x181: {  	s17 =	sadd.s32 s29, s17  }
0x182: {  	p3 =	sge.s32 s17, s16  }
0x183: {  	s17 =	smov.u32 @p3 s0  }
0x184: {  	s30 =	spop (v2sf);
	s17 =	smov.u32 @p1 s18  }
0x185: {  	p2 =	por p1, p3;
	s0 =	sadd.s32 s30, s17  }
0x186: {  	p5 =	por !p2, !p2;
	p4 =	slt.s32 s0, s16  }
0x187: {  	p0 =	por !p4, !p5  }
0x188: {  	p0 =	por !p0, !p0  }
0x189: {  	s21 =	sadd.s32 $0x20, s19;
	s31 =	spop (v2sf);
	s17 =	smov.u32 @p0 s0  }
0x18a: {  	s21 =	simm.s32 @!p3 $0x0;
	s18 =	sadd.s32 $0x30, s19;
	s20 =	sadd.s32 s31, s17  }
0x18b: {  	s21 =	smov.u32 @p1 s18;
	s18 =	sadd.s32 $0x10, s19;
	p6 =	sge.s32 s20, s16  }
0x18c: {  	s18 =	smov.u32 @p4 s21;
	p1 =	por !p0, !p6  }
0x18d: {  	s18 =	smov.u32 @p2 s21;
	p1 =	por !p1, !p1  }
0x18e: {  	s18 =	smov.u32 @p1 s19;
	s19 =	simm.s32 $0x18040  }
0x18f: {  	v6 =	vld [tilespmem:s18+$0x18000];
	[tilespmem:s19+$0xFFFFFFC0] =	vst v1  }
0x190: {  	[tilespmem:s19+$0x30] =	vst v1  }
0x191: {  	[tilespmem:s19+$0x20] =	vst v1  }
0x192: {  	[tilespmem:s19+$0x10] =	vst v1  }
0x193: {  	[tilespmem:s19+$0x0] =	vst v1  }
0x194: {  	[tilespmem:s19+$0xFFFFFFF0] =	vst v1  }
0x195: {  	s21 =	simm.s32 $0x0;
	[tilespmem:s19+$0xFFFFFFE0] =	vst v1;
	v6 =	vperm.xlane v6, v3  }
.LBB2_14:
0x196: {  	s21 =	sadd.s32 $0x80, s21;
	[tilespmem:s19+$0xFFFFFFD0] =	vst v1;
	s19 =	sadd.s32 $0x80, s19  }
0x197: {  	[tilespmem:s19+$0xFFFFFFC0] =	vst v1;
	p2 =	slt.u32 s21, $0x380  }
0x198: {  	[tilespmem:s19+$0x30] =	vst v1  }
.Ltmp8:
0x199: {  	[tilespmem:s19+$0x20] =	vst v1;
	(pc) =	sbr.rel @p2 .LBB2_14-.Ltmp8, $4  }
0x19a: {  	[tilespmem:s19+$0x10] =	vst v1  }
0x19b: {  	[tilespmem:s19+$0x0] =	vst v1  }
0x19c: {  	[tilespmem:s19+$0xFFFFFFF0] =	vst v1  }
0x19d: {  	[tilespmem:s19+$0xFFFFFFE0] =	vst v1  }
0x19e: {  	(xrf0) =	vadd.scan.msk.s32 $0xffff, v6;
	_ =	sdelay $0x3  }
0x19f: {  	p2 =	por !p1, !p1  }
0x1a0: {  	p2 =	por @!p0 p1, p1  }
0x1a1: {  	s17 =	smov.u32 @p2 s20;
	v7, _, _ =	vpop (xrf0)  }
0x1a2: {  	v7 =	vadd.s32 s17, v7  }
0x1a3: {  	vm0 =	vge.s32 v7, s16  }
0x1a4: {  	v8 =	vsel vm0, $0x1, v1  }
0x1a5: {  	(xrf0) =	vadd.scan.msk.s32 $0xffff, v8;
	_ =	sdelay $0x5  }
0x1a6: {  	v8, _, _ =	vpop (xrf0)  }
0x1a7: {  	(v2sf) =	vpush v8, $0xF;
	_ =	sdelay $0xc  }
0x1a8: {  	[tilespmem:s19+$0xFFFFFFD0] =	vst v1;
	s31 =	simm.s32 $0x10040  }
0x1a9: {  	v10 =	vld [tilespmem:s31+$0x30]  }
0x1aa: {  	v11 =	vld [tilespmem:s31+$0xFFFFFFD0];
	s0 =	spop (v2sf)  }
0x1ab: {  	v12 =	vld [tilespmem:s31+$0xFFFFFFE0];
	s0 =	sadd.s32 s0, s18  }
0x1ac: {  	s15 =	sshll.u32 s15, $0xB;
	v13 =	vld [tilespmem:s31+$0xFFFFFFF0];
	s0 =	sadd.s32 $0xFFFFFFFF, s0  }
0x1ad: {  	s15 =	sor.u32 s15, s0  }
0x1ae: {  	v15 =	vld [tilespmem:s31+$0x0];
	v14 =	vshra.s32 v10, $0xA;
	v9 =	vmov s15  }
0x1af: {  	v63 =	vld [tilespmem:s31+$0xFFFFFFC0];
	v16 =	vshra.s32 v11, $0xA;
	vm1 =	veq.s32 v14, v9  }
0x1b0: {  	v62 =	vshra.s32 v12, $0xA;
	v10 =	vand.u32 $0x3FF, v10;
	v14 =	vld [tilespmem:s31+$0x10];
	vm2 =	veq.s32 v16, v9  }
0x1b1: {  	v17 =	vand.u32 $0x3FF, v11;
	v11 =	vshra.s32 v13, $0xA;
	vm3 =	veq.s32 v62, v9  }
0x1b2: {  	v18 =	vld [tilespmem:s31+$0x20];
	v12 =	vand.u32 $0x3FF, v12;
	vm4 =	veq.s32 v11, v9  }
0x1b3: {  	v19 =	vand.u32 $0x3FF, v13  }
0x1b4: {  	v11 =	vshra.s32 v15, $0xA  }
0x1b5: {  	v13 =	vand.u32 $0x3FF, v63;
	vm0 =	veq.s32 v11, v9;
	v11 =	vshra.s32 v14, $0xA;
	[tilespmem:v10+s12+$0x0] =	vst.idx.add.s32.msk vm1, v2  }
0x1b6: {  	v8 =	vmov s16;
	v10 =	vand.u32 $0x3FF, v15;
	vm1 =	veq.s32 v11, v9;
	[tilespmem:v17+s12+$0x0] =	vst.idx.add.s32.msk vm2, v2  }
0x1b7: {  	v11 =	vand.u32 $0x3FF, v14;
	v14 =	vshra.s32 v18, $0xA;
	v15 =	vshra.s32 v63, $0xA;
	[tilespmem:v12+s12+$0x0] =	vst.idx.add.s32.msk vm3, v2  }
0x1b8: {  	s19 =	simm.s32 $0x100C0;
	s18 =	simm.s32 $0x0;
	v12 =	vand.u32 $0x3FF, v18;
	[tilespmem:v19+s12+$0x0] =	vst.idx.add.s32.msk vm4, v2;
	vm2 =	veq.s32 v14, v9;
	vm3 =	veq.s32 v15, v9  }
.LBB2_16:
0x1b9: {  	v14 =	vld [tilespmem:s19+$0x30];
	s18 =	sadd.s32 $0x80, s18  }
0x1ba: {  	v15 =	vld [tilespmem:s19+$0xFFFFFFD0];
	p0 =	slt.u32 s18, $0x7F80  }
0x1bb: {  	v16 =	vld [tilespmem:s19+$0xFFFFFFE0]  }
0x1bc: {  	v17 =	vld [tilespmem:s19+$0xFFFFFFF0]  }
0x1bd: {  	v18 =	vld [tilespmem:s19+$0x0]  }
0x1be: {  	v19 =	vld [tilespmem:s19+$0x10];
	v20 =	vshra.s32 v14, $0xA  }
0x1bf: {  	v21 =	vshra.s32 v15, $0xA;
	v15 =	vand.u32 $0x3FF, v15;
	v22 =	vld [tilespmem:s19+$0x20];
	vm4 =	veq.s32 v20, v9  }
0x1c0: {  	v14 =	vand.u32 $0x3FF, v14;
	v20 =	vld [tilespmem:s19+$0xFFFFFFC0];
	vm5 =	veq.s32 v21, v9;
	v21 =	vshra.s32 v16, $0xA  }
0x1c1: {  	v16 =	vand.u32 $0x3FF, v16;
	vm6 =	veq.s32 v21, v9;
	v21 =	vshra.s32 v17, $0xA;
	[tilespmem:v13+s12+$0x0] =	vst.idx.add.s32.msk vm3, v2  }
0x1c2: {  	v17 =	vand.u32 $0x3FF, v17;
	vm7 =	veq.s32 v21, v9;
	v13 =	vshra.s32 v18, $0xA;
	[tilespmem:v10+s12+$0x0] =	vst.idx.add.s32.msk vm0, v2  }
0x1c3: {  	v10 =	vand.u32 $0x3FF, v18;
	vm0 =	veq.s32 v13, v9;
	v13 =	vshra.s32 v19, $0xA;
	[tilespmem:v11+s12+$0x0] =	vst.idx.add.s32.msk vm1, v2  }
.Ltmp9:
0x1c4: {  	v11 =	vand.u32 $0x3FF, v19;
	vm1 =	veq.s32 v13, v9;
	v18 =	vshra.s32 v22, $0xA;
	[tilespmem:v12+s12+$0x0] =	vst.idx.add.s32.msk vm2, v2;
	(pc) =	sbr.rel @p0 .LBB2_16-.Ltmp9, $4  }
0x1c5: {  	v12 =	vshra.s32 v20, $0xA;
	v13 =	vand.u32 $0x3FF, v20;
	vm2 =	veq.s32 v18, v9;
	[tilespmem:v14+s12+$0x0] =	vst.idx.add.s32.msk vm4, v2  }
0x1c6: {  	vm3 =	veq.s32 v12, v9;
	[tilespmem:v15+s12+$0x0] =	vst.idx.add.s32.msk vm5, v2;
	v12 =	vand.u32 $0x3FF, v22  }
0x1c7: {  	[tilespmem:v16+s12+$0x0] =	vst.idx.add.s32.msk vm6, v2  }
0x1c8: {  	s19 =	sadd.s32 $0x80, s19;
	[tilespmem:v17+s12+$0x0] =	vst.idx.add.s32.msk vm7, v2  }
0x1c9: {  	_ =	sdelay $0x4  }
0x1ca: {  	[tilespmem:v13+s12+$0x0] =	vst.idx.add.s32.msk vm3, v2  }
0x1cb: {  	[tilespmem:v10+s12+$0x0] =	vst.idx.add.s32.msk vm0, v2  }
0x1cc: {  	[tilespmem:v11+s12+$0x0] =	vst.idx.add.s32.msk vm1, v2  }
0x1cd: {  	[tilespmem:v12+s12+$0x0] =	vst.idx.add.s32.msk vm2, v2;
	s0 =	simm.s32 $0x183F0  }
0x1ce: {  	v9 =	vld [tilespmem:s0+$0xFFFFFFD0]  }
0x1cf: {  	v10 =	vld [tilespmem:s0+$0xFFFFFFE0]  }
0x1d0: {  	v11 =	vld [tilespmem:s0+$0xFFFFFFF0]  }
0x1d1: {  	v12 =	vld [tilespmem:s0+$0x0];
	_ =	sdelay $0x1  }
0x1d2: {  	vm15 =	vge.s32 v7, v8  }
0x1d3: {  	v6 =	vsel vm15, $0x0, v6;
	v7 =	vadd.s32 v9, v10  }
0x1d4: {  	(xrf0) =	vadd.scan.msk.s32 $0xffff, v6;
	v6 =	vadd.s32 v11, v7  }
0x1d5: {  	v6 =	vadd.s32 v12, v6  }
0x1d6: {  	(xrf0) =	vadd.scan.msk.s32 $0xffff, v6;
	_ =	sdelay $0x2  }
0x1d7: {  	s24 =	simm.s32 $0x183B0  }
0x1d8: {  	v7 =	vld [tilespmem:s24+$0xFFFFFFE0];
	v6, _, _ =	vpop (xrf0)  }
0x1d9: {  	(v2sf) =	vpush v6, $0xF;
	v6 =	vld [tilespmem:s24+$0xFFFFFFD0]  }
0x1da: {  	v9 =	vld [tilespmem:s24+$0xFFFFFFF0];
	v8, _, _ =	vpop (xrf0)  }
0x1db: {  	(v2sf) =	vpush v8, $0xF;
	v8 =	vld [tilespmem:s24+$0x0]  }
0x1dc: {  	s25 =	simm.s32 $0x18370  }
0x1dd: {  	v10 =	vld [tilespmem:s25+$0xFFFFFFD0]  }
0x1de: {  	v11 =	vld [tilespmem:s25+$0xFFFFFFE0];
	v6 =	vadd.s32 v6, v7  }
0x1df: {  	v63 =	vld [tilespmem:s25+$0xFFFFFFF0];
	v6 =	vadd.s32 v9, v6  }
0x1e0: {  	v13 =	vld [tilespmem:s25+$0x0];
	v6 =	vadd.s32 v8, v6  }
0x1e1: {  	(xrf0) =	vadd.scan.msk.s32 $0xffff, v6;
	_ =	sdelay $0x1  }
0x1e2: {  	v7 =	vadd.s32 v10, v11  }
0x1e3: {  	v7 =	vadd.s32 v63, v7  }
0x1e4: {  	s26 =	simm.s32 $0x18330;
	v6 =	vadd.s32 v13, v7  }
0x1e5: {  	v14 =	vld [tilespmem:s26+$0xFFFFFFD0];
	(xrf0) =	vadd.scan.msk.s32 $0xffff, v6  }
0x1e6: {  	v15 =	vld [tilespmem:s26+$0xFFFFFFE0];
	v10, _, _ =	vpop (xrf0)  }
0x1e7: {  	v16 =	vld [tilespmem:s26+$0xFFFFFFF0];
	s18 =	spop (v2sf);
	(v2sf) =	vpush v10, $0xF  }
0x1e8: {  	v17 =	vld [tilespmem:s26+$0x0];
	_ =	sdelay $0x2  }
0x1e9: {  	s30 =	simm.s32 $0x182F0;
	v8 =	vadd.s32 v14, v15;
	v11, _, _ =	vpop (xrf0)  }
0x1ea: {  	v7 =	vld [tilespmem:s30+$0xFFFFFFD0];
	v8 =	vadd.s32 v16, v8;
	s31 =	spop (v2sf);
	(v2sf) =	vpush v11, $0xF  }
0x1eb: {  	v6 =	vld [tilespmem:s30+$0xFFFFFFE0];
	v8 =	vadd.s32 v17, v8  }
0x1ec: {  	s21 =	simm.s32 $0x3C0;
	s20 =	simm.s32 $0x380;
	s22 =	simm.s32 $0x340;
	v9 =	vld [tilespmem:s30+$0xFFFFFFF0];
	(xrf0) =	vadd.scan.msk.s32 $0xffff, v8  }
0x1ed: {  	p0 =	por $0x1, $0x1;
	s23 =	simm.s32 $0x300;
	v8 =	vld [tilespmem:s30+$0x0];
	s17 =	sadd.s32 s18, s17  }
0x1ee: {  	s28 =	simm.s32 $0x182B0;
	s16 =	ssub.s32 s16, s17;
	s19 =	sadd.s32 $0x0, s31  }
0x1ef: {  	s29 =	simm.s32 $0x240;
	s26 =	simm.s32 $0x0;
	p1 =	sge.s32 s19, s16  }
0x1f0: {  	s25 =	simm.s32 $0x280;
	s24 =	simm.s32 $0x2C0;
	v7 =	vadd.s32 v7, v6;
	p0 =	por !p0, !p1  }
0x1f1: {  	v6 =	vld [tilespmem:s28+$0xFFFFFFD0];
	s18 =	simm.s32 $0x0;
	s17 =	simm.s32 $0x0;
	v9 =	vadd.s32 v9, v7;
	p0 =	por !p0, !p0  }
0x1f2: {  	v7 =	vld [tilespmem:s28+$0xFFFFFFE0];
	v9 =	vadd.s32 v8, v9;
	v8, _, _ =	vpop (xrf0);
	s18 =	smov.u32 @p0 s21;
	s26 =	simm.s32 @p0 $0x1;
	s21 =	simm.s32 $0x0  }
.LBB2_18:
0x1f3: {  	p1 =	sne.s32 s29, $0x0;
	v10 =	vld [tilespmem:s28+$0xFFFFFFF0];
	(xrf0) =	vadd.scan.msk.s32 $0xffff, v9;
	(v2sf) =	vpush v8, $0xF;
	s17 =	smov.u32 @p0 s21;
	s21 =	smov.u32 s19  }
0x1f4: {  	s30 =	smov.u32 s20;
	s20 =	smov.u32 s22;
	v8 =	vld [tilespmem:s28+$0x0];
	s0 =	spop (v2sf)  }
.Ltmp10:
0x1f5: {  	s22 =	smov.u32 s23;
	s19 =	sadd.s32 s19, s0;
	(pc) =	sbr.rel @p1 .LBB2_18-.Ltmp10, $4  }
0x1f6: {  	p0 =	seq.s32 s26, $0x0;
	s23 =	smov.u32 s24;
	p2 =	sge.s32 s19, s16  }
0x1f7: {  	s24 =	smov.u32 s25;
	s28 =	sadd.s32 $0xFFFFFFC0, s28;
	v7 =	vadd.s32 v6, v7;
	p0 =	por !p0, !p2  }
0x1f8: {  	s25 =	smov.u32 s29;
	v6 =	vld [tilespmem:s28+$0xFFFFFFD0];
	v9 =	vadd.s32 v10, v7;
	p0 =	por !p0, !p0  }
0x1f9: {  	s29 =	sadd.s32 $0xFFFFFFC0, s29;
	v7 =	vld [tilespmem:s28+$0xFFFFFFE0];
	v9 =	vadd.s32 v8, v9;
	v8, _, _ =	vpop (xrf0);
	s18 =	smov.u32 @p0 s30;
	s26 =	simm.s32 @p0 $0x1  }
0x1fa: {  	v10 =	vld [tilespmem:s28+$0xFFFFFFF0]  }
0x1fb: {  	v11 =	vld [tilespmem:s28+$0x0];
	_ =	sdelay $0x1  }
0x1fc: {  	(xrf0) =	vadd.scan.msk.s32 $0xffff, v9  }
0x1fd: {  	v6 =	vadd.s32 v6, v7  }
0x1fe: {  	v6 =	vadd.s32 v10, v6  }
0x1ff: {  	(v2sf) =	vpush v8, $0xF;
	v6 =	vadd.s32 v11, v6  }
0x200: {  	(xrf0) =	vadd.scan.msk.s32 $0xffff, v6;
	_ =	sdelay $0x1  }
0x201: {  	v6, _, _ =	vpop (xrf0)  }
0x202: {  	(v2sf) =	vpush v6, $0xF;
	_ =	sdelay $0x2  }
0x203: {  	s0 =	spop (v2sf);
	v6, _, _ =	vpop (xrf0)  }
0x204: {  	s0 =	sadd.s32 s19, s0;
	(v2sf) =	vpush v6, $0xF  }
0x205: {  	p1 =	seq.s32 s26, $0x0;
	p2 =	sge.s32 s0, s16  }
0x206: {  	p1 =	por !p1, !p2  }
0x207: {  	p1 =	por !p1, !p1;
	s30 =	spop (v2sf)  }
0x208: {  	s26 =	simm.s32 @p1 $0x1;
	s28 =	sadd.s32 s0, s30  }
0x209: {  	p4 =	seq.s32 s26, $0x0;
	p3 =	sge.s32 s28, s16  }
0x20a: {  	p2 =	por !p4, !p3  }
0x20b: {  	p2 =	por !p2, !p2;
	s29 =	spop (v2sf)  }
0x20c: {  	s26 =	simm.s32 @p2 $0x1;
	s29 =	sadd.s32 s28, s29  }
0x20d: {  	p5 =	seq.s32 s26, $0x0;
	p4 =	sge.s32 s29, s16  }
0x20e: {  	p3 =	por !p5, !p4  }
0x20f: {  	p3 =	por !p3, !p3;
	s30 =	spop (v2sf)  }
0x210: {  	s26 =	simm.s32 @p3 $0x1;
	s30 =	sadd.s32 s29, s30  }
0x211: {  	p6 =	seq.s32 s26, $0x0;
	p5 =	sge.s32 s30, s16  }
0x212: {  	p4 =	por !p6, !p5  }
0x213: {  	p4 =	por !p4, !p4;
	s31 =	spop (v2sf)  }
0x214: {  	s18 =	smov.u32 @p1 s20;
	s26 =	simm.s32 @p4 $0x1;
	s31 =	sadd.s32 s30, s31  }
0x215: {  	s18 =	smov.u32 @p2 s22;
	p5 =	seq.s32 s26, $0x0;
	p6 =	sge.s32 s31, s16  }
0x216: {  	s18 =	smov.u32 @p3 s23;
	p5 =	por !p5, !p6  }
0x217: {  	s18 =	smov.u32 @p4 s24;
	p5 =	por !p5, !p5  }
0x218: {  	s18 =	smov.u32 @p5 s25  }
0x219: {  	v6 =	vld [tilespmem:s18+$0x18030];
	_ =	sdelay $0x2  }
0x21a: {  	v7 =	vld [tilespmem:s18+$0x18020];
	_ =	sdelay $0x1  }
0x21b: {  	(xrf0) =	vadd.scan.msk.s32 $0xffff, v6;
	_ =	sdelay $0x1  }
0x21c: {  	v6 =	vld [tilespmem:s18+$0x18010]  }
0x21d: {  	(xrf0) =	vadd.scan.msk.s32 $0xffff, v7;
	_ =	sdelay $0x2  }
0x21e: {  	v7, _, _ =	vpop (xrf0)  }
0x21f: {  	(xrf0) =	vadd.scan.msk.s32 $0xffff, v6;
	v6 =	vld [tilespmem:s18+$0x18000];
	(v2sf) =	vpush v7, $0xF;
	_ =	sdelay $0x1  }
0x220: {  	v7, _, _ =	vpop (xrf0)  }
0x221: {  	(v2sf) =	vpush v7, $0xF;
	_ =	sdelay $0x1  }
0x222: {  	(xrf0) =	vadd.scan.msk.s32 $0xffff, v6  }
0x223: {  	v6, _, _ =	vpop (xrf0)  }
0x224: {  	(v2sf) =	vpush v6, $0xF;
	_ =	sdelay $0x2  }
0x225: {  	s17 =	smov.u32 @p0 s21  }
0x226: {  	s17 =	smov.u32 @p1 s19;
	v6, _, _ =	vpop (xrf0)  }
0x227: {  	s17 =	smov.u32 @p2 s0;
	(v2sf) =	vpush v6, $0xF  }
0x228: {  	s17 =	smov.u32 @p3 s28  }
0x229: {  	s17 =	smov.u32 @p4 s29  }
0x22a: {  	s17 =	smov.u32 @p5 s30;
	s22 =	spop (v2sf)  }
0x22b: {  	s0 =	sadd.s32 s17, s22  }
0x22c: {  	p0 =	sge.s32 s0, s16;
	s19 =	smov.u32 s0  }
0x22d: {  	s23 =	spop (v2sf);
	s19 =	smov.u32 @p0 s17  }
0x22e: {  	s19 =	sadd.s32 s23, s19  }
0x22f: {  	p3 =	sge.s32 s19, s16  }
0x230: {  	s19 =	smov.u32 @p3 s0  }
0x231: {  	s24 =	spop (v2sf);
	s19 =	smov.u32 @p0 s17  }
0x232: {  	p2 =	por p0, p3;
	s0 =	sadd.s32 s24, s19  }
0x233: {  	p5 =	por !p2, !p2;
	p4 =	slt.s32 s0, s16  }
0x234: {  	p1 =	por !p4, !p5  }
0x235: {  	p1 =	por !p1, !p1  }
0x236: {  	s17 =	sadd.s32 $0x20, s18;
	s25 =	spop (v2sf);
	s19 =	smov.u32 @p1 s0  }
0x237: {  	s20 =	sadd.s32 $0x30, s18;
	s17 =	simm.s32 @!p3 $0x0;
	s0 =	sadd.s32 s25, s19  }
0x238: {  	s17 =	smov.u32 @p0 s20;
	s20 =	sadd.s32 $0x10, s18;
	p6 =	sge.s32 s0, s16  }
0x239: {  	s20 =	smov.u32 @p4 s17;
	p0 =	por !p1, !p6  }
0x23a: {  	s20 =	smov.u32 @p2 s17;
	p0 =	por !p0, !p0  }
0x23b: {  	s20 =	smov.u32 @p0 s18  }
0x23c: {  	v6 =	vld [tilespmem:s20+$0x18000];
	_ =	sdelay $0x4  }
0x23d: {  	v6 =	vperm.xlane v6, v3;
	_ =	sdelay $0x1  }
0x23e: {  	(xrf0) =	vadd.scan.msk.s32 $0xffff, v6;
	_ =	sdelay $0x3  }
0x23f: {  	p2 =	por !p0, !p0  }
0x240: {  	p2 =	por @!p1 p0, p0  }
0x241: {  	s19 =	smov.u32 @p2 s0;
	v7, _, _ =	vpop (xrf0)  }
0x242: {  	v7 =	vadd.s32 s19, v7  }
0x243: {  	vm0 =	vge.s32 v7, s16  }
0x244: {  	v7 =	vsel vm0, $0x1, v1  }
0x245: {  	(xrf0) =	vadd.scan.msk.s32 $0xffff, v7;
	_ =	sdelay $0x5  }
0x246: {  	v7, _, _ =	vpop (xrf0)  }
0x247: {  	(v2sf) =	vpush v7, $0xF;
	_ =	sdelay $0xe  }
0x248: {  	s26 =	spop (v2sf)  }
0x249: {  	s28 =	ssub.s32 $0x10, s26  }
0x24a: {  	v7 =	vsel vm0, $0x0, v6;
	v8 =	vmov s28  }
0x24b: {  	(xrf0) =	vadd.scan.msk.s32 $0xffff, v7;
	vm15 =	veq.s32 v8, v0  }
0x24c: {  	v6 =	vnsel vm15, $0x0, v6  }
0x24d: {  	(xrf0) =	vadd.scan.msk.s32 $0xffff, v6;
	_ =	sdelay $0x3  }
0x24e: {  	v6, _, _ =	vpop (xrf0)  }
0x24f: {  	(v2sf) =	vpush v6, $0xF  }
0x250: {  	v6, _, _ =	vpop (xrf0)  }
0x251: {  	(v2sf) =	vpush v6, $0xF;
	_ =	sdelay $0xc  }
0x252: {  	s29 =	spop (v2sf)  }
0x253: {  	s17 =	sadd.s32 s29, s19  }
0x254: {  	s31 =	sshll.u32 s15, $0xA;
	s15 =	ssub.s32 s16, s17;
	s30 =	spop (v2sf)  }
0x255: {  	p0 =	seq.s32 s30, s15  }
.Ltmp11:
0x256: {  	_ = 	snop;
	(pc) =	sbr.rel @!p0 .LBB2_23-.Ltmp11, $4  }
0x257: {  	s0 =	sadd.s32 s26, s20  }
0x258: {  	s0 =	sadd.s32 $0xFFFFFFFF, s0  }
0x259: {  	s0 =	sor.u32 s31, s0  }
0x25a: {  	v6 =	vmov s0  }
0x25b: {  	s17 =	simm.s32 $0x10040  }
0x25c: {  	v8 =	vld [tilespmem:s17+$0x30]  }
0x25d: {  	v11 =	vld [tilespmem:s17+$0xFFFFFFD0]  }
0x25e: {  	v13 =	vld [tilespmem:s17+$0xFFFFFFE0]  }
0x25f: {  	v10 =	vld [tilespmem:s17+$0xFFFFFFF0]  }
0x260: {  	v9 =	vld [tilespmem:s17+$0x0]  }
0x261: {  	v7 =	vld [tilespmem:s17+$0x10];
	vm0 =	vlt.s32 v8, v6  }
0x262: {  	s15 =	simm.s32 $0x40;
	vm1 =	vlt.s32 v11, v6;
	v8 =	vld [tilespmem:s17+$0x20];
	v14 =	vsel vm0, $0x0, v4  }
0x263: {  	s16 =	simm.s32 $0x0;
	v11 =	vld [tilespmem:s17+$0xFFFFFFC0];
	s17 =	simm.s32 $0x100C0;
	v12 =	vsel vm1, $0x0, v4;
	vm0 =	vlt.s32 v13, v6;
	[tilespmem:s15+$0x30] =	vst v14  }
.LBB2_21:
0x264: {  	v13 =	vld [tilespmem:s17+$0x30];
	s16 =	sadd.s32 $0x80, s16;
	[tilespmem:s15+$0xFFFFFFD0] =	vst v12;
	v12 =	vsel vm0, $0x0, v4;
	vm0 =	vlt.s32 v10, v6  }
0x265: {  	v14 =	vld [tilespmem:s17+$0xFFFFFFD0];
	p0 =	slt.u32 s16, $0x7F80;
	[tilespmem:s15+$0xFFFFFFE0] =	vst v12;
	v10 =	vsel vm0, $0x0, v4;
	vm0 =	vlt.s32 v9, v6  }
0x266: {  	v15 =	vld [tilespmem:s17+$0xFFFFFFE0];
	[tilespmem:s15+$0xFFFFFFF0] =	vst v10;
	v9 =	vsel vm0, $0x0, v4;
	vm0 =	vlt.s32 v7, v6  }
.Ltmp12:
0x267: {  	v10 =	vld [tilespmem:s17+$0xFFFFFFF0];
	[tilespmem:s15+$0x0] =	vst v9;
	v7 =	vsel vm0, $0x0, v4;
	vm0 =	vlt.s32 v8, v6;
	(pc) =	sbr.rel @p0 .LBB2_21-.Ltmp12, $4  }
0x268: {  	v9 =	vld [tilespmem:s17+$0x0];
	vm1 =	vlt.s32 v11, v6;
	[tilespmem:s15+$0x10] =	vst v7;
	v8 =	vsel vm0, $0x0, v4  }
0x269: {  	v7 =	vld [tilespmem:s17+$0x10];
	vm0 =	vlt.s32 v13, v6;
	v11 =	vsel vm1, $0x0, v4;
	[tilespmem:s15+$0x20] =	vst v8  }
0x26a: {  	vm1 =	vlt.s32 v14, v6;
	v8 =	vld [tilespmem:s17+$0x20];
	v13 =	vsel vm0, $0x0, v4;
	[tilespmem:s15+$0xFFFFFFC0] =	vst v11;
	s15 =	sadd.s32 $0x80, s15  }
0x26b: {  	v11 =	vld [tilespmem:s17+$0xFFFFFFC0];
	v12 =	vsel vm1, $0x0, v4;
	vm0 =	vlt.s32 v15, v6;
	[tilespmem:s15+$0x30] =	vst v13;
	s17 =	sadd.s32 $0x80, s17  }
0x26c: {  	[tilespmem:s15+$0xFFFFFFD0] =	vst v12;
	v63 =	vsel vm0, $0x0, v4;
	vm12 =	vlt.s32 v10, v6  }
0x26d: {  	[tilespmem:s15+$0xFFFFFFE0] =	vst v63;
	v10 =	vsel vm12, $0x0, v4;
	vm13 =	vlt.s32 v9, v6  }
.Ltmp13:
0x26e: {  	[tilespmem:s15+$0xFFFFFFF0] =	vst v10;
	v9 =	vsel vm13, $0x0, v4;
	vm14 =	vlt.s32 v7, v6;
	(pc) =	sbr.rel .LBB2_26-.Ltmp13, $4  }
0x26f: {  	[tilespmem:s15+$0x0] =	vst v9;
	v7 =	vsel vm14, $0x0, v4;
	vm15 =	vlt.s32 v8, v6  }
0x270: {  	vm1 =	vlt.s32 v11, v6;
	[tilespmem:s15+$0x10] =	vst v7;
	v6 =	vsel vm15, $0x0, v4  }
0x271: {  	v7 =	vsel vm1, $0x0, v4;
	[tilespmem:s15+$0x20] =	vst v6  }
0x272: {  	[tilespmem:s15+$0xFFFFFFC0] =	vst v7  }
.LBB2_23:
0x273: {  	s17 =	simm.s32 $0x0  }
0x274: {  	v8 =	vld [tilespmem:s17+$0x10000];
	_ =	sdelay $0x2  }
0x275: {  	v7 =	vmov s15;
	s15 =	simm.s32 $0x10  }
0x276: {  	v9 =	vld [tilespmem:s15+$0x10000]  }
0x277: {  	s18 =	simm.s32 $0x20;
	vm0 =	veq.s32 v8, v6  }
0x278: {  	v11 =	vld [tilespmem:s18+$0x10000];
	v10 =	vsel vm0, $0x1, v1  }
0x279: {  	(xrf0) =	vadd.scan.msk.s32 $0xffff, v10;
	_ =	sdelay $0x1  }
0x27a: {  	vm1 =	veq.s32 v9, v6  }
0x27b: {  	v10 =	vsel vm1, $0x1, v1  }
0x27c: {  	vm3 =	veq.s32 v11, v6  }
0x27d: {  	vm4 =	vgt.s32 v9, v6;
	v9 =	vsel vm3, $0x1, v1;
	(xrf0) =	vadd.scan.msk.s32 $0xffff, v10  }
0x27e: {  	s16 =	simm.s32 $0x30;
	v10, _, _ =	vpop (xrf0);
	(xrf0) =	vadd.scan.msk.s32 $0xffff, v9  }
0x27f: {  	vm2 =	vgt.s32 v8, v6;
	v8 =	vld [tilespmem:s16+$0x10000];
	_ =	sdelay $0x1  }
0x280: {  	(v2sf) =	vpush v10, $0xF  }
0x281: {  	vm1 =	vmmov vm1  }
0x282: {  	vm9 =	vmmov vm1;
	v9, _, _ =	vpop (xrf0)  }
0x283: {  	vm1 =	veq.s32 v8, v6;
	vm8 =	vgt.s32 v8, v6;
	(v2sf) =	vpush v9, $0xF;
	v8, _, _ =	vpop (xrf0)  }
0x284: {  	(v2sf) =	vpush v8, $0xF;
	_ =	sdelay $0x2  }
0x285: {  	vm5 =	vgt.s32 v11, v6;
	vm2 =	vmmov vm2;
	vm0 =	vmmov vm0  }
0x286: {  	s20 =	simm.s32 $0x0;
	vm4 =	vmmov vm4;
	vm6 =	vmmov vm5;
	vm0 =	vmmov vm0  }
0x287: {  	s19 =	simm.s32 $0x40;
	vm2 =	vmmov vm2;
	vm7 =	vmmov vm0;
	v10 =	vadd.s32 s20, v10  }
0x288: {  	vm0 =	vmmov vm6;
	v11 =	vsel vm1, $0x1, v1;
	vm6 =	vle.s32 v10, v7;
	v10 =	vld [tilespmem:s19+$0x10000]  }
0x289: {  	vm3 =	vmmov vm3;
	vm4 =	vmmov vm4;
	vm2 =	vmmov vm2;
	(xrf0) =	vadd.scan.msk.s32 $0xffff, v11  }
0x28a: {  	vm3 =	vmmov vm3;
	vm5 =	vmmov vm4;
	vm2 =	vmmov vm2  }
0x28b: {  	s21 =	simm.s32 $0x140;
	vm4 =	vmmov vm8;
	vm8 =	vmand vm7, vm6;
	vm6 =	vmmov vm9  }
.LBB2_24:
0x28c: {  	s0 =	sshra.s32 s21, $0x2;
	vm8 =	vmor vm2, vm8;
	vm7 =	vmmov vm1;
	vm2 =	vmmov vm5;
	p0 =	sne.s32 s21, $0x1FFC0  }
.Ltmp14:
0x28d: {  	s21 =	sadd.s32 $0x40, s21;
	vm1 =	veq.s32 v10, v6;
	vm9 =	vgt.s32 v10, v6;
	v11 =	vsel vm8, $0x3F800000, v5;
	s22 =	spop (v2sf);
	(pc) =	sbr.rel @p0 .LBB2_24-.Ltmp14, $4  }
0x28e: {  	vm5 =	vmmov vm0;
	vm0 =	vmmov vm4;
	v10 =	vld [tilespmem:s0+$0x10000];
	v12 =	vsel vm1, $0x1, v1;
	[tilespmem:s17+$0x0] =	vst v11;
	s20 =	sadd.s32 s20, s22;
	s17 =	smov.u32 s15;
	s15 =	smov.u32 s18  }
0x28f: {  	vm4 =	vmmov vm9;
	s18 =	smov.u32 s16;
	s16 =	smov.u32 s19;
	s19 =	smov.u32 s0;
	(xrf0) =	vadd.scan.msk.s32 $0xffff, v12;
	v11 =	vadd.s32 s20, v9;
	v9 =	vmov v8;
	v8, _, _ =	vpop (xrf0)  }
0x290: {  	(v2sf) =	vpush v8, $0xF;
	vm8 =	vle.s32 v11, v7  }
0x291: {  	vm8 =	vmand vm6, vm8;
	vm6 =	vmmov vm3;
	vm3 =	vmmov vm7  }
0x292: {  	_ =	sdelay $0x1  }
0x293: {  	vm7 =	veq.s32 v10, v6  }
0x294: {  	v11 =	vsel vm7, $0x1, v1;
	v12, _, _ =	vpop (xrf0)  }
0x295: {  	(xrf0) =	vadd.scan.msk.s32 $0xffff, v11;
	(v2sf) =	vpush v12, $0xF;
	_ =	sdelay $0x5  }
0x296: {  	v11, _, _ =	vpop (xrf0)  }
0x297: {  	s0 =	spop (v2sf);
	vm2 =	vmor vm2, vm8;
	(v2sf) =	vpush v11, $0xF  }
0x298: {  	vm1 =	vmmov vm1;
	vm5 =	vmmov vm5;
	vm0 =	vmmov vm0  }
0x299: {  	vm13 =	vmmov vm4;
	vm3 =	vmmov vm3;
	vm12 =	vgt.s32 v10, v6  }
0x29a: {  	s0 =	sadd.s32 s20, s0;
	v6 =	vsel vm2, $0x3F800000, v5;
	vm1 =	vmmov vm1;
	vm0 =	vmmov vm0  }
0x29b: {  	s28 =	spop (v2sf);
	vm2 =	vmmov vm13;
	v9 =	vadd.s32 s0, v9;
	vm14 =	vmmov vm12  }
0x29c: {  	s0 =	sadd.s32 s0, s28;
	vm15 =	vmmov vm7;
	vm1 =	vmmov vm1;
	vm2 =	vmmov vm2  }
0x29d: {  	vm9 =	vle.s32 v9, v7;
	v8 =	vadd.s32 s0, v8;
	vm4 =	vmmov vm14  }
0x29e: {  	vm10 =	vmmov vm15;
	vm6 =	vmand vm6, vm9;
	vm9 =	vle.s32 v8, v7;
	s29 =	spop (v2sf)  }
0x29f: {  	vm12 =	vmmov vm4;
	vm13 =	vmmov vm10;
	vm5 =	vmor vm5, vm6;
	s0 =	sadd.s32 s0, s29;
	s30 =	spop (v2sf)  }
0x2a0: {  	vm3 =	vmand vm3, vm9;
	v60 =	vsel vm5, $0x3F800000, v5;
	v61 =	vadd.s32 s0, v12;
	s0 =	sadd.s32 s0, s30  }
0x2a1: {  	vm0 =	vmor vm0, vm3;
	vm11 =	vle.s32 v61, v7;
	v63 =	vadd.s32 s0, v11  }
0x2a2: {  	[tilespmem:s17+$0x0] =	vst v6;
	v62 =	vsel vm0, $0x3F800000, v5;
	vm1 =	vmand vm1, vm11;
	vm14 =	vle.s32 v63, v7  }
0x2a3: {  	[tilespmem:s15+$0x0] =	vst v60;
	vm0 =	vmmov vm12;
	vm1 =	vmor vm2, vm1;
	vm15 =	vmand vm13, vm14  }
0x2a4: {  	[tilespmem:s18+$0x0] =	vst v62;
	v6 =	vsel vm1, $0x3F800000, v5;
	vm0 =	vmor vm0, vm15  }
0x2a5: {  	[tilespmem:s16+$0x0] =	vst v6;
	v6 =	vsel vm0, $0x3F800000, v5  }
0x2a6: {  	s31 =	spop (v2sf);
	[tilespmem:s19+$0x0] =	vst v6  }
.LBB2_26:
0x2a7: {  	[hbm4b:s5+s8] =	stream.strided.scatter [tilespmem:s2], [sflag:$0x1], $0x8000, s9, s8, $0x38;
	[tilespmem:$0x18800] =	vst v63  }
0x2a8: {  	_ =	swait.ge [sflag:s13], $0x8000  }
0x2a9: {  	[sflag:s13] =	ssyncset.done $0x0  }
0x2aa: {  	s15 =	simm.s32 $0x18040;
	[sflag:s13] =	ssyncadd.s32 $0xFFFF8000  }
0x2ab: {  	[tilespmem:s15+$0xFFFFFFC0] =	vst v1  }
0x2ac: {  	[tilespmem:s15+$0x30] =	vst v1  }
0x2ad: {  	[tilespmem:s15+$0x20] =	vst v1  }
0x2ae: {  	[tilespmem:s15+$0x10] =	vst v1  }
0x2af: {  	[tilespmem:s15+$0x0] =	vst v1  }
0x2b0: {  	[tilespmem:s15+$0xFFFFFFF0] =	vst v1  }
0x2b1: {  	s18 =	simm.s32 $0x0;
	[tilespmem:s15+$0xFFFFFFE0] =	vst v1  }
.LBB2_27:
0x2b2: {  	s18 =	sadd.s32 $0x80, s18;
	[tilespmem:s15+$0xFFFFFFD0] =	vst v1;
	s15 =	sadd.s32 $0x80, s15;
	s17 =	simm.s32 $0x8040  }
0x2b3: {  	[tilespmem:s15+$0xFFFFFFC0] =	vst v1;
	p0 =	slt.u32 s18, $0x780  }
0x2b4: {  	[tilespmem:s15+$0x30] =	vst v1  }
.Ltmp15:
0x2b5: {  	[tilespmem:s15+$0x20] =	vst v1;
	(pc) =	sbr.rel @p0 .LBB2_27-.Ltmp15, $4  }
0x2b6: {  	[tilespmem:s15+$0x10] =	vst v1  }
0x2b7: {  	[tilespmem:s15+$0x0] =	vst v1  }
0x2b8: {  	[tilespmem:s15+$0xFFFFFFF0] =	vst v1  }
0x2b9: {  	s16 =	simm.s32 $0x10040;
	[tilespmem:s15+$0xFFFFFFE0] =	vst v1  }
0x2ba: {  	[tilespmem:s15+$0xFFFFFFD0] =	vst v1  }
0x2bb: {  	v6 =	vld [tilespmem:s17+$0x30]  }
0x2bc: {  	v7 =	vld [tilespmem:s17+$0xFFFFFFD0]  }
0x2bd: {  	v8 =	vld [tilespmem:s17+$0xFFFFFFE0]  }
0x2be: {  	v10 =	vld [tilespmem:s17+$0x0]  }
0x2bf: {  	v11 =	vld [tilespmem:s17+$0x10]  }
0x2c0: {  	v14 =	vld [tilespmem:s17+$0x20]  }
0x2c1: {  	v15 =	vld [tilespmem:s17+$0xFFFFFFC0]  }
0x2c2: {  	v9 =	vld [tilespmem:s17+$0xFFFFFFF0]  }
0x2c3: {  	v12 =	vshra.s32 v6, $0x1F  }
0x2c4: {  	v13 =	vshra.s32 v7, $0x1F;
	vm0 =	veq.s32 v7, $0x80000000;
	v16 =	vshra.s32 v8, $0x1F  }
0x2c5: {  	vm1 =	veq.s32 v6, $0x80000000;
	v17 =	vshra.s32 v10, $0x1F;
	v19 =	vshra.s32 v11, $0x1F  }
0x2c6: {  	v20 =	vshra.s32 v14, $0x1F;
	v21 =	vshra.s32 v15, $0x1F;
	vm2 =	veq.s32 v15, $0x80000000  }
0x2c7: {  	vm3 =	veq.s32 v8, $0x80000000;
	vm4 =	veq.s32 v9, $0x80000000;
	v12 =	vand.u32 $0x7FFFFFFF, v12  }
0x2c8: {  	vm5 =	veq.s32 v10, $0x80000000;
	v16 =	vand.u32 $0x7FFFFFFF, v16;
	v12 =	vxor.u32 v6, v12  }
0x2c9: {  	v17 =	vand.u32 $0x7FFFFFFF, v17;
	v19 =	vand.u32 $0x7FFFFFFF, v19;
	v12 =	vsel vm1, $0x0, v12  }
0x2ca: {  	v6 =	vand.u32 $0x7FFFFFFF, v13;
	v13 =	vshra.s32 v9, $0x1F;
	v18 =	vshra.s32 v12, $0x15  }
0x2cb: {  	v16 =	vxor.u32 v8, v16;
	v17 =	vxor.u32 v10, v17;
	v18 =	vadd.s32 $0x400, v18  }
0x2cc: {  	v13 =	vand.u32 $0x7FFFFFFF, v13;
	v22 =	vxor.u32 v7, v6;
	v7 =	vand.u32 $0x7FFFFFFF, v20  }
0x2cd: {  	v6 =	vand.u32 $0x7FFFFFFF, v21;
	vm1 =	veq.s32 v11, $0x80000000;
	v8 =	vsel vm5, $0x0, v17  }
0x2ce: {  	v13 =	vxor.u32 v9, v13;
	v63 =	vxor.u32 v15, v6;
	[tilespmem:s16+$0x30] =	vst v12;
	v9 =	vsel vm0, $0x0, v22  }
0x2cf: {  	v6 =	vxor.u32 v11, v19;
	v7 =	vxor.u32 v14, v7;
	vm0 =	veq.s32 v14, $0x80000000;
	[tilespmem:s16+$0xFFFFFFD0] =	vst v9  }
0x2d0: {  	s19 =	simm.s32 $0x80C0;
	s17 =	simm.s32 $0x0;
	v12 =	vsel vm3, $0x0, v16;
	v11 =	vsel vm2, $0x0, v63;
	v10 =	vsel vm4, $0x0, v13;
	[tilespmem:v18+s12+$0x0] =	vst.idx.add.s32.msk $0xffff, v2  }
.LBB2_29:
0x2d1: {  	v13 =	vld [tilespmem:s19+$0x30];
	s17 =	sadd.s32 $0x80, s17;
	v14 =	vshra.s32 v11, $0x15;
	[tilespmem:s16+$0xFFFFFFE0] =	vst v12;
	v6 =	vsel vm1, $0x0, v6;
	v7 =	vsel vm0, $0x0, v7  }
0x2d2: {  	v9 =	vshra.s32 v9, $0x15;
	v15 =	vld [tilespmem:s19+$0xFFFFFFD0];
	p0 =	slt.u32 s17, $0x7F80;
	[tilespmem:s16+$0xFFFFFFC0] =	vst v11;
	v11 =	vshra.s32 v12, $0x15;
	v12 =	vshra.s32 v10, $0x15  }
0x2d3: {  	v17 =	vshra.s32 v6, $0x15;
	v18 =	vshra.s32 v7, $0x15;
	v16 =	vld [tilespmem:s19+$0xFFFFFFE0];
	[tilespmem:s16+$0xFFFFFFF0] =	vst v10;
	v10 =	vshra.s32 v8, $0x15  }
0x2d4: {  	v14 =	vadd.s32 $0x400, v14;
	v9 =	vadd.s32 $0x400, v9;
	v11 =	vadd.s32 $0x400, v11;
	v19 =	vld [tilespmem:s19+$0xFFFFFFF0];
	[tilespmem:s16+$0x0] =	vst v8  }
0x2d5: {  	v12 =	vadd.s32 $0x400, v12;
	v10 =	vadd.s32 $0x400, v10;
	v8 =	vld [tilespmem:s19+$0x0];
	[tilespmem:s16+$0x10] =	vst v6;
	v6 =	vadd.s32 $0x400, v17  }
0x2d6: {  	v18 =	vadd.s32 $0x400, v18;
	v17 =	vld [tilespmem:s19+$0x10];
	v20 =	vshra.s32 v13, $0x1F;
	[tilespmem:s16+$0x20] =	vst v7  }
0x2d7: {  	v7 =	vshra.s32 v15, $0x1F;
	vm0 =	veq.s32 v15, $0x80000000;
	v21 =	vld [tilespmem:s19+$0x20];
	v20 =	vand.u32 $0x7FFFFFFF, v20  }
0x2d8: {  	vm1 =	veq.s32 v13, $0x80000000;
	v22 =	vld [tilespmem:s19+$0xFFFFFFC0];
	v23 =	vshra.s32 v16, $0x1F;
	v20 =	vxor.u32 v13, v20  }
0x2d9: {  	v7 =	vand.u32 $0x7FFFFFFF, v7;
	v13 =	vshra.s32 v19, $0x1F;
	v20 =	vsel vm1, $0x0, v20;
	[tilespmem:v14+s12+$0x0] =	vst.idx.add.s32.msk $0xffff, v2  }
0x2da: {  	v14 =	vand.u32 $0x7FFFFFFF, v23;
	v23 =	vshra.s32 v8, $0x1F;
	v24 =	vshra.s32 v20, $0x15;
	[tilespmem:v11+s12+$0x0] =	vst.idx.add.s32.msk $0xffff, v2  }
0x2db: {  	v11 =	vand.u32 $0x7FFFFFFF, v13;
	v13 =	vshra.s32 v17, $0x1F;
	v24 =	vadd.s32 $0x400, v24;
	[tilespmem:v10+s12+$0x0] =	vst.idx.add.s32.msk $0xffff, v2  }
0x2dc: {  	v10 =	vand.u32 $0x7FFFFFFF, v23;
	v13 =	vand.u32 $0x7FFFFFFF, v13;
	v23 =	vshra.s32 v21, $0x1F;
	[tilespmem:v9+s12+$0x0] =	vst.idx.add.s32.msk $0xffff, v2  }
0x2dd: {  	v15 =	vxor.u32 v15, v7;
	v9 =	vshra.s32 v22, $0x1F;
	v7 =	vand.u32 $0x7FFFFFFF, v23;
	[tilespmem:v12+s12+$0x0] =	vst.idx.add.s32.msk $0xffff, v2  }
0x2de: {  	s16 =	sadd.s32 $0x80, s16;
	v12 =	vxor.u32 v16, v14;
	v14 =	vxor.u32 v19, v11;
	v9 =	vand.u32 $0x7FFFFFFF, v9;
	[tilespmem:v6+s12+$0x0] =	vst.idx.add.s32.msk $0xffff, v2  }
.Ltmp16:
0x2df: {  	v23 =	vxor.u32 v8, v10;
	v6 =	vxor.u32 v17, v13;
	v9 =	vxor.u32 v22, v9;
	[tilespmem:s16+$0x30] =	vst v20;
	(pc) =	sbr.rel @p0 .LBB2_29-.Ltmp16, $4  }
0x2e0: {  	s15 =	simm.s32 $0x0;
	s18 =	simm.s32 $0x7C0;
	s20 =	simm.s32 $0x187F0;
	vm3 =	veq.s32 v16, $0x80000000;
	vm2 =	veq.s32 v22, $0x80000000;
	v7 =	vxor.u32 v21, v7;
	[tilespmem:v24+s12+$0x0] =	vst.idx.add.s32.msk $0xffff, v2  }
0x2e1: {  	vm4 =	veq.s32 v19, $0x80000000;
	vm5 =	veq.s32 v8, $0x80000000;
	vm1 =	veq.s32 v17, $0x80000000;
	[tilespmem:v18+s12+$0x0] =	vst.idx.add.s32.msk $0xffff, v2  }
0x2e2: {  	v11 =	vsel vm2, $0x0, v9;
	v9 =	vsel vm0, $0x0, v15;
	vm0 =	veq.s32 v21, $0x80000000  }
0x2e3: {  	s19 =	sadd.s32 $0x80, s19;
	v12 =	vsel vm3, $0x0, v12;
	v10 =	vsel vm4, $0x0, v14;
	v8 =	vsel vm5, $0x0, v23;
	[tilespmem:s16+$0xFFFFFFD0] =	vst v9  }
0x2e4: {  	v13 =	vshra.s32 v11, $0x15;
	[tilespmem:s16+$0xFFFFFFE0] =	vst v12  }
0x2e5: {  	[tilespmem:s16+$0xFFFFFFC0] =	vst v11;
	v11 =	vshra.s32 v12, $0x15;
	v61 =	vadd.s32 $0x400, v13  }
0x2e6: {  	[tilespmem:s16+$0xFFFFFFF0] =	vst v10;
	v62 =	vshra.s32 v8, $0x15;
	v11 =	vadd.s32 $0x400, v11  }
0x2e7: {  	v6 =	vsel vm1, $0x0, v6;
	v9 =	vshra.s32 v9, $0x15;
	[tilespmem:s16+$0x0] =	vst v8;
	v8 =	vadd.s32 $0x400, v62  }
0x2e8: {  	v7 =	vsel vm0, $0x0, v7;
	v10 =	vshra.s32 v10, $0x15;
	v9 =	vadd.s32 $0x400, v9;
	[tilespmem:s16+$0x10] =	vst v6  }
0x2e9: {  	v6 =	vshra.s32 v6, $0x15;
	v10 =	vadd.s32 $0x400, v10;
	[tilespmem:s16+$0x20] =	vst v7  }
0x2ea: {  	v7 =	vshra.s32 v7, $0x15;
	v6 =	vadd.s32 $0x400, v6;
	[tilespmem:v61+s12+$0x0] =	vst.idx.add.s32.msk $0xffff, v2  }
0x2eb: {  	v7 =	vadd.s32 $0x400, v7;
	[tilespmem:v11+s12+$0x0] =	vst.idx.add.s32.msk $0xffff, v2  }
0x2ec: {  	[tilespmem:v8+s12+$0x0] =	vst.idx.add.s32.msk $0xffff, v2  }
0x2ed: {  	[tilespmem:v9+s12+$0x0] =	vst.idx.add.s32.msk $0xffff, v2  }
0x2ee: {  	[tilespmem:v10+s12+$0x0] =	vst.idx.add.s32.msk $0xffff, v2  }
0x2ef: {  	[tilespmem:v6+s12+$0x0] =	vst.idx.add.s32.msk $0xffff, v2  }
0x2f0: {  	[tilespmem:v7+s12+$0x0] =	vst.idx.add.s32.msk $0xffff, v2  }
0x2f1: {  	v6 =	vld [tilespmem:s20+$0xFFFFFFD0]  }
0x2f2: {  	v7 =	vld [tilespmem:s20+$0xFFFFFFE0]  }
0x2f3: {  	v8 =	vld [tilespmem:s20+$0xFFFFFFF0]  }
0x2f4: {  	v9 =	vld [tilespmem:s20+$0x0];
	_ =	sdelay $0x2  }
0x2f5: {  	v6 =	vadd.s32 v6, v7  }
0x2f6: {  	v6 =	vadd.s32 v8, v6  }
0x2f7: {  	v6 =	vadd.s32 v9, v6  }
0x2f8: {  	(xrf0) =	vadd.scan.msk.s32 $0xffff, v6;
	_ =	sdelay $0x4  }
0x2f9: {  	s0 =	simm.s32 $0x187B0  }
0x2fa: {  	v7 =	vld [tilespmem:s0+$0xFFFFFFE0];
	v8, _, _ =	vpop (xrf0)  }
0x2fb: {  	v6 =	vld [tilespmem:s0+$0xFFFFFFD0];
	(v2sf) =	vpush v8, $0xF  }
0x2fc: {  	v9 =	vld [tilespmem:s0+$0xFFFFFFF0]  }
0x2fd: {  	v8 =	vld [tilespmem:s0+$0x0]  }
0x2fe: {  	s28 =	simm.s32 $0x18770  }
0x2ff: {  	v10 =	vld [tilespmem:s28+$0xFFFFFFD0]  }
0x300: {  	v11 =	vld [tilespmem:s28+$0xFFFFFFE0];
	v6 =	vadd.s32 v6, v7  }
0x301: {  	v12 =	vld [tilespmem:s28+$0xFFFFFFF0];
	v6 =	vadd.s32 v9, v6  }
0x302: {  	v63 =	vld [tilespmem:s28+$0x0];
	v6 =	vadd.s32 v8, v6  }
0x303: {  	(xrf0) =	vadd.scan.msk.s32 $0xffff, v6;
	_ =	sdelay $0x1  }
0x304: {  	v7 =	vadd.s32 v10, v11  }
0x305: {  	v7 =	vadd.s32 v12, v7  }
0x306: {  	s29 =	simm.s32 $0x18730;
	v6 =	vadd.s32 v63, v7  }
0x307: {  	v14 =	vld [tilespmem:s29+$0xFFFFFFD0];
	(xrf0) =	vadd.scan.msk.s32 $0xffff, v6  }
0x308: {  	v15 =	vld [tilespmem:s29+$0xFFFFFFE0];
	v10, _, _ =	vpop (xrf0)  }
0x309: {  	v16 =	vld [tilespmem:s29+$0xFFFFFFF0];
	s31 =	spop (v2sf);
	(v2sf) =	vpush v10, $0xF  }
0x30a: {  	v17 =	vld [tilespmem:s29+$0x0];
	_ =	sdelay $0x2  }
0x30b: {  	s30 =	simm.s32 $0x186F0;
	v8 =	vadd.s32 v14, v15;
	v11, _, _ =	vpop (xrf0)  }
0x30c: {  	v7 =	vld [tilespmem:s30+$0xFFFFFFD0];
	v8 =	vadd.s32 v16, v8;
	(v2sf) =	vpush v11, $0xF  }
0x30d: {  	v6 =	vld [tilespmem:s30+$0xFFFFFFE0];
	v8 =	vadd.s32 v17, v8  }
0x30e: {  	v9 =	vld [tilespmem:s30+$0xFFFFFFF0];
	(xrf0) =	vadd.scan.msk.s32 $0xffff, v8  }
0x30f: {  	s19 =	simm.s32 $0x780;
	p0 =	por $0x1, $0x1;
	v8 =	vld [tilespmem:s30+$0x0]  }
0x310: {  	s21 =	simm.s32 $0x700;
	s22 =	simm.s32 $0x6C0;
	s16 =	sadd.s32 $0x0, s31  }
0x311: {  	s23 =	simm.s32 $0x680;
	s25 =	simm.s32 $0x186B0;
	p1 =	sgt.s32 s16, $0xFF  }
0x312: {  	s26 =	simm.s32 $0x640;
	s17 =	simm.s32 $0x0;
	v7 =	vadd.s32 v7, v6;
	p0 =	por !p0, !p1  }
0x313: {  	s24 =	simm.s32 $0x0;
	s20 =	simm.s32 $0x740;
	v6 =	vld [tilespmem:s25+$0xFFFFFFD0];
	v9 =	vadd.s32 v9, v7;
	p0 =	por !p0, !p0  }
0x314: {  	v7 =	vld [tilespmem:s25+$0xFFFFFFE0];
	v9 =	vadd.s32 v8, v9;
	v8, _, _ =	vpop (xrf0);
	s17 =	smov.u32 @p0 s18;
	s24 =	simm.s32 @p0 $0x1;
	s18 =	simm.s32 $0x0  }
.LBB2_31:
0x315: {  	p1 =	sne.s32 s26, $0x0;
	v10 =	vld [tilespmem:s25+$0xFFFFFFF0];
	(xrf0) =	vadd.scan.msk.s32 $0xffff, v9;
	(v2sf) =	vpush v8, $0xF;
	s15 =	smov.u32 @p0 s18;
	s18 =	smov.u32 s16  }
0x316: {  	s28 =	smov.u32 s19;
	s19 =	smov.u32 s20;
	v8 =	vld [tilespmem:s25+$0x0];
	s0 =	spop (v2sf)  }
.Ltmp17:
0x317: {  	s20 =	smov.u32 s21;
	s16 =	sadd.s32 s16, s0;
	(pc) =	sbr.rel @p1 .LBB2_31-.Ltmp17, $4  }
0x318: {  	p0 =	seq.s32 s24, $0x0;
	s21 =	smov.u32 s22;
	p2 =	sgt.s32 s16, $0xFF  }
0x319: {  	s22 =	smov.u32 s23;
	s25 =	sadd.s32 $0xFFFFFFC0, s25;
	v7 =	vadd.s32 v6, v7;
	p0 =	por !p0, !p2  }
0x31a: {  	s23 =	smov.u32 s26;
	v6 =	vld [tilespmem:s25+$0xFFFFFFD0];
	v9 =	vadd.s32 v10, v7;
	p0 =	por !p0, !p0  }
0x31b: {  	s26 =	sadd.s32 $0xFFFFFFC0, s26;
	v7 =	vld [tilespmem:s25+$0xFFFFFFE0];
	v9 =	vadd.s32 v8, v9;
	v8, _, _ =	vpop (xrf0);
	s17 =	smov.u32 @p0 s28;
	s24 =	simm.s32 @p0 $0x1  }
0x31c: {  	v10 =	vld [tilespmem:s25+$0xFFFFFFF0]  }
0x31d: {  	v11 =	vld [tilespmem:s25+$0x0];
	_ =	sdelay $0x1  }
0x31e: {  	(xrf0) =	vadd.scan.msk.s32 $0xffff, v9  }
0x31f: {  	v6 =	vadd.s32 v6, v7  }
0x320: {  	v6 =	vadd.s32 v10, v6  }
0x321: {  	(v2sf) =	vpush v8, $0xF;
	v6 =	vadd.s32 v11, v6  }
0x322: {  	(xrf0) =	vadd.scan.msk.s32 $0xffff, v6;
	_ =	sdelay $0x1  }
0x323: {  	v6, _, _ =	vpop (xrf0)  }
0x324: {  	(v2sf) =	vpush v6, $0xF;
	_ =	sdelay $0x2  }
0x325: {  	s0 =	spop (v2sf);
	v6, _, _ =	vpop (xrf0)  }
0x326: {  	s0 =	sadd.s32 s16, s0;
	(v2sf) =	vpush v6, $0xF  }
0x327: {  	p1 =	seq.s32 s24, $0x0;
	p2 =	sgt.s32 s0, $0xFF  }
0x328: {  	p1 =	por !p1, !p2  }
0x329: {  	p1 =	por !p1, !p1;
	s30 =	spop (v2sf)  }
0x32a: {  	s24 =	simm.s32 @p1 $0x1;
	s25 =	sadd.s32 s0, s30  }
0x32b: {  	p4 =	seq.s32 s24, $0x0;
	p3 =	sgt.s32 s25, $0xFF  }
0x32c: {  	p2 =	por !p4, !p3  }
0x32d: {  	p2 =	por !p2, !p2;
	s26 =	spop (v2sf)  }
0x32e: {  	s24 =	simm.s32 @p2 $0x1;
	s26 =	sadd.s32 s25, s26  }
0x32f: {  	p5 =	seq.s32 s24, $0x0;
	p4 =	sgt.s32 s26, $0xFF  }
0x330: {  	p3 =	por !p5, !p4  }
0x331: {  	p3 =	por !p3, !p3;
	s28 =	spop (v2sf)  }
0x332: {  	s24 =	simm.s32 @p3 $0x1;
	s28 =	sadd.s32 s26, s28  }
0x333: {  	p6 =	seq.s32 s24, $0x0;
	p5 =	sgt.s32 s28, $0xFF  }
0x334: {  	p4 =	por !p6, !p5  }
0x335: {  	p4 =	por !p4, !p4;
	s29 =	spop (v2sf)  }
0x336: {  	s17 =	smov.u32 @p1 s19;
	s24 =	simm.s32 @p4 $0x1;
	s31 =	sadd.s32 s28, s29  }
0x337: {  	s17 =	smov.u32 @p2 s20;
	p5 =	seq.s32 s24, $0x0;
	p6 =	sgt.s32 s31, $0xFF  }
0x338: {  	s17 =	smov.u32 @p3 s21;
	p5 =	por !p5, !p6  }
0x339: {  	s17 =	smov.u32 @p4 s22;
	p5 =	por !p5, !p5  }
0x33a: {  	s17 =	smov.u32 @p5 s23  }
0x33b: {  	v6 =	vld [tilespmem:s17+$0x18030];
	_ =	sdelay $0x2  }
0x33c: {  	v7 =	vld [tilespmem:s17+$0x18020];
	_ =	sdelay $0x1  }
0x33d: {  	(xrf0) =	vadd.scan.msk.s32 $0xffff, v6;
	_ =	sdelay $0x1  }
0x33e: {  	v6 =	vld [tilespmem:s17+$0x18010]  }
0x33f: {  	(xrf0) =	vadd.scan.msk.s32 $0xffff, v7;
	_ =	sdelay $0x2  }
0x340: {  	v7, _, _ =	vpop (xrf0)  }
0x341: {  	(xrf0) =	vadd.scan.msk.s32 $0xffff, v6;
	v6 =	vld [tilespmem:s17+$0x18000];
	(v2sf) =	vpush v7, $0xF;
	_ =	sdelay $0x1  }
0x342: {  	v7, _, _ =	vpop (xrf0)  }
0x343: {  	(v2sf) =	vpush v7, $0xF;
	_ =	sdelay $0x1  }
0x344: {  	(xrf0) =	vadd.scan.msk.s32 $0xffff, v6  }
0x345: {  	v6, _, _ =	vpop (xrf0)  }
0x346: {  	(v2sf) =	vpush v6, $0xF;
	_ =	sdelay $0x2  }
0x347: {  	s15 =	smov.u32 @p0 s18  }
0x348: {  	s15 =	smov.u32 @p1 s16;
	v6, _, _ =	vpop (xrf0)  }
0x349: {  	s15 =	smov.u32 @p2 s0;
	(v2sf) =	vpush v6, $0xF  }
0x34a: {  	s15 =	smov.u32 @p3 s25  }
0x34b: {  	s15 =	smov.u32 @p4 s26  }
0x34c: {  	s15 =	smov.u32 @p5 s28;
	s26 =	spop (v2sf)  }
0x34d: {  	s0 =	sadd.s32 s15, s26  }
0x34e: {  	p1 =	sgt.s32 s0, $0xFF;
	s16 =	smov.u32 s0  }
0x34f: {  	s29 =	spop (v2sf);
	s16 =	smov.u32 @p1 s15  }
0x350: {  	s16 =	sadd.s32 s29, s16  }
0x351: {  	p3 =	sgt.s32 s16, $0xFF  }
0x352: {  	s16 =	smov.u32 @p3 s0  }
0x353: {  	s30 =	spop (v2sf);
	s16 =	smov.u32 @p1 s15  }
0x354: {  	p2 =	por p1, p3;
	s0 =	sadd.s32 s30, s16  }
0x355: {  	p5 =	por !p2, !p2;
	p4 =	slt.s32 s0, $0x100  }
0x356: {  	p0 =	por !p4, !p5  }
0x357: {  	p0 =	por !p0, !p0  }
0x358: {  	s19 =	sadd.s32 $0x20, s17;
	s31 =	spop (v2sf);
	s16 =	smov.u32 @p0 s0  }
0x359: {  	s19 =	simm.s32 @!p3 $0x0;
	s15 =	sadd.s32 $0x30, s17;
	s18 =	sadd.s32 s31, s16  }
0x35a: {  	s19 =	smov.u32 @p1 s15;
	s15 =	sadd.s32 $0x10, s17;
	p6 =	sgt.s32 s18, $0xFF  }
0x35b: {  	s15 =	smov.u32 @p4 s19;
	p1 =	por !p0, !p6  }
0x35c: {  	s15 =	smov.u32 @p2 s19;
	p1 =	por !p1, !p1  }
0x35d: {  	s15 =	smov.u32 @p1 s17;
	s17 =	simm.s32 $0x18040  }
0x35e: {  	v6 =	vld [tilespmem:s15+$0x18000];
	[tilespmem:s17+$0xFFFFFFC0] =	vst v1  }
0x35f: {  	[tilespmem:s17+$0x30] =	vst v1  }
0x360: {  	[tilespmem:s17+$0x20] =	vst v1  }
0x361: {  	[tilespmem:s17+$0x10] =	vst v1  }
0x362: {  	[tilespmem:s17+$0x0] =	vst v1  }
0x363: {  	[tilespmem:s17+$0xFFFFFFF0] =	vst v1  }
0x364: {  	s19 =	simm.s32 $0x0;
	[tilespmem:s17+$0xFFFFFFE0] =	vst v1;
	v6 =	vperm.xlane v6, v3  }
.LBB2_33:
0x365: {  	s19 =	sadd.s32 $0x80, s19;
	[tilespmem:s17+$0xFFFFFFD0] =	vst v1;
	s17 =	sadd.s32 $0x80, s17  }
0x366: {  	[tilespmem:s17+$0xFFFFFFC0] =	vst v1;
	p2 =	slt.u32 s19, $0x780  }
0x367: {  	[tilespmem:s17+$0x30] =	vst v1  }
.Ltmp18:
0x368: {  	[tilespmem:s17+$0x20] =	vst v1;
	(pc) =	sbr.rel @p2 .LBB2_33-.Ltmp18, $4  }
0x369: {  	[tilespmem:s17+$0x10] =	vst v1  }
0x36a: {  	[tilespmem:s17+$0x0] =	vst v1  }
0x36b: {  	[tilespmem:s17+$0xFFFFFFF0] =	vst v1  }
0x36c: {  	[tilespmem:s17+$0xFFFFFFE0] =	vst v1  }
0x36d: {  	(xrf0) =	vadd.scan.msk.s32 $0xffff, v6;
	_ =	sdelay $0x3  }
0x36e: {  	p2 =	por !p1, !p1  }
0x36f: {  	p2 =	por @!p0 p1, p1  }
0x370: {  	s16 =	smov.u32 @p2 s18;
	v7, _, _ =	vpop (xrf0)  }
0x371: {  	v7 =	vadd.s32 s16, v7  }
0x372: {  	vm0 =	vgt.s32 v7, $0xFF  }
0x373: {  	v7 =	vsel vm0, $0x1, v1  }
0x374: {  	(xrf0) =	vadd.scan.msk.s32 $0xffff, v7;
	_ =	sdelay $0x5  }
0x375: {  	v7, _, _ =	vpop (xrf0)  }
0x376: {  	(v2sf) =	vpush v7, $0xF;
	_ =	sdelay $0xb  }
0x377: {  	[tilespmem:s17+$0xFFFFFFD0] =	vst v1;
	s31 =	simm.s32 $0x10040  }
0x378: {  	v8 =	vld [tilespmem:s31+$0xFFFFFFC0]  }
0x379: {  	v10 =	vld [tilespmem:s31+$0xFFFFFFE0]  }
0x37a: {  	s0 =	spop (v2sf)  }
0x37b: {  	s0 =	sadd.s32 s0, s15  }
0x37c: {  	v12 =	vld [tilespmem:s31+$0xFFFFFFF0];
	s15 =	sadd.s32 $0xFFFFFBFF, s0  }
0x37d: {  	v14 =	vld [tilespmem:s31+$0x20];
	v9 =	vshra.s32 v8, $0x15;
	v7 =	vmov s15  }
0x37e: {  	v8 =	vshrl.u32 v8, $0xA;
	v11 =	vshra.s32 v10, $0x15;
	vm4 =	veq.s32 v9, v7  }
0x37f: {  	v15 =	vld [tilespmem:s31+$0x30];
	v10 =	vshrl.u32 v10, $0xA;
	v16 =	vand.u32 $0x7FF, v8;
	vm3 =	veq.s32 v11, v7  }
0x380: {  	v8 =	vld [tilespmem:s31+$0xFFFFFFD0];
	v11 =	vand.u32 $0x7FF, v10;
	_ =	sdelay $0x1  }
0x381: {  	v17 =	vshra.s32 v14, $0x15;
	v9 =	vshrl.u32 v12, $0xA;
	v10 =	vshra.s32 v12, $0x15;
	v12 =	vld [tilespmem:s31+$0x10]  }
0x382: {  	v13 =	vld [tilespmem:s31+$0x0];
	vm2 =	veq.s32 v17, v7;
	vm1 =	veq.s32 v10, v7;
	v10 =	vshrl.u32 v14, $0xA  }
0x383: {  	s17 =	simm.s32 $0x0;
	s18 =	simm.s32 $0x100C0;
	v14 =	vshrl.u32 v15, $0xA;
	v15 =	vshra.s32 v15, $0x15;
	v10 =	vand.u32 $0x7FF, v10;
	[tilespmem:v16+s12+$0x0] =	vst.idx.add.s32.msk vm4, v2  }
.LBB2_35:
0x384: {  	s17 =	sadd.s32 $0x80, s17;
	v16 =	vshra.s32 v8, $0x15;
	[tilespmem:v11+s12+$0x0] =	vst.idx.add.s32.msk vm3, v2;
	vm4 =	veq.s32 v15, v7  }
0x385: {  	v8 =	vshrl.u32 v8, $0xA;
	v11 =	vand.u32 $0x7FF, v9;
	v15 =	vld [tilespmem:s18+$0xFFFFFFF0];
	p0 =	slt.u32 s17, $0x7F80;
	vm5 =	veq.s32 v16, v7  }
0x386: {  	v14 =	vand.u32 $0x7FF, v14;
	v17 =	vand.u32 $0x7FF, v8;
	v16 =	vld [tilespmem:s18+$0xFFFFFFE0];
	v8 =	vshra.s32 v12, $0x15  }
0x387: {  	v12 =	vshrl.u32 v12, $0xA;
	v18 =	vld [tilespmem:s18+$0xFFFFFFC0];
	v9 =	vshra.s32 v13, $0x15;
	vm6 =	veq.s32 v8, v7  }
0x388: {  	v8 =	vshrl.u32 v13, $0xA;
	v12 =	vand.u32 $0x7FF, v12;
	v19 =	vld [tilespmem:s18+$0x30];
	vm7 =	veq.s32 v9, v7  }
0x389: {  	v13 =	vand.u32 $0x7FF, v8;
	v20 =	vld [tilespmem:s18+$0x20]  }
0x38a: {  	v8 =	vld [tilespmem:s18+$0xFFFFFFD0];
	v9 =	vshrl.u32 v15, $0xA  }
0x38b: {  	[tilespmem:v11+s12+$0x0] =	vst.idx.add.s32.msk vm1, v2  }
0x38c: {  	v21 =	vshrl.u32 v16, $0xA;
	v16 =	vshra.s32 v16, $0x15;
	v11 =	vshra.s32 v18, $0x15;
	[tilespmem:v10+s12+$0x0] =	vst.idx.add.s32.msk vm2, v2  }
0x38d: {  	v10 =	vshrl.u32 v18, $0xA;
	vm3 =	veq.s32 v16, v7;
	vm8 =	veq.s32 v11, v7;
	[tilespmem:v12+s12+$0x0] =	vst.idx.add.s32.msk vm6, v2  }
0x38e: {  	v10 =	vand.u32 $0x7FF, v10;
	v11 =	vand.u32 $0x7FF, v21;
	[tilespmem:v13+s12+$0x0] =	vst.idx.add.s32.msk vm7, v2  }
.Ltmp19:
0x38f: {  	v12 =	vshra.s32 v15, $0x15;
	[tilespmem:v14+s12+$0x0] =	vst.idx.add.s32.msk vm4, v2;
	(pc) =	sbr.rel @p0 .LBB2_35-.Ltmp19, $4  }
0x390: {  	vm1 =	veq.s32 v12, v7;
	[tilespmem:v17+s12+$0x0] =	vst.idx.add.s32.msk vm5, v2  }
0x391: {  	v14 =	vshra.s32 v20, $0x15;
	v12 =	vld [tilespmem:s18+$0x10]  }
0x392: {  	v15 =	vshrl.u32 v20, $0xA;
	vm2 =	veq.s32 v14, v7;
	v13 =	vld [tilespmem:s18+$0x0]  }
0x393: {  	v14 =	vshrl.u32 v19, $0xA;
	s18 =	sadd.s32 $0x80, s18;
	[tilespmem:v10+s12+$0x0] =	vst.idx.add.s32.msk vm8, v2;
	v10 =	vand.u32 $0x7FF, v15;
	v15 =	vshra.s32 v19, $0x15  }
0x394: {  	_ = 	snop  }
0x395: {  	v9 =	vand.u32 $0x7FF, v9;
	v59 =	vshra.s32 v8, $0x15  }
0x396: {  	v8 =	vshrl.u32 v8, $0xA;
	vm15 =	veq.s32 v59, v7;
	v16 =	vshra.s32 v12, $0x15  }
0x397: {  	v8 =	vand.u32 $0x7FF, v8;
	v57 =	vshrl.u32 v12, $0xA;
	vm4 =	veq.s32 v16, v7  }
0x398: {  	vm6 =	veq.s32 v15, v7;
	v17 =	vshra.s32 v13, $0x15;
	v12 =	vand.u32 $0x7FF, v57  }
0x399: {  	[tilespmem:v11+s12+$0x0] =	vst.idx.add.s32.msk vm3, v2;
	v58 =	vshrl.u32 v13, $0xA;
	vm5 =	veq.s32 v17, v7;
	v7 =	vand.u32 $0x7FF, v14  }
0x39a: {  	[tilespmem:v10+s12+$0x0] =	vst.idx.add.s32.msk vm2, v2;
	v13 =	vand.u32 $0x7FF, v58  }
0x39b: {  	[tilespmem:v9+s12+$0x0] =	vst.idx.add.s32.msk vm1, v2  }
0x39c: {  	[tilespmem:v8+s12+$0x0] =	vst.idx.add.s32.msk vm15, v2  }
0x39d: {  	[tilespmem:v12+s12+$0x0] =	vst.idx.add.s32.msk vm4, v2  }
0x39e: {  	[tilespmem:v7+s12+$0x0] =	vst.idx.add.s32.msk vm6, v2  }
0x39f: {  	s0 =	simm.s32 $0x187F0;
	[tilespmem:v13+s12+$0x0] =	vst.idx.add.s32.msk vm5, v2  }
0x3a0: {  	v7 =	vld [tilespmem:s0+$0xFFFFFFD0]  }
0x3a1: {  	v8 =	vld [tilespmem:s0+$0xFFFFFFE0]  }
0x3a2: {  	v9 =	vld [tilespmem:s0+$0xFFFFFFF0]  }
0x3a3: {  	v10 =	vld [tilespmem:s0+$0x0];
	_ =	sdelay $0x2  }
0x3a4: {  	v6 =	vsel vm0, $0x0, v6;
	v7 =	vadd.s32 v7, v8  }
0x3a5: {  	(xrf0) =	vadd.scan.msk.s32 $0xffff, v6;
	v6 =	vadd.s32 v9, v7  }
0x3a6: {  	v6 =	vadd.s32 v10, v6  }
0x3a7: {  	(xrf0) =	vadd.scan.msk.s32 $0xffff, v6;
	_ =	sdelay $0x2  }
0x3a8: {  	s24 =	simm.s32 $0x187B0  }
0x3a9: {  	v7 =	vld [tilespmem:s24+$0xFFFFFFE0];
	v6, _, _ =	vpop (xrf0)  }
0x3aa: {  	(v2sf) =	vpush v6, $0xF;
	v6 =	vld [tilespmem:s24+$0xFFFFFFD0]  }
0x3ab: {  	v9 =	vld [tilespmem:s24+$0xFFFFFFF0];
	v8, _, _ =	vpop (xrf0)  }
0x3ac: {  	(v2sf) =	vpush v8, $0xF;
	v8 =	vld [tilespmem:s24+$0x0]  }
0x3ad: {  	s25 =	simm.s32 $0x18770  }
0x3ae: {  	v11 =	vld [tilespmem:s25+$0xFFFFFFE0]  }
0x3af: {  	v10 =	vld [tilespmem:s25+$0xFFFFFFD0];
	v6 =	vadd.s32 v6, v7  }
0x3b0: {  	v12 =	vld [tilespmem:s25+$0xFFFFFFF0];
	v6 =	vadd.s32 v9, v6  }
0x3b1: {  	v13 =	vld [tilespmem:s25+$0x0];
	v6 =	vadd.s32 v8, v6  }
0x3b2: {  	(xrf0) =	vadd.scan.msk.s32 $0xffff, v6;
	_ =	sdelay $0x1  }
0x3b3: {  	v7 =	vadd.s32 v10, v11  }
0x3b4: {  	v7 =	vadd.s32 v12, v7  }
0x3b5: {  	s26 =	simm.s32 $0x18730;
	v6 =	vadd.s32 v13, v7  }
0x3b6: {  	v60 =	vld [tilespmem:s26+$0xFFFFFFD0];
	(xrf0) =	vadd.scan.msk.s32 $0xffff, v6  }
0x3b7: {  	v61 =	vld [tilespmem:s26+$0xFFFFFFE0];
	v10, _, _ =	vpop (xrf0)  }
0x3b8: {  	v62 =	vld [tilespmem:s26+$0xFFFFFFF0];
	s17 =	spop (v2sf);
	(v2sf) =	vpush v10, $0xF  }
0x3b9: {  	v63 =	vld [tilespmem:s26+$0x0];
	_ =	sdelay $0x2  }
0x3ba: {  	s30 =	simm.s32 $0x186F0;
	v8 =	vadd.s32 v60, v61;
	v11, _, _ =	vpop (xrf0)  }
0x3bb: {  	v7 =	vld [tilespmem:s30+$0xFFFFFFD0];
	v8 =	vadd.s32 v62, v8;
	s31 =	spop (v2sf);
	(v2sf) =	vpush v11, $0xF  }
0x3bc: {  	v6 =	vld [tilespmem:s30+$0xFFFFFFE0];
	v8 =	vadd.s32 v63, v8  }
0x3bd: {  	s18 =	simm.s32 $0x0;
	s21 =	simm.s32 $0x7C0;
	s20 =	simm.s32 $0x780;
	v9 =	vld [tilespmem:s30+$0xFFFFFFF0];
	(xrf0) =	vadd.scan.msk.s32 $0xffff, v8  }
0x3be: {  	s22 =	simm.s32 $0x740;
	p0 =	por $0x1, $0x1;
	v8 =	vld [tilespmem:s30+$0x0];
	s16 =	sadd.s32 s17, s16  }
0x3bf: {  	s23 =	simm.s32 $0x700;
	s16 =	ssub.s32 $0x100, s16;
	s17 =	sadd.s32 $0x0, s31  }
0x3c0: {  	s28 =	simm.s32 $0x186B0;
	s29 =	simm.s32 $0x640;
	p1 =	sge.s32 s17, s16  }
0x3c1: {  	s19 =	simm.s32 $0x0;
	s26 =	simm.s32 $0x0;
	v7 =	vadd.s32 v7, v6;
	p0 =	por !p0, !p1  }
0x3c2: {  	s25 =	simm.s32 $0x680;
	s24 =	simm.s32 $0x6C0;
	v6 =	vld [tilespmem:s28+$0xFFFFFFD0];
	v9 =	vadd.s32 v9, v7;
	p0 =	por !p0, !p0  }
0x3c3: {  	v7 =	vld [tilespmem:s28+$0xFFFFFFE0];
	v9 =	vadd.s32 v8, v9;
	v8, _, _ =	vpop (xrf0);
	s19 =	smov.u32 @p0 s21;
	s26 =	simm.s32 @p0 $0x1;
	s21 =	simm.s32 $0x0  }
.LBB2_37:
0x3c4: {  	p1 =	sne.s32 s29, $0x0;
	v10 =	vld [tilespmem:s28+$0xFFFFFFF0];
	(xrf0) =	vadd.scan.msk.s32 $0xffff, v9;
	(v2sf) =	vpush v8, $0xF;
	s18 =	smov.u32 @p0 s21;
	s21 =	smov.u32 s17  }
0x3c5: {  	s30 =	smov.u32 s20;
	s20 =	smov.u32 s22;
	v8 =	vld [tilespmem:s28+$0x0];
	s0 =	spop (v2sf)  }
.Ltmp20:
0x3c6: {  	s22 =	smov.u32 s23;
	s17 =	sadd.s32 s17, s0;
	(pc) =	sbr.rel @p1 .LBB2_37-.Ltmp20, $4  }
0x3c7: {  	p0 =	seq.s32 s26, $0x0;
	s23 =	smov.u32 s24;
	p2 =	sge.s32 s17, s16  }
0x3c8: {  	s24 =	smov.u32 s25;
	s28 =	sadd.s32 $0xFFFFFFC0, s28;
	v7 =	vadd.s32 v6, v7;
	p0 =	por !p0, !p2  }
0x3c9: {  	s25 =	smov.u32 s29;
	v6 =	vld [tilespmem:s28+$0xFFFFFFD0];
	v9 =	vadd.s32 v10, v7;
	p0 =	por !p0, !p0  }
0x3ca: {  	s29 =	sadd.s32 $0xFFFFFFC0, s29;
	v7 =	vld [tilespmem:s28+$0xFFFFFFE0];
	v9 =	vadd.s32 v8, v9;
	v8, _, _ =	vpop (xrf0);
	s19 =	smov.u32 @p0 s30;
	s26 =	simm.s32 @p0 $0x1  }
0x3cb: {  	v10 =	vld [tilespmem:s28+$0xFFFFFFF0]  }
0x3cc: {  	v11 =	vld [tilespmem:s28+$0x0];
	_ =	sdelay $0x1  }
0x3cd: {  	(xrf0) =	vadd.scan.msk.s32 $0xffff, v9  }
0x3ce: {  	v6 =	vadd.s32 v6, v7  }
0x3cf: {  	v6 =	vadd.s32 v10, v6  }
0x3d0: {  	(v2sf) =	vpush v8, $0xF;
	v6 =	vadd.s32 v11, v6  }
0x3d1: {  	(xrf0) =	vadd.scan.msk.s32 $0xffff, v6;
	_ =	sdelay $0x1  }
0x3d2: {  	v6, _, _ =	vpop (xrf0)  }
0x3d3: {  	(v2sf) =	vpush v6, $0xF;
	_ =	sdelay $0x2  }
0x3d4: {  	s0 =	spop (v2sf);
	v6, _, _ =	vpop (xrf0)  }
0x3d5: {  	s0 =	sadd.s32 s17, s0;
	(v2sf) =	vpush v6, $0xF  }
0x3d6: {  	p1 =	seq.s32 s26, $0x0;
	p2 =	sge.s32 s0, s16  }
0x3d7: {  	p1 =	por !p1, !p2  }
0x3d8: {  	p1 =	por !p1, !p1;
	s30 =	spop (v2sf)  }
0x3d9: {  	s26 =	simm.s32 @p1 $0x1;
	s28 =	sadd.s32 s0, s30  }
0x3da: {  	p4 =	seq.s32 s26, $0x0;
	p3 =	sge.s32 s28, s16  }
0x3db: {  	p2 =	por !p4, !p3  }
0x3dc: {  	p2 =	por !p2, !p2;
	s29 =	spop (v2sf)  }
0x3dd: {  	s26 =	simm.s32 @p2 $0x1;
	s29 =	sadd.s32 s28, s29  }
0x3de: {  	p5 =	seq.s32 s26, $0x0;
	p4 =	sge.s32 s29, s16  }
0x3df: {  	p3 =	por !p5, !p4  }
0x3e0: {  	p3 =	por !p3, !p3;
	s30 =	spop (v2sf)  }
0x3e1: {  	s26 =	simm.s32 @p3 $0x1;
	s30 =	sadd.s32 s29, s30  }
0x3e2: {  	p6 =	seq.s32 s26, $0x0;
	p5 =	sge.s32 s30, s16  }
0x3e3: {  	p4 =	por !p6, !p5  }
0x3e4: {  	p4 =	por !p4, !p4;
	s31 =	spop (v2sf)  }
0x3e5: {  	s19 =	smov.u32 @p1 s20;
	s26 =	simm.s32 @p4 $0x1;
	s31 =	sadd.s32 s30, s31  }
0x3e6: {  	s19 =	smov.u32 @p2 s22;
	p5 =	seq.s32 s26, $0x0;
	p6 =	sge.s32 s31, s16  }
0x3e7: {  	s19 =	smov.u32 @p3 s23;
	p5 =	por !p5, !p6  }
0x3e8: {  	s19 =	smov.u32 @p4 s24;
	p5 =	por !p5, !p5  }
0x3e9: {  	s19 =	smov.u32 @p5 s25  }
0x3ea: {  	v6 =	vld [tilespmem:s19+$0x18030];
	_ =	sdelay $0x2  }
0x3eb: {  	v7 =	vld [tilespmem:s19+$0x18020];
	_ =	sdelay $0x1  }
0x3ec: {  	(xrf0) =	vadd.scan.msk.s32 $0xffff, v6;
	_ =	sdelay $0x1  }
0x3ed: {  	v6 =	vld [tilespmem:s19+$0x18010]  }
0x3ee: {  	(xrf0) =	vadd.scan.msk.s32 $0xffff, v7;
	_ =	sdelay $0x2  }
0x3ef: {  	v7, _, _ =	vpop (xrf0)  }
0x3f0: {  	(xrf0) =	vadd.scan.msk.s32 $0xffff, v6;
	v6 =	vld [tilespmem:s19+$0x18000];
	(v2sf) =	vpush v7, $0xF;
	_ =	sdelay $0x1  }
0x3f1: {  	v7, _, _ =	vpop (xrf0)  }
0x3f2: {  	(v2sf) =	vpush v7, $0xF;
	_ =	sdelay $0x1  }
0x3f3: {  	(xrf0) =	vadd.scan.msk.s32 $0xffff, v6  }
0x3f4: {  	v6, _, _ =	vpop (xrf0)  }
0x3f5: {  	(v2sf) =	vpush v6, $0xF;
	_ =	sdelay $0x2  }
0x3f6: {  	s18 =	smov.u32 @p0 s21  }
0x3f7: {  	s18 =	smov.u32 @p1 s17;
	v6, _, _ =	vpop (xrf0)  }
0x3f8: {  	s18 =	smov.u32 @p2 s0;
	(v2sf) =	vpush v6, $0xF  }
0x3f9: {  	s18 =	smov.u32 @p3 s28  }
0x3fa: {  	s18 =	smov.u32 @p4 s29  }
0x3fb: {  	s18 =	smov.u32 @p5 s30;
	s28 =	spop (v2sf)  }
0x3fc: {  	s0 =	sadd.s32 s18, s28  }
0x3fd: {  	p1 =	sge.s32 s0, s16;
	s17 =	smov.u32 s0  }
0x3fe: {  	s29 =	spop (v2sf);
	s17 =	smov.u32 @p1 s18  }
0x3ff: {  	s17 =	sadd.s32 s29, s17  }
0x400: {  	p3 =	sge.s32 s17, s16  }
0x401: {  	s17 =	smov.u32 @p3 s0  }
0x402: {  	s30 =	spop (v2sf);
	s17 =	smov.u32 @p1 s18  }
0x403: {  	p2 =	por p1, p3;
	s0 =	sadd.s32 s30, s17  }
0x404: {  	p5 =	por !p2, !p2;
	p4 =	slt.s32 s0, s16  }
0x405: {  	p0 =	por !p4, !p5  }
0x406: {  	p0 =	por !p0, !p0  }
0x407: {  	s21 =	sadd.s32 $0x20, s19;
	s31 =	spop (v2sf);
	s17 =	smov.u32 @p0 s0  }
0x408: {  	s21 =	simm.s32 @!p3 $0x0;
	s18 =	sadd.s32 $0x30, s19;
	s20 =	sadd.s32 s31, s17  }
0x409: {  	s21 =	smov.u32 @p1 s18;
	s18 =	sadd.s32 $0x10, s19;
	p6 =	sge.s32 s20, s16  }
0x40a: {  	s18 =	smov.u32 @p4 s21;
	p1 =	por !p0, !p6  }
0x40b: {  	s18 =	smov.u32 @p2 s21;
	p1 =	por !p1, !p1  }
0x40c: {  	s18 =	smov.u32 @p1 s19;
	s19 =	simm.s32 $0x18040  }
0x40d: {  	v6 =	vld [tilespmem:s18+$0x18000];
	[tilespmem:s19+$0xFFFFFFC0] =	vst v1  }
0x40e: {  	[tilespmem:s19+$0x30] =	vst v1  }
0x40f: {  	[tilespmem:s19+$0x20] =	vst v1  }
0x410: {  	[tilespmem:s19+$0x10] =	vst v1  }
0x411: {  	[tilespmem:s19+$0x0] =	vst v1  }
0x412: {  	[tilespmem:s19+$0xFFFFFFF0] =	vst v1  }
0x413: {  	s21 =	simm.s32 $0x0;
	[tilespmem:s19+$0xFFFFFFE0] =	vst v1;
	v6 =	vperm.xlane v6, v3  }
.LBB2_39:
0x414: {  	s21 =	sadd.s32 $0x80, s21;
	[tilespmem:s19+$0xFFFFFFD0] =	vst v1;
	s19 =	sadd.s32 $0x80, s19  }
0x415: {  	[tilespmem:s19+$0xFFFFFFC0] =	vst v1;
	p2 =	slt.u32 s21, $0x380  }
0x416: {  	[tilespmem:s19+$0x30] =	vst v1  }
.Ltmp21:
0x417: {  	[tilespmem:s19+$0x20] =	vst v1;
	(pc) =	sbr.rel @p2 .LBB2_39-.Ltmp21, $4  }
0x418: {  	[tilespmem:s19+$0x10] =	vst v1  }
0x419: {  	[tilespmem:s19+$0x0] =	vst v1  }
0x41a: {  	[tilespmem:s19+$0xFFFFFFF0] =	vst v1  }
0x41b: {  	[tilespmem:s19+$0xFFFFFFE0] =	vst v1  }
0x41c: {  	(xrf0) =	vadd.scan.msk.s32 $0xffff, v6;
	_ =	sdelay $0x3  }
0x41d: {  	p2 =	por !p1, !p1  }
0x41e: {  	p2 =	por @!p0 p1, p1  }
0x41f: {  	s17 =	smov.u32 @p2 s20;
	v7, _, _ =	vpop (xrf0)  }
0x420: {  	v7 =	vadd.s32 s17, v7  }
0x421: {  	vm0 =	vge.s32 v7, s16  }
0x422: {  	v8 =	vsel vm0, $0x1, v1  }
0x423: {  	(xrf0) =	vadd.scan.msk.s32 $0xffff, v8;
	_ =	sdelay $0x5  }
0x424: {  	v8, _, _ =	vpop (xrf0)  }
0x425: {  	(v2sf) =	vpush v8, $0xF;
	_ =	sdelay $0xc  }
0x426: {  	[tilespmem:s19+$0xFFFFFFD0] =	vst v1;
	s31 =	simm.s32 $0x10040  }
0x427: {  	v10 =	vld [tilespmem:s31+$0x30]  }
0x428: {  	v11 =	vld [tilespmem:s31+$0xFFFFFFD0];
	s0 =	spop (v2sf)  }
0x429: {  	v12 =	vld [tilespmem:s31+$0xFFFFFFE0];
	s0 =	sadd.s32 s0, s18  }
0x42a: {  	s15 =	sshll.u32 s15, $0xB;
	v13 =	vld [tilespmem:s31+$0xFFFFFFF0];
	s0 =	sadd.s32 $0xFFFFFFFF, s0  }
0x42b: {  	s15 =	sor.u32 s15, s0  }
0x42c: {  	v15 =	vld [tilespmem:s31+$0x0];
	v14 =	vshra.s32 v10, $0xA;
	v9 =	vmov s15  }
0x42d: {  	v63 =	vld [tilespmem:s31+$0xFFFFFFC0];
	v16 =	vshra.s32 v11, $0xA;
	vm1 =	veq.s32 v14, v9  }
0x42e: {  	v62 =	vshra.s32 v12, $0xA;
	v10 =	vand.u32 $0x3FF, v10;
	v14 =	vld [tilespmem:s31+$0x10];
	vm2 =	veq.s32 v16, v9  }
0x42f: {  	v17 =	vand.u32 $0x3FF, v11;
	v11 =	vshra.s32 v13, $0xA;
	vm3 =	veq.s32 v62, v9  }
0x430: {  	v18 =	vld [tilespmem:s31+$0x20];
	v12 =	vand.u32 $0x3FF, v12;
	vm4 =	veq.s32 v11, v9  }
0x431: {  	v19 =	vand.u32 $0x3FF, v13  }
0x432: {  	v11 =	vshra.s32 v15, $0xA  }
0x433: {  	v13 =	vand.u32 $0x3FF, v63;
	vm0 =	veq.s32 v11, v9;
	v11 =	vshra.s32 v14, $0xA;
	[tilespmem:v10+s12+$0x0] =	vst.idx.add.s32.msk vm1, v2  }
0x434: {  	v8 =	vmov s16;
	v10 =	vand.u32 $0x3FF, v15;
	vm1 =	veq.s32 v11, v9;
	[tilespmem:v17+s12+$0x0] =	vst.idx.add.s32.msk vm2, v2  }
0x435: {  	v11 =	vand.u32 $0x3FF, v14;
	v14 =	vshra.s32 v18, $0xA;
	v15 =	vshra.s32 v63, $0xA;
	[tilespmem:v12+s12+$0x0] =	vst.idx.add.s32.msk vm3, v2  }
0x436: {  	s19 =	simm.s32 $0x100C0;
	s18 =	simm.s32 $0x0;
	v12 =	vand.u32 $0x3FF, v18;
	[tilespmem:v19+s12+$0x0] =	vst.idx.add.s32.msk vm4, v2;
	vm2 =	veq.s32 v14, v9;
	vm3 =	veq.s32 v15, v9  }
.LBB2_41:
0x437: {  	v14 =	vld [tilespmem:s19+$0x30];
	s18 =	sadd.s32 $0x80, s18  }
0x438: {  	v15 =	vld [tilespmem:s19+$0xFFFFFFD0];
	p0 =	slt.u32 s18, $0x7F80  }
0x439: {  	v16 =	vld [tilespmem:s19+$0xFFFFFFE0]  }
0x43a: {  	v17 =	vld [tilespmem:s19+$0xFFFFFFF0]  }
0x43b: {  	v18 =	vld [tilespmem:s19+$0x0]  }
0x43c: {  	v19 =	vld [tilespmem:s19+$0x10];
	v20 =	vshra.s32 v14, $0xA  }
0x43d: {  	v21 =	vshra.s32 v15, $0xA;
	v15 =	vand.u32 $0x3FF, v15;
	v22 =	vld [tilespmem:s19+$0x20];
	vm4 =	veq.s32 v20, v9  }
0x43e: {  	v14 =	vand.u32 $0x3FF, v14;
	v20 =	vld [tilespmem:s19+$0xFFFFFFC0];
	vm5 =	veq.s32 v21, v9;
	v21 =	vshra.s32 v16, $0xA  }
0x43f: {  	v16 =	vand.u32 $0x3FF, v16;
	vm6 =	veq.s32 v21, v9;
	v21 =	vshra.s32 v17, $0xA;
	[tilespmem:v13+s12+$0x0] =	vst.idx.add.s32.msk vm3, v2  }
0x440: {  	v17 =	vand.u32 $0x3FF, v17;
	vm7 =	veq.s32 v21, v9;
	v13 =	vshra.s32 v18, $0xA;
	[tilespmem:v10+s12+$0x0] =	vst.idx.add.s32.msk vm0, v2  }
0x441: {  	v10 =	vand.u32 $0x3FF, v18;
	vm0 =	veq.s32 v13, v9;
	v13 =	vshra.s32 v19, $0xA;
	[tilespmem:v11+s12+$0x0] =	vst.idx.add.s32.msk vm1, v2  }
.Ltmp22:
0x442: {  	v11 =	vand.u32 $0x3FF, v19;
	vm1 =	veq.s32 v13, v9;
	v18 =	vshra.s32 v22, $0xA;
	[tilespmem:v12+s12+$0x0] =	vst.idx.add.s32.msk vm2, v2;
	(pc) =	sbr.rel @p0 .LBB2_41-.Ltmp22, $4  }
0x443: {  	v12 =	vshra.s32 v20, $0xA;
	v13 =	vand.u32 $0x3FF, v20;
	vm2 =	veq.s32 v18, v9;
	[tilespmem:v14+s12+$0x0] =	vst.idx.add.s32.msk vm4, v2  }
0x444: {  	vm3 =	veq.s32 v12, v9;
	[tilespmem:v15+s12+$0x0] =	vst.idx.add.s32.msk vm5, v2;
	v12 =	vand.u32 $0x3FF, v22  }
0x445: {  	[tilespmem:v16+s12+$0x0] =	vst.idx.add.s32.msk vm6, v2  }
0x446: {  	s19 =	sadd.s32 $0x80, s19;
	[tilespmem:v17+s12+$0x0] =	vst.idx.add.s32.msk vm7, v2  }
0x447: {  	_ =	sdelay $0x4  }
0x448: {  	[tilespmem:v13+s12+$0x0] =	vst.idx.add.s32.msk vm3, v2  }
0x449: {  	[tilespmem:v10+s12+$0x0] =	vst.idx.add.s32.msk vm0, v2  }
0x44a: {  	[tilespmem:v11+s12+$0x0] =	vst.idx.add.s32.msk vm1, v2  }
0x44b: {  	[tilespmem:v12+s12+$0x0] =	vst.idx.add.s32.msk vm2, v2;
	s0 =	simm.s32 $0x183F0  }
0x44c: {  	v9 =	vld [tilespmem:s0+$0xFFFFFFD0]  }
0x44d: {  	v10 =	vld [tilespmem:s0+$0xFFFFFFE0]  }
0x44e: {  	v11 =	vld [tilespmem:s0+$0xFFFFFFF0]  }
0x44f: {  	v12 =	vld [tilespmem:s0+$0x0];
	_ =	sdelay $0x1  }
0x450: {  	vm15 =	vge.s32 v7, v8  }
0x451: {  	v6 =	vsel vm15, $0x0, v6;
	v7 =	vadd.s32 v9, v10  }
0x452: {  	(xrf0) =	vadd.scan.msk.s32 $0xffff, v6;
	v6 =	vadd.s32 v11, v7  }
0x453: {  	v6 =	vadd.s32 v12, v6  }
0x454: {  	(xrf0) =	vadd.scan.msk.s32 $0xffff, v6;
	_ =	sdelay $0x2  }
0x455: {  	s24 =	simm.s32 $0x183B0  }
0x456: {  	v7 =	vld [tilespmem:s24+$0xFFFFFFE0];
	v6, _, _ =	vpop (xrf0)  }
0x457: {  	(v2sf) =	vpush v6, $0xF;
	v6 =	vld [tilespmem:s24+$0xFFFFFFD0]  }
0x458: {  	v9 =	vld [tilespmem:s24+$0xFFFFFFF0];
	v8, _, _ =	vpop (xrf0)  }
0x459: {  	(v2sf) =	vpush v8, $0xF;
	v8 =	vld [tilespmem:s24+$0x0]  }
0x45a: {  	s25 =	simm.s32 $0x18370  }
0x45b: {  	v10 =	vld [tilespmem:s25+$0xFFFFFFD0]  }
0x45c: {  	v11 =	vld [tilespmem:s25+$0xFFFFFFE0];
	v6 =	vadd.s32 v6, v7  }
0x45d: {  	v63 =	vld [tilespmem:s25+$0xFFFFFFF0];
	v6 =	vadd.s32 v9, v6  }
0x45e: {  	v13 =	vld [tilespmem:s25+$0x0];
	v6 =	vadd.s32 v8, v6  }
0x45f: {  	(xrf0) =	vadd.scan.msk.s32 $0xffff, v6;
	_ =	sdelay $0x1  }
0x460: {  	v7 =	vadd.s32 v10, v11  }
0x461: {  	v7 =	vadd.s32 v63, v7  }
0x462: {  	s26 =	simm.s32 $0x18330;
	v6 =	vadd.s32 v13, v7  }
0x463: {  	v14 =	vld [tilespmem:s26+$0xFFFFFFD0];
	(xrf0) =	vadd.scan.msk.s32 $0xffff, v6  }
0x464: {  	v15 =	vld [tilespmem:s26+$0xFFFFFFE0];
	v10, _, _ =	vpop (xrf0)  }
0x465: {  	v16 =	vld [tilespmem:s26+$0xFFFFFFF0];
	s18 =	spop (v2sf);
	(v2sf) =	vpush v10, $0xF  }
0x466: {  	v17 =	vld [tilespmem:s26+$0x0];
	_ =	sdelay $0x2  }
0x467: {  	s30 =	simm.s32 $0x182F0;
	v8 =	vadd.s32 v14, v15;
	v11, _, _ =	vpop (xrf0)  }
0x468: {  	v7 =	vld [tilespmem:s30+$0xFFFFFFD0];
	v8 =	vadd.s32 v16, v8;
	s31 =	spop (v2sf);
	(v2sf) =	vpush v11, $0xF  }
0x469: {  	v6 =	vld [tilespmem:s30+$0xFFFFFFE0];
	v8 =	vadd.s32 v17, v8  }
0x46a: {  	s21 =	simm.s32 $0x3C0;
	s20 =	simm.s32 $0x380;
	s22 =	simm.s32 $0x340;
	v9 =	vld [tilespmem:s30+$0xFFFFFFF0];
	(xrf0) =	vadd.scan.msk.s32 $0xffff, v8  }
0x46b: {  	p0 =	por $0x1, $0x1;
	s23 =	simm.s32 $0x300;
	v8 =	vld [tilespmem:s30+$0x0];
	s17 =	sadd.s32 s18, s17  }
0x46c: {  	s28 =	simm.s32 $0x182B0;
	s16 =	ssub.s32 s16, s17;
	s19 =	sadd.s32 $0x0, s31  }
0x46d: {  	s29 =	simm.s32 $0x240;
	s26 =	simm.s32 $0x0;
	p1 =	sge.s32 s19, s16  }
0x46e: {  	s25 =	simm.s32 $0x280;
	s24 =	simm.s32 $0x2C0;
	v7 =	vadd.s32 v7, v6;
	p0 =	por !p0, !p1  }
0x46f: {  	v6 =	vld [tilespmem:s28+$0xFFFFFFD0];
	s18 =	simm.s32 $0x0;
	s17 =	simm.s32 $0x0;
	v9 =	vadd.s32 v9, v7;
	p0 =	por !p0, !p0  }
0x470: {  	v7 =	vld [tilespmem:s28+$0xFFFFFFE0];
	v9 =	vadd.s32 v8, v9;
	v8, _, _ =	vpop (xrf0);
	s18 =	smov.u32 @p0 s21;
	s26 =	simm.s32 @p0 $0x1;
	s21 =	simm.s32 $0x0  }
.LBB2_43:
0x471: {  	p1 =	sne.s32 s29, $0x0;
	v10 =	vld [tilespmem:s28+$0xFFFFFFF0];
	(xrf0) =	vadd.scan.msk.s32 $0xffff, v9;
	(v2sf) =	vpush v8, $0xF;
	s17 =	smov.u32 @p0 s21;
	s21 =	smov.u32 s19  }
0x472: {  	s30 =	smov.u32 s20;
	s20 =	smov.u32 s22;
	v8 =	vld [tilespmem:s28+$0x0];
	s0 =	spop (v2sf)  }
.Ltmp23:
0x473: {  	s22 =	smov.u32 s23;
	s19 =	sadd.s32 s19, s0;
	(pc) =	sbr.rel @p1 .LBB2_43-.Ltmp23, $4  }
0x474: {  	p0 =	seq.s32 s26, $0x0;
	s23 =	smov.u32 s24;
	p2 =	sge.s32 s19, s16  }
0x475: {  	s24 =	smov.u32 s25;
	s28 =	sadd.s32 $0xFFFFFFC0, s28;
	v7 =	vadd.s32 v6, v7;
	p0 =	por !p0, !p2  }
0x476: {  	s25 =	smov.u32 s29;
	v6 =	vld [tilespmem:s28+$0xFFFFFFD0];
	v9 =	vadd.s32 v10, v7;
	p0 =	por !p0, !p0  }
0x477: {  	s29 =	sadd.s32 $0xFFFFFFC0, s29;
	v7 =	vld [tilespmem:s28+$0xFFFFFFE0];
	v9 =	vadd.s32 v8, v9;
	v8, _, _ =	vpop (xrf0);
	s18 =	smov.u32 @p0 s30;
	s26 =	simm.s32 @p0 $0x1  }
0x478: {  	v10 =	vld [tilespmem:s28+$0xFFFFFFF0]  }
0x479: {  	v11 =	vld [tilespmem:s28+$0x0];
	_ =	sdelay $0x1  }
0x47a: {  	(xrf0) =	vadd.scan.msk.s32 $0xffff, v9  }
0x47b: {  	v6 =	vadd.s32 v6, v7  }
0x47c: {  	v6 =	vadd.s32 v10, v6  }
0x47d: {  	(v2sf) =	vpush v8, $0xF;
	v6 =	vadd.s32 v11, v6  }
0x47e: {  	(xrf0) =	vadd.scan.msk.s32 $0xffff, v6;
	_ =	sdelay $0x1  }
0x47f: {  	v6, _, _ =	vpop (xrf0)  }
0x480: {  	(v2sf) =	vpush v6, $0xF;
	_ =	sdelay $0x2  }
0x481: {  	s0 =	spop (v2sf);
	v6, _, _ =	vpop (xrf0)  }
0x482: {  	s0 =	sadd.s32 s19, s0;
	(v2sf) =	vpush v6, $0xF  }
0x483: {  	p1 =	seq.s32 s26, $0x0;
	p2 =	sge.s32 s0, s16  }
0x484: {  	p1 =	por !p1, !p2  }
0x485: {  	p1 =	por !p1, !p1;
	s30 =	spop (v2sf)  }
0x486: {  	s26 =	simm.s32 @p1 $0x1;
	s28 =	sadd.s32 s0, s30  }
0x487: {  	p4 =	seq.s32 s26, $0x0;
	p3 =	sge.s32 s28, s16  }
0x488: {  	p2 =	por !p4, !p3  }
0x489: {  	p2 =	por !p2, !p2;
	s29 =	spop (v2sf)  }
0x48a: {  	s26 =	simm.s32 @p2 $0x1;
	s29 =	sadd.s32 s28, s29  }
0x48b: {  	p5 =	seq.s32 s26, $0x0;
	p4 =	sge.s32 s29, s16  }
0x48c: {  	p3 =	por !p5, !p4  }
0x48d: {  	p3 =	por !p3, !p3;
	s30 =	spop (v2sf)  }
0x48e: {  	s26 =	simm.s32 @p3 $0x1;
	s30 =	sadd.s32 s29, s30  }
0x48f: {  	p6 =	seq.s32 s26, $0x0;
	p5 =	sge.s32 s30, s16  }
0x490: {  	p4 =	por !p6, !p5  }
0x491: {  	p4 =	por !p4, !p4;
	s31 =	spop (v2sf)  }
0x492: {  	s18 =	smov.u32 @p1 s20;
	s26 =	simm.s32 @p4 $0x1;
	s31 =	sadd.s32 s30, s31  }
0x493: {  	s18 =	smov.u32 @p2 s22;
	p5 =	seq.s32 s26, $0x0;
	p6 =	sge.s32 s31, s16  }
0x494: {  	s18 =	smov.u32 @p3 s23;
	p5 =	por !p5, !p6  }
0x495: {  	s18 =	smov.u32 @p4 s24;
	p5 =	por !p5, !p5  }
0x496: {  	s18 =	smov.u32 @p5 s25  }
0x497: {  	v6 =	vld [tilespmem:s18+$0x18030];
	_ =	sdelay $0x2  }
0x498: {  	v7 =	vld [tilespmem:s18+$0x18020];
	_ =	sdelay $0x1  }
0x499: {  	(xrf0) =	vadd.scan.msk.s32 $0xffff, v6;
	_ =	sdelay $0x1  }
0x49a: {  	v6 =	vld [tilespmem:s18+$0x18010]  }
0x49b: {  	(xrf0) =	vadd.scan.msk.s32 $0xffff, v7;
	_ =	sdelay $0x2  }
0x49c: {  	v7, _, _ =	vpop (xrf0)  }
0x49d: {  	(xrf0) =	vadd.scan.msk.s32 $0xffff, v6;
	v6 =	vld [tilespmem:s18+$0x18000];
	(v2sf) =	vpush v7, $0xF;
	_ =	sdelay $0x1  }
0x49e: {  	v7, _, _ =	vpop (xrf0)  }
0x49f: {  	(v2sf) =	vpush v7, $0xF;
	_ =	sdelay $0x1  }
0x4a0: {  	(xrf0) =	vadd.scan.msk.s32 $0xffff, v6  }
0x4a1: {  	v6, _, _ =	vpop (xrf0)  }
0x4a2: {  	(v2sf) =	vpush v6, $0xF;
	_ =	sdelay $0x2  }
0x4a3: {  	s17 =	smov.u32 @p0 s21  }
0x4a4: {  	s17 =	smov.u32 @p1 s19;
	v6, _, _ =	vpop (xrf0)  }
0x4a5: {  	s17 =	smov.u32 @p2 s0;
	(v2sf) =	vpush v6, $0xF  }
0x4a6: {  	s17 =	smov.u32 @p3 s28  }
0x4a7: {  	s17 =	smov.u32 @p4 s29  }
0x4a8: {  	s17 =	smov.u32 @p5 s30;
	s22 =	spop (v2sf)  }
0x4a9: {  	s0 =	sadd.s32 s17, s22  }
0x4aa: {  	p0 =	sge.s32 s0, s16;
	s19 =	smov.u32 s0  }
0x4ab: {  	s23 =	spop (v2sf);
	s19 =	smov.u32 @p0 s17  }
0x4ac: {  	s19 =	sadd.s32 s23, s19  }
0x4ad: {  	p3 =	sge.s32 s19, s16  }
0x4ae: {  	s19 =	smov.u32 @p3 s0  }
0x4af: {  	s24 =	spop (v2sf);
	s19 =	smov.u32 @p0 s17  }
0x4b0: {  	p2 =	por p0, p3;
	s0 =	sadd.s32 s24, s19  }
0x4b1: {  	p5 =	por !p2, !p2;
	p4 =	slt.s32 s0, s16  }
0x4b2: {  	p1 =	por !p4, !p5  }
0x4b3: {  	p1 =	por !p1, !p1  }
0x4b4: {  	s17 =	sadd.s32 $0x20, s18;
	s25 =	spop (v2sf);
	s19 =	smov.u32 @p1 s0  }
0x4b5: {  	s20 =	sadd.s32 $0x30, s18;
	s17 =	simm.s32 @!p3 $0x0;
	s0 =	sadd.s32 s25, s19  }
0x4b6: {  	s17 =	smov.u32 @p0 s20;
	s20 =	sadd.s32 $0x10, s18;
	p6 =	sge.s32 s0, s16  }
0x4b7: {  	s20 =	smov.u32 @p4 s17;
	p0 =	por !p1, !p6  }
0x4b8: {  	s20 =	smov.u32 @p2 s17;
	p0 =	por !p0, !p0  }
0x4b9: {  	s20 =	smov.u32 @p0 s18  }
0x4ba: {  	v6 =	vld [tilespmem:s20+$0x18000];
	_ =	sdelay $0x4  }
0x4bb: {  	v6 =	vperm.xlane v6, v3;
	_ =	sdelay $0x1  }
0x4bc: {  	(xrf0) =	vadd.scan.msk.s32 $0xffff, v6;
	_ =	sdelay $0x3  }
0x4bd: {  	p2 =	por !p0, !p0  }
0x4be: {  	p2 =	por @!p1 p0, p0  }
0x4bf: {  	s19 =	smov.u32 @p2 s0;
	v7, _, _ =	vpop (xrf0)  }
0x4c0: {  	v7 =	vadd.s32 s19, v7  }
0x4c1: {  	vm0 =	vge.s32 v7, s16  }
0x4c2: {  	v7 =	vsel vm0, $0x1, v1  }
0x4c3: {  	(xrf0) =	vadd.scan.msk.s32 $0xffff, v7;
	_ =	sdelay $0x5  }
0x4c4: {  	v7, _, _ =	vpop (xrf0)  }
0x4c5: {  	(v2sf) =	vpush v7, $0xF;
	_ =	sdelay $0xe  }
0x4c6: {  	s26 =	spop (v2sf)  }
0x4c7: {  	s28 =	ssub.s32 $0x10, s26  }
0x4c8: {  	v7 =	vsel vm0, $0x0, v6;
	v8 =	vmov s28  }
0x4c9: {  	(xrf0) =	vadd.scan.msk.s32 $0xffff, v7;
	vm15 =	veq.s32 v8, v0  }
0x4ca: {  	v6 =	vnsel vm15, $0x0, v6  }
0x4cb: {  	(xrf0) =	vadd.scan.msk.s32 $0xffff, v6;
	_ =	sdelay $0x3  }
0x4cc: {  	v6, _, _ =	vpop (xrf0)  }
0x4cd: {  	(v2sf) =	vpush v6, $0xF  }
0x4ce: {  	v6, _, _ =	vpop (xrf0)  }
0x4cf: {  	(v2sf) =	vpush v6, $0xF;
	_ =	sdelay $0xc  }
0x4d0: {  	s29 =	spop (v2sf)  }
0x4d1: {  	s17 =	sadd.s32 s29, s19  }
0x4d2: {  	s31 =	sshll.u32 s15, $0xA;
	s15 =	ssub.s32 s16, s17;
	s30 =	spop (v2sf)  }
0x4d3: {  	p0 =	seq.s32 s30, s15  }
.Ltmp24:
0x4d4: {  	_ = 	snop;
	(pc) =	sbr.rel @!p0 .LBB2_48-.Ltmp24, $4  }
0x4d5: {  	s0 =	sadd.s32 s26, s20  }
0x4d6: {  	s0 =	sadd.s32 $0xFFFFFFFF, s0  }
0x4d7: {  	s0 =	sor.u32 s31, s0  }
0x4d8: {  	v6 =	vmov s0  }
0x4d9: {  	s17 =	simm.s32 $0x10040  }
0x4da: {  	v8 =	vld [tilespmem:s17+$0x30]  }
0x4db: {  	v11 =	vld [tilespmem:s17+$0xFFFFFFD0]  }
0x4dc: {  	v13 =	vld [tilespmem:s17+$0xFFFFFFE0]  }
0x4dd: {  	v10 =	vld [tilespmem:s17+$0xFFFFFFF0]  }
0x4de: {  	v9 =	vld [tilespmem:s17+$0x0]  }
0x4df: {  	v7 =	vld [tilespmem:s17+$0x10];
	vm0 =	vlt.s32 v8, v6  }
0x4e0: {  	s15 =	simm.s32 $0x8040;
	vm1 =	vlt.s32 v11, v6;
	v8 =	vld [tilespmem:s17+$0x20];
	v14 =	vsel vm0, $0x0, v4  }
0x4e1: {  	s16 =	simm.s32 $0x0;
	v11 =	vld [tilespmem:s17+$0xFFFFFFC0];
	s17 =	simm.s32 $0x100C0;
	v12 =	vsel vm1, $0x0, v4;
	vm0 =	vlt.s32 v13, v6;
	[tilespmem:s15+$0x30] =	vst v14  }
.LBB2_46:
0x4e2: {  	v13 =	vld [tilespmem:s17+$0x30];
	s16 =	sadd.s32 $0x80, s16;
	[tilespmem:s15+$0xFFFFFFD0] =	vst v12;
	v12 =	vsel vm0, $0x0, v4;
	vm0 =	vlt.s32 v10, v6  }
0x4e3: {  	v14 =	vld [tilespmem:s17+$0xFFFFFFD0];
	p0 =	slt.u32 s16, $0x7F80;
	[tilespmem:s15+$0xFFFFFFE0] =	vst v12;
	v10 =	vsel vm0, $0x0, v4;
	vm0 =	vlt.s32 v9, v6  }
0x4e4: {  	v15 =	vld [tilespmem:s17+$0xFFFFFFE0];
	[tilespmem:s15+$0xFFFFFFF0] =	vst v10;
	v9 =	vsel vm0, $0x0, v4;
	vm0 =	vlt.s32 v7, v6  }
.Ltmp25:
0x4e5: {  	v10 =	vld [tilespmem:s17+$0xFFFFFFF0];
	[tilespmem:s15+$0x0] =	vst v9;
	v7 =	vsel vm0, $0x0, v4;
	vm0 =	vlt.s32 v8, v6;
	(pc) =	sbr.rel @p0 .LBB2_46-.Ltmp25, $4  }
0x4e6: {  	v9 =	vld [tilespmem:s17+$0x0];
	vm1 =	vlt.s32 v11, v6;
	[tilespmem:s15+$0x10] =	vst v7;
	v8 =	vsel vm0, $0x0, v4  }
0x4e7: {  	v7 =	vld [tilespmem:s17+$0x10];
	vm0 =	vlt.s32 v13, v6;
	v11 =	vsel vm1, $0x0, v4;
	[tilespmem:s15+$0x20] =	vst v8  }
0x4e8: {  	vm1 =	vlt.s32 v14, v6;
	v8 =	vld [tilespmem:s17+$0x20];
	v13 =	vsel vm0, $0x0, v4;
	[tilespmem:s15+$0xFFFFFFC0] =	vst v11;
	s15 =	sadd.s32 $0x80, s15  }
0x4e9: {  	v11 =	vld [tilespmem:s17+$0xFFFFFFC0];
	v12 =	vsel vm1, $0x0, v4;
	vm0 =	vlt.s32 v15, v6;
	[tilespmem:s15+$0x30] =	vst v13;
	s17 =	sadd.s32 $0x80, s17  }
0x4ea: {  	[tilespmem:s15+$0xFFFFFFD0] =	vst v12;
	v63 =	vsel vm0, $0x0, v4;
	vm12 =	vlt.s32 v10, v6  }
0x4eb: {  	[tilespmem:s15+$0xFFFFFFE0] =	vst v63;
	v10 =	vsel vm12, $0x0, v4;
	vm13 =	vlt.s32 v9, v6  }
.Ltmp26:
0x4ec: {  	[tilespmem:s15+$0xFFFFFFF0] =	vst v10;
	v9 =	vsel vm13, $0x0, v4;
	vm14 =	vlt.s32 v7, v6;
	(pc) =	sbr.rel .LBB2_51-.Ltmp26, $4  }
0x4ed: {  	[tilespmem:s15+$0x0] =	vst v9;
	v7 =	vsel vm14, $0x0, v4;
	vm15 =	vlt.s32 v8, v6  }
0x4ee: {  	vm1 =	vlt.s32 v11, v6;
	[tilespmem:s15+$0x10] =	vst v7;
	v6 =	vsel vm15, $0x0, v4  }
0x4ef: {  	v7 =	vsel vm1, $0x0, v4;
	[tilespmem:s15+$0x20] =	vst v6  }
0x4f0: {  	[tilespmem:s15+$0xFFFFFFC0] =	vst v7  }
.LBB2_48:
0x4f1: {  	s17 =	simm.s32 $0x0  }
0x4f2: {  	v8 =	vld [tilespmem:s17+$0x10000];
	_ =	sdelay $0x2  }
0x4f3: {  	v7 =	vmov s15;
	s15 =	simm.s32 $0x10  }
0x4f4: {  	v9 =	vld [tilespmem:s15+$0x10000]  }
0x4f5: {  	vm0 =	veq.s32 v8, v6  }
0x4f6: {  	v10 =	vsel vm0, $0x1, v1  }
0x4f7: {  	(xrf0) =	vadd.scan.msk.s32 $0xffff, v10  }
0x4f8: {  	s18 =	simm.s32 $0x20  }
0x4f9: {  	v11 =	vld [tilespmem:s18+$0x10000];
	vm1 =	veq.s32 v9, v6  }
0x4fa: {  	v10 =	vsel vm1, $0x1, v1;
	_ =	sdelay $0x2  }
0x4fb: {  	(xrf0) =	vadd.scan.msk.s32 $0xffff, v10;
	v10, _, _ =	vpop (xrf0)  }
0x4fc: {  	vm3 =	veq.s32 v11, v6;
	(v2sf) =	vpush v10, $0xF  }
0x4fd: {  	vm4 =	vgt.s32 v9, v6;
	v9 =	vsel vm3, $0x1, v1  }
0x4fe: {  	s16 =	simm.s32 $0x30;
	(xrf0) =	vadd.scan.msk.s32 $0xffff, v9  }
0x4ff: {  	vm2 =	vgt.s32 v8, v6;
	v8 =	vld [tilespmem:s16+$0x10000];
	_ =	sdelay $0x1  }
0x500: {  	vm5 =	vgt.s32 v11, v6;
	vm2 =	vmmov vm2;
	vm0 =	vmmov vm0  }
0x501: {  	vm4 =	vmmov vm4;
	vm6 =	vmmov vm5;
	vm1 =	vmmov vm1  }
0x502: {  	vm2 =	vmmov vm2;
	vm0 =	vmmov vm0;
	vm9 =	vmmov vm1;
	v9, _, _ =	vpop (xrf0)  }
0x503: {  	s20 =	simm.s32 $0x0;
	vm1 =	veq.s32 v8, v6;
	vm8 =	vgt.s32 v8, v6;
	(v2sf) =	vpush v9, $0xF;
	v8, _, _ =	vpop (xrf0)  }
0x504: {  	s19 =	simm.s32 $0x40;
	vm7 =	vmmov vm0;
	v10 =	vadd.s32 s20, v10;
	(v2sf) =	vpush v8, $0xF  }
0x505: {  	vm0 =	vmmov vm6;
	v11 =	vsel vm1, $0x1, v1;
	vm6 =	vle.s32 v10, v7;
	v10 =	vld [tilespmem:s19+$0x10000]  }
0x506: {  	vm3 =	vmmov vm3;
	vm4 =	vmmov vm4;
	vm2 =	vmmov vm2;
	(xrf0) =	vadd.scan.msk.s32 $0xffff, v11  }
0x507: {  	vm3 =	vmmov vm3;
	vm5 =	vmmov vm4;
	vm2 =	vmmov vm2  }
0x508: {  	s21 =	simm.s32 $0x140;
	vm4 =	vmmov vm8;
	vm8 =	vmand vm7, vm6;
	vm6 =	vmmov vm9  }
.LBB2_49:
0x509: {  	s0 =	sshra.s32 s21, $0x2;
	vm8 =	vmor vm2, vm8;
	vm7 =	vmmov vm1;
	vm2 =	vmmov vm5;
	p0 =	sne.s32 s21, $0x1FFC0  }
.Ltmp27:
0x50a: {  	s21 =	sadd.s32 $0x40, s21;
	vm1 =	veq.s32 v10, v6;
	vm9 =	vgt.s32 v10, v6;
	v11 =	vsel vm8, $0x3F800000, v5;
	s22 =	spop (v2sf);
	(pc) =	sbr.rel @p0 .LBB2_49-.Ltmp27, $4  }
0x50b: {  	vm5 =	vmmov vm0;
	vm0 =	vmmov vm4;
	v12 =	vsel vm1, $0x1, v1;
	v10 =	vld [tilespmem:s0+$0x10000];
	[tilespmem:s17+$0x8000] =	vst v11;
	s20 =	sadd.s32 s20, s22;
	s17 =	smov.u32 s15;
	s15 =	smov.u32 s18  }
0x50c: {  	vm4 =	vmmov vm9;
	s18 =	smov.u32 s16;
	s16 =	smov.u32 s19;
	s19 =	smov.u32 s0;
	(xrf0) =	vadd.scan.msk.s32 $0xffff, v12;
	v11 =	vadd.s32 s20, v9;
	v9 =	vmov v8;
	v8, _, _ =	vpop (xrf0)  }
0x50d: {  	(v2sf) =	vpush v8, $0xF;
	vm8 =	vle.s32 v11, v7  }
0x50e: {  	vm8 =	vmand vm6, vm8;
	vm6 =	vmmov vm3;
	vm3 =	vmmov vm7  }
.Ltmp28:
0x50f: {  	_ = 	snop;
	(pc) =	sbr.rel .LBB2_50-.Ltmp28, $1  }
0x510: {  	_ =	sdelay $0x3  }
.LBB2_52:
0x511: {  	_ =	sfence.sel $0x180000  }
0x512: {  	[bflag:$0x0] =	sbarrier.arrive $0xFFFF  }
0x513: {  	_ =	strace $0x90000047  }
0x514: {  	[bflag:$0x2] =	sbarrier.arrive $0xFFFF  }
0x515: {  	p0 =	sne.s32 s1, $0x0;
	s0 =	rddreg [dreg:$0x2]  }
0x516: {  	s0 =	sadd.s32 @!p0 $0x100000, s0  }
0x517: {  	[sflag:s0] =	ssyncadd.tile.s32 @!p0 $0x1;
	_ =	shalt  }
.Lfunc_end2:
_tile_overlayer_lowered:
.L_overlay_start_2:
0x518: {  	(tag) =	ssettag $0x2  }
0x519: {  	s0 =	rddreg [dreg:$0x0];
	s2 =	stileid.u32  }
0x51a: {  	s1 =	rddreg [dreg:$0x1];
	p0 =	sne.s32 s2, $0x0  }
0x51b: {  	s3 =	rddreg [dreg:$0x2];
	[bflag:$0x3] =	sbarrier.arrive $0xFFFF;
	s2 =	simm.s32 @!p0 $0x1C03  }
0x51c: {  	[timem:s3], [sflag:s2] =	dma.local @!p0 [hbm:s0], s1  }
0x51d: {  	s0 =	simm.s32 @!p0 $0x3  }
0x51e: {  	_ =	swait.ge @!p0 [sflag:s0], s1  }
0x51f: {  	s1 =	ssub.s32 @!p0 $0x0, s1;
	[sflag:s0] =	ssyncset.done @!p0 $0x0  }
0x520: {  	[sflag:s0] =	ssyncadd.s32 @!p0 s1  }
0x521: {  	[bflag:$0x3] =	sbarrier.arrive $0xFFFF  }
0x522: {  	_ =	shalt  }

</sc_bundles>
